<compile_context>
chip_gen: v7x
topology: tpu7x:2x2x1
jax: 0.10.2.dev20260603
libtpu: 0.0.44.dev20260713+nightly
codegen_flags: <defaults>
</compile_context>

<pallas_src>
import functools

import jax
import jax.numpy as jnp
from jax import lax
from jax.experimental import pallas as pl
from jax.experimental.pallas import tpu as pltpu
from jax.experimental.pallas import tpu_sc as plsc

N = 10000
D = 256
H = 128
BR = 1000

NC = 2
NS = 16
E = 160000
CHUNK = 96
CPT = 105
E_PAD = NS * CPT * CHUNK
NROW = 10112
RPT = NROW // NS


def _k1_body(invc_ref, s0_ref, s1_ref, x0_ref, x1_ref, Wl_ref, Wr_ref,
             bl_ref, h_ref, st_ref):
    i = pl.program_id(0)
    invc = invc_ref[...]
    m0 = s0_ref[...] * invc
    m1 = s1_ref[...] * invc
    h = (jnp.dot(m0, Wl_ref[:H, :], preferred_element_type=jnp.float32)
         + jnp.dot(m1, Wl_ref[H:, :], preferred_element_type=jnp.float32)
         + jnp.dot(x0_ref[...], Wr_ref[:H, :], preferred_element_type=jnp.float32)
         + jnp.dot(x1_ref[...], Wr_ref[H:, :], preferred_element_type=jnp.float32)
         + bl_ref[...])
    h_ref[...] = h
    colsum = jnp.sum(h, axis=0, keepdims=True)
    colsq = jnp.sum(h * h, axis=0, keepdims=True)
    st = jnp.concatenate([colsum, colsq, jnp.zeros((6, D), h.dtype)], axis=0)

    @pl.when(i == 0)
    def _():
        st_ref[...] = st

    @pl.when(i > 0)
    def _():
        st_ref[...] += st


def _k1(invc, s0, s1, x0, x1, Wl, Wr, bl):
    grid = (N // BR,)
    return pl.pallas_call(
        _k1_body,
        grid=grid,
        in_specs=[
            pl.BlockSpec((BR, 1), lambda i: (i, 0)),
            pl.BlockSpec((BR, H), lambda i: (i, 0)),
            pl.BlockSpec((BR, H), lambda i: (i, 0)),
            pl.BlockSpec((BR, H), lambda i: (i, 0)),
            pl.BlockSpec((BR, H), lambda i: (i, 0)),
            pl.BlockSpec((D, D), lambda i: (0, 0)),
            pl.BlockSpec((D, D), lambda i: (0, 0)),
            pl.BlockSpec((1, D), lambda i: (0, 0)),
        ],
        out_specs=[
            pl.BlockSpec((BR, D), lambda i: (i, 0)),
            pl.BlockSpec((8, D), lambda i: (0, 0)),
        ],
        out_shape=[
            jax.ShapeDtypeStruct((N, D), jnp.float32),
            jax.ShapeDtypeStruct((8, D), jnp.float32),
        ],
    )(invc, s0, s1, x0, x1, Wl, Wr, bl)


def _k2_body(h_ref, a_ref, c_ref, y0_ref, y1_ref):
    y = jnp.maximum(h_ref[...] * a_ref[...] + c_ref[...], 0.0)
    y0_ref[...] = y[:, :H]
    y1_ref[...] = y[:, H:]


def _k2(h, a, c):
    grid = (N // BR,)
    return pl.pallas_call(
        _k2_body,
        grid=grid,
        in_specs=[
            pl.BlockSpec((BR, D), lambda i: (i, 0)),
            pl.BlockSpec((1, D), lambda i: (0, 0)),
            pl.BlockSpec((1, D), lambda i: (0, 0)),
        ],
        out_specs=[
            pl.BlockSpec((BR, H), lambda i: (i, 0)),
            pl.BlockSpec((BR, H), lambda i: (i, 0)),
        ],
        out_shape=[
            jax.ShapeDtypeStruct((N, H), jnp.float32),
            jax.ShapeDtypeStruct((N, H), jnp.float32),
        ],
    )(h, a, c)


def _make_agg(with_counts):
    out_type = [
        jax.ShapeDtypeStruct((N, H), jnp.float32),
        jax.ShapeDtypeStruct((N, H), jnp.float32),
    ]
    scratch = [
        pltpu.VMEM_SHARED((NROW, H), jnp.float32),
        pltpu.VMEM((CPT * CHUNK,), jnp.int32),
        pltpu.VMEM((CPT, 1, CHUNK), jnp.int32),
        pltpu.VMEM((2 * CHUNK, H), jnp.float32),
        pltpu.SemaphoreType.DMA,
        pltpu.SemaphoreType.DMA,
    ]
    if with_counts:
        out_type += [
            jax.ShapeDtypeStruct((N,), jnp.float32),
            jax.ShapeDtypeStruct((N,), jnp.float32),
        ]
        scratch += [
            pltpu.VMEM_SHARED((NROW,), jnp.float32),
            pltpu.VMEM((640,), jnp.float32),
            pltpu.VMEM((CHUNK,), jnp.float32),
        ]

    mesh = plsc.VectorSubcoreMesh(core_axis_name="c", subcore_axis_name="s",
                                  num_cores=NC, num_subcores=NS)

    def body(y0_hbm, y1_hbm, src_hbm, dst_hbm, *refs):
        if with_counts:
            (s0_hbm, s1_hbm, c0_hbm, c1_hbm, acc, src_all, dst_all, rows,
             sem, sem_s, cnt_acc, zcnt, ones_v) = refs
        else:
            (s0_hbm, s1_hbm, acc, src_all, dst_all, rows, sem,
             sem_s) = refs
        cid = lax.axis_index("c")
        tid = lax.axis_index("s")

        def zfill(i, c):
            rows[i // 8, pl.ds((i % 8) * 16, 16)] = jnp.zeros((16,),
                                                              jnp.float32)
            return c
        lax.fori_loop(0, CHUNK * 8, zfill, 0)
        r0 = tid * RPT
        nz = RPT // CHUNK
        for k in range(nz):
            pltpu.sync_copy(rows.at[pl.ds(0, CHUNK)],
                            acc.at[pl.ds(r0 + k * CHUNK, CHUNK)])
        ztail = RPT - nz * CHUNK
        if ztail:
            pltpu.sync_copy(rows.at[pl.ds(0, ztail)],
                            acc.at[pl.ds(r0 + nz * CHUNK, ztail)])
        if with_counts:
            def czfill(i, c):
                zcnt[pl.ds(i * 16, 16)] = jnp.zeros((16,), jnp.float32)
                return c
            lax.fori_loop(0, 640 // 16, czfill, 0)
            for i in range(CHUNK // 16):
                ones_v[pl.ds(i * 16, 16)] = jnp.ones((16,), jnp.float32)
            pltpu.sync_copy(zcnt.at[pl.ds(0, RPT)],
                            cnt_acc.at[pl.ds(r0, RPT)])
        plsc.subcore_barrier()

        e_base = tid * (CPT * CHUNK)
        cnt_sel = (tid < NS // 2) == (cid == 0)

        pltpu.sync_copy(src_hbm.at[pl.ds(e_base, CPT * CHUNK)], src_all)
        pltpu.sync_copy(dst_hbm.at[pl.ds(tid * CPT, CPT)], dst_all)

        def run(y_hbm):
            def src_idx(i):
                return src_all.at[pl.ds(i * CHUNK, CHUNK)]

            def buf(i):
                return rows.at[pl.ds((i % 2) * CHUNK, CHUNK)]

            def g_start(i):
                pltpu.async_copy(y_hbm.at[src_idx(i)], buf(i), sem)

            def g_wait(i):
                pltpu.make_async_copy(y_hbm.at[src_idx(i)], buf(i),
                                      sem).wait()

            g_start(0)

            def chunk(i, c):
                g_wait(i)

                @pl.when(i + 1 < CPT)
                def _():
                    g_start(jnp.minimum(i + 1, CPT - 1))

                pltpu.sync_copy(buf(i), acc.at[dst_all.at[i, 0]], add=True)
                if with_counts:
                    @pl.when(cnt_sel)
                    def _():
                        pltpu.sync_copy(ones_v, cnt_acc.at[dst_all.at[i, 0]],
                                        add=True)
                return c
            lax.fori_loop(0, CPT, chunk, 0)

        @pl.when(cid == 0)
        def _():
            run(y0_hbm)

        @pl.when(cid == 1)
        def _():
            run(y1_hbm)

        plsc.subcore_barrier()

        def copy_out(dst2d, dst1d):
            @pl.when(tid < NS - 1)
            def _():
                pltpu.sync_copy(acc.at[pl.ds(r0, RPT)],
                                dst2d.at[pl.ds(r0, RPT)])
                if with_counts and dst1d is not None:
                    pltpu.sync_copy(cnt_acc.at[pl.ds(r0, RPT)],
                                    zcnt.at[pl.ds(0, RPT)])
                    pltpu.sync_copy(zcnt.at[pl.ds(0, RPT)],
                                    dst1d.at[pl.ds(r0, RPT)])

            @pl.when(tid == NS - 1)
            def _():
                last = (NS - 1) * RPT
                tail = N - last
                pltpu.sync_copy(acc.at[pl.ds(last, tail)],
                                dst2d.at[pl.ds(last, tail)])
                if with_counts and dst1d is not None:
                    pltpu.sync_copy(cnt_acc.at[pl.ds(last, tail)],
                                    zcnt.at[pl.ds(0, tail)])
                    pltpu.sync_copy(zcnt.at[pl.ds(0, tail)],
                                    dst1d.at[pl.ds(last, tail)])

        @pl.when(cid == 0)
        def _():
            copy_out(s0_hbm, c0_hbm if with_counts else None)

        @pl.when(cid == 1)
        def _():
            copy_out(s1_hbm, c1_hbm if with_counts else None)

    return pl.kernel(body, out_type=out_type, mesh=mesh,
                     scratch_types=scratch)


_agg_cnt = _make_agg(True)
_agg = _make_agg(False)


def kernel(x, edge_index, Wl0, bl0, Wr0, Wl1, bl1, Wr1, Wl2, bl2, Wr2,
           g0, b0, g1, b1):
    src = edge_index[0]
    dst = edge_index[1]
    pad = E_PAD - E
    srcp = jnp.concatenate([src, jnp.zeros((pad,), jnp.int32)])
    dstp = jnp.concatenate([dst, jnp.full((pad,), N, jnp.int32)]
                           ).reshape(E_PAD // CHUNK, 1, CHUNK)

    x0, x1 = x[:, :H], x[:, H:]

    s0, s1, c0, c1 = _agg_cnt(x0, x1, srcp, dstp)
    invc = (1.0 / jnp.maximum(c0 + c1, 1.0)).reshape(N, 1)

    def layer(y0, y1, Wl, bl, Wr, g, b, last, sums=None):
        s0, s1 = sums if sums is not None else _agg(y0, y1, srcp, dstp)
        h, st = _k1(invc, s0, s1, y0, y1, Wl, Wr, bl.reshape(1, D))
        if last:
            return h
        mu = st[0] / N
        var = st[1] / N - mu * mu
        rstd = jax.lax.rsqrt(var + 1e-5)
        a = (rstd * g).reshape(1, D)
        c = (b - mu * rstd * g).reshape(1, D)
        return _k2(h, a, c)

    y0, y1 = layer(x0, x1, Wl0, bl0, Wr0, g0, b0, last=False, sums=(s0, s1))
    y0, y1 = layer(y0, y1, Wl1, bl1, Wr1, g1, b1, last=False)
    return layer(y0, y1, Wl2, bl2, Wr2, None, None, last=True)

# --- scband reference (transcript-rebuilt; emitter-appended) ---
"""Pipeline reference for scband-graph-sage-84507776516705 (READ-ONLY COPY).

The authoritative reference and input builder live on the scoring server;
editing this copy changes nothing except your own understanding.
"""

import jax, jax.numpy as jnp
import numpy as np

N = 10000
E = 160000
D = 256

def setup_inputs(seed: int = 0):
    key = jax.random.key(seed)
    ks = jax.random.split(key, 16)
    inp = {}
    inp["x"] = jax.random.normal(ks[0], (N, D), dtype=jnp.float32)
    inp["edge_index"] = jax.random.randint(ks[1], (2, E), 0, N, dtype=jnp.int32)
    def lin(k, fi, fo):
        return jax.random.normal(k, (fi, fo), dtype=jnp.float32) * (1.0 / np.sqrt(fi))
    for i in range(3):
        inp["Wl%d" % i] = lin(ks[2 + 3 * i], D, D)
        inp["bl%d" % i] = jnp.zeros((D,), dtype=jnp.float32)
        inp["Wr%d" % i] = lin(ks[3 + 3 * i], D, D)
    for i in range(2):
        inp["g%d" % i] = jnp.ones((D,), dtype=jnp.float32)
        inp["b%d" % i] = jnp.zeros((D,), dtype=jnp.float32)
    return inp

def _sage(x, src, dst, Wl, bl, Wr):
    # PyG SAGEConv with mean aggregation: out = lin_l(mean_{j->i} x_j) + lin_r(x_i)
    msgs = jnp.take(x, src, axis=0)
    sums = jax.ops.segment_sum(msgs, dst, num_segments=N)
    cnt = jax.ops.segment_sum(jnp.ones((src.shape[0], 1), dtype=x.dtype), dst, num_segments=N)
    mean = sums / jnp.maximum(cnt, 1.0)
    return mean @ Wl + bl + x @ Wr

def _bn(x, g, b):
    mu = jnp.mean(x, axis=0)
    var = jnp.var(x, axis=0)
    return (x - mu) / jnp.sqrt(var + 1e-5) * g + b

def reference(x, edge_index, Wl0, bl0, Wr0, Wl1, bl1, Wr1, Wl2, bl2, Wr2, g0, b0, g1, b1):
    src = edge_index[0]
    dst = edge_index[1]
    h = _sage(x, src, dst, Wl0, bl0, Wr0)
    h = jax.nn.relu(_bn(h, g0, b0))
    # dropout: identity (deterministic eval)
    h = _sage(h, src, dst, Wl1, bl1, Wr1)
    h = jax.nn.relu(_bn(h, g1, b1))
    h = _sage(h, src, dst, Wl2, bl2, Wr2)
    return h

if __name__ == "__main__":
    import jax
    _d = setup_inputs()
    print(jax.jit(kernel)(*tuple(_d.values())))

</pallas_src>

<mosaic_0001>
#map = affine_map<(d0, d1) -> (0, 0)>
#map1 = affine_map<(d0, d1) -> (0)>
#map2 = affine_map<(d0, d1) -> (0, 0, 0)>
module attributes {stable_mosaic.version = 14 : i64} {
  func.func @body(%arg0: i32, %arg1: i32, %arg2: memref<10000x128xf32, #tpu.memory_space<hbm>>, %arg3: memref<10000x128xf32, #tpu.memory_space<hbm>>, %arg4: memref<161280xi32, #tpu.memory_space<hbm>>, %arg5: memref<1680x1x96xi32, #tpu.memory_space<hbm>>, %arg6: memref<10000x128xf32, #tpu.memory_space<hbm>>, %arg7: memref<10000x128xf32, #tpu.memory_space<hbm>>, %arg8: memref<10112x128xf32, #tpu.memory_space<vmem_shared>>, %arg9: memref<10080xi32, #tpu.memory_space<vmem>>, %arg10: memref<105x1x96xi32, #tpu.memory_space<vmem>>, %arg11: memref<192x128xf32, #tpu.memory_space<vmem>>, %arg12: memref<!tpu.dma_semaphore, #tpu.memory_space<semaphore_mem>>, %arg13: memref<!tpu.dma_semaphore, #tpu.memory_space<semaphore_mem>>) attributes {dimension_semantics = [#tpu.dimension_semantics<core_parallel>, #tpu.dimension_semantics<subcore_parallel>], iteration_bounds = array<i64: 2, 16>, scalar_prefetch = 0 : i64, scratch_operands = 6 : i64, tpu.core_type = #tpu.core_type<sc_vector_subcore>, window_params = [{transform_indices = #map}, {transform_indices = #map}, {transform_indices = #map1}, {transform_indices = #map2}, {transform_indices = #map}, {transform_indices = #map}]} {
    %scan3A = arith.constant 0 : i32
    %scan3A_0 = arith.constant 0 : i32
    %scan3A_1 = arith.constant 768 : i32
    %scan3A_2 = arith.addi %scan3A_0, %scan3A_1 : i32
    %scan3A_3 = arith.constant 1 : i32
    scf.for %scan3A_47 = %scan3A_0 to %scan3A_2 step %scan3A_3  : i32 {
      %broadcast_in_dim3A = arith.constant 0.000000e+00 : f32
      %broadcast_in_dim3A_48 = vector.broadcast %broadcast_in_dim3A : f32 to vector<16xf32>
      %jit3A = arith.constant 8 : i32
      %div3A = arith.divsi %scan3A_47, %jit3A : i32
      %sign3A = arith.constant 0 : i32
      %sign3A_49 = arith.cmpi sgt, %scan3A_47, %sign3A : i32
      %sign3A_50 = arith.extui %sign3A_49 : i1 to i32
      %sign3A_51 = arith.constant 0 : i32
      %sign3A_52 = arith.cmpi slt, %scan3A_47, %sign3A_51 : i32
      %sign3A_53 = arith.extui %sign3A_52 : i1 to i32
      %sign3A_54 = arith.subi %sign3A_50, %sign3A_53 : i32
      %sign3A_55 = arith.constant 0 : i32
      %sign3A_56 = arith.cmpi sgt, %jit3A, %sign3A_55 : i32
      %sign3A_57 = arith.extui %sign3A_56 : i1 to i32
      %sign3A_58 = arith.constant 0 : i32
      %sign3A_59 = arith.cmpi slt, %jit3A, %sign3A_58 : i32
      %sign3A_60 = arith.extui %sign3A_59 : i1 to i32
      %sign3A_61 = arith.subi %sign3A_57, %sign3A_60 : i32
      %ne3A = arith.cmpi ne, %sign3A_54, %sign3A_61 : i32
      %rem3A = arith.remsi %scan3A_47, %jit3A : i32
      %ne3A_62 = arith.constant 0 : i32
      %ne3A_63 = arith.cmpi ne, %rem3A, %ne3A_62 : i32
      %and3A = arith.andi %ne3A, %ne3A_63 : i1
      %sub3A = arith.constant 1 : i32
      %sub3A_64 = arith.subi %div3A, %sub3A : i32
      %select_n3A = arith.select %and3A, %sub3A_64, %div3A : i32
      %jit3A_65 = arith.constant 8 : i32
      %eq3A_66 = arith.constant 0 : i32
      %eq3A_67 = arith.cmpi eq, %jit3A_65, %eq3A_66 : i32
      %jit3A_68 = arith.constant 1 : i32
      %select_n3A_69 = arith.select %eq3A_67, %jit3A_68, %jit3A_65 : i32
      %rem3A_70 = arith.remsi %scan3A_47, %select_n3A_69 : i32
      %ne3A_71 = arith.constant 0 : i32
      %ne3A_72 = arith.cmpi ne, %rem3A_70, %ne3A_71 : i32
      %lt3A_73 = arith.constant 0 : i32
      %lt3A_74 = arith.cmpi slt, %rem3A_70, %lt3A_73 : i32
      %lt3A_75 = arith.constant 0 : i32
      %lt3A_76 = arith.cmpi slt, %select_n3A_69, %lt3A_75 : i32
      %ne3A_77 = arith.xori %lt3A_74, %lt3A_76 : i1
      %and3A_78 = arith.andi %ne3A_77, %ne3A_72 : i1
      %add3A_79 = arith.addi %rem3A_70, %select_n3A_69 : i32
      %select_n3A_80 = arith.select %and3A_78, %add3A_79, %rem3A_70 : i32
      %mul3A_81 = arith.constant 16 : i32
      %mul3A_82 = arith.muli %select_n3A_80, %mul3A_81 : i32
      %swap3A = arith.index_cast %select_n3A : i32 to index
      %swap3A_83 = arith.index_cast %mul3A_82 : i32 to index
      %swap3A_84 = tpu.vector_load %arg11[%swap3A, %swap3A_83] {strides = array<i32>} : memref<192x128xf32, #tpu.memory_space<vmem>>, vector<1x16xf32>,
      %swap3A_85 = vector.shape_cast %swap3A_84 : vector<1x16xf32> to vector<16xf32>
      %swap3A_86 = vector.shape_cast %broadcast_in_dim3A_48 : vector<16xf32> to vector<1x16xf32>
      tpu.vector_store %arg11[%swap3A, %swap3A_83], %swap3A_86 {strides = array<i32>} : memref<192x128xf32, #tpu.memory_space<vmem>>, vector<1x16xf32>,
    }
    %scan3A_4 = arith.constant 768 : i32
    %mul3A = arith.constant 632 : i32
    %mul3A_5 = arith.muli %arg1, %mul3A : i32
    %add3A = arith.constant 0 : i32
    %add3A_6 = arith.addi %mul3A_5, %add3A : i32
    "tpu.region"() ({
      %run_scoped3A = tpu.sem_alloc : memref<!tpu.dma_semaphore, #tpu.memory_space<semaphore_mem>>
      %dma_start3A = arith.constant 0 : i32
      %dma_start3A_47 = arith.constant 0 : i32
      %dma_start3A_48 = tpu.memref_slice %arg11[%dma_start3A, %dma_start3A_47] : memref<192x128xf32, #tpu.memory_space<vmem>> -> memref<96x128xf32, #tpu.memory_space<vmem>>
      %dma_start3A_49 = arith.constant 0 : i32
      %dma_start3A_50 = tpu.memref_slice %arg8[%add3A_6, %dma_start3A_49] : memref<10112x128xf32, #tpu.memory_space<vmem_shared>> -> memref<96x128xf32, #tpu.memory_space<vmem_shared>>
      %dma_start3A_51 = arith.constant 0 : i32
      %dma_start3A_52 = tpu.memref_slice %arg8[%add3A_6, %dma_start3A_51] : memref<10112x128xf32, #tpu.memory_space<vmem_shared>> -> memref<96x128xf32, #tpu.memory_space<vmem_shared>>
      %dma_start3A_53 = arith.constant 0 : i32
      %dma_start3A_54 = arith.constant 0 : i32
      %dma_start3A_55 = tpu.memref_slice %arg11[%dma_start3A_53, %dma_start3A_54] : memref<192x128xf32, #tpu.memory_space<vmem>> -> memref<96x128xf32, #tpu.memory_space<vmem>>
      tpu.enqueue_dma source(%dma_start3A_55 : memref<96x128xf32, #tpu.memory_space<vmem>>) target(%dma_start3A_52 : memref<96x128xf32, #tpu.memory_space<vmem_shared>>) target_semaphore(%run_scoped3A : memref<!tpu.dma_semaphore, #tpu.memory_space<semaphore_mem>>)
      %dma_wait3A = arith.constant 0 : i32
      %dma_wait3A_56 = arith.constant 0 : i32
      %dma_wait3A_57 = tpu.memref_slice %arg11[%dma_wait3A, %dma_wait3A_56] : memref<192x128xf32, #tpu.memory_space<vmem>> -> memref<96x128xf32, #tpu.memory_space<vmem>>
      %dma_wait3A_58 = arith.constant 0 : i32
      %dma_wait3A_59 = tpu.memref_slice %arg8[%add3A_6, %dma_wait3A_58] : memref<10112x128xf32, #tpu.memory_space<vmem_shared>> -> memref<96x128xf32, #tpu.memory_space<vmem_shared>>
      %dma_wait3A_60 = arith.constant 0 : i32
      %dma_wait3A_61 = tpu.memref_slice %arg8[%add3A_6, %dma_wait3A_60] : memref<10112x128xf32, #tpu.memory_space<vmem_shared>> -> memref<96x128xf32, #tpu.memory_space<vmem_shared>>
      %dma_wait3A_62 = arith.constant 0 : i32
      %dma_wait3A_63 = arith.constant 0 : i32
      %dma_wait3A_64 = tpu.memref_slice %arg11[%dma_wait3A_62, %dma_wait3A_63] : memref<192x128xf32, #tpu.memory_space<vmem>> -> memref<96x128xf32, #tpu.memory_space<vmem>>
      tpu.wait_dma2 semaphore(%run_scoped3A : memref<!tpu.dma_semaphore, #tpu.memory_space<semaphore_mem>>) src(%dma_wait3A_64 : memref<96x128xf32, #tpu.memory_space<vmem>>) dst(%dma_wait3A_61 : memref<96x128xf32, #tpu.memory_space<vmem_shared>>)
      tpu.yield
    }) : () -> ()
    %add3A_7 = arith.constant 96 : i32
    %add3A_8 = arith.addi %mul3A_5, %add3A_7 : i32
    "tpu.region"() ({
      %run_scoped3A = tpu.sem_alloc : memref<!tpu.dma_semaphore, #tpu.memory_space<semaphore_mem>>
      %dma_start3A = arith.constant 0 : i32
      %dma_start3A_47 = arith.constant 0 : i32
      %dma_start3A_48 = tpu.memref_slice %arg11[%dma_start3A, %dma_start3A_47] : memref<192x128xf32, #tpu.memory_space<vmem>> -> memref<96x128xf32, #tpu.memory_space<vmem>>
      %dma_start3A_49 = arith.constant 0 : i32
      %dma_start3A_50 = tpu.memref_slice %arg8[%add3A_8, %dma_start3A_49] : memref<10112x128xf32, #tpu.memory_space<vmem_shared>> -> memref<96x128xf32, #tpu.memory_space<vmem_shared>>
      %dma_start3A_51 = arith.constant 0 : i32
      %dma_start3A_52 = tpu.memref_slice %arg8[%add3A_8, %dma_start3A_51] : memref<10112x128xf32, #tpu.memory_space<vmem_shared>> -> memref<96x128xf32, #tpu.memory_space<vmem_shared>>
      %dma_start3A_53 = arith.constant 0 : i32
      %dma_start3A_54 = arith.constant 0 : i32
      %dma_start3A_55 = tpu.memref_slice %arg11[%dma_start3A_53, %dma_start3A_54] : memref<192x128xf32, #tpu.memory_space<vmem>> -> memref<96x128xf32, #tpu.memory_space<vmem>>
      tpu.enqueue_dma source(%dma_start3A_55 : memref<96x128xf32, #tpu.memory_space<vmem>>) target(%dma_start3A_52 : memref<96x128xf32, #tpu.memory_space<vmem_shared>>) target_semaphore(%run_scoped3A : memref<!tpu.dma_semaphore, #tpu.memory_space<semaphore_mem>>)
      %dma_wait3A = arith.constant 0 : i32
      %dma_wait3A_56 = arith.constant 0 : i32
      %dma_wait3A_57 = tpu.memref_slice %arg11[%dma_wait3A, %dma_wait3A_56] : memref<192x128xf32, #tpu.memory_space<vmem>> -> memref<96x128xf32, #tpu.memory_space<vmem>>
      %dma_wait3A_58 = arith.constant 0 : i32
      %dma_wait3A_59 = tpu.memref_slice %arg8[%add3A_8, %dma_wait3A_58] : memref<10112x128xf32, #tpu.memory_space<vmem_shared>> -> memref<96x128xf32, #tpu.memory_space<vmem_shared>>
      %dma_wait3A_60 = arith.constant 0 : i32
      %dma_wait3A_61 = tpu.memref_slice %arg8[%add3A_8, %dma_wait3A_60] : memref<10112x128xf32, #tpu.memory_space<vmem_shared>> -> memref<96x128xf32, #tpu.memory_space<vmem_shared>>
      %dma_wait3A_62 = arith.constant 0 : i32
      %dma_wait3A_63 = arith.constant 0 : i32
      %dma_wait3A_64 = tpu.memref_slice %arg11[%dma_wait3A_62, %dma_wait3A_63] : memref<192x128xf32, #tpu.memory_space<vmem>> -> memref<96x128xf32, #tpu.memory_space<vmem>>
      tpu.wait_dma2 semaphore(%run_scoped3A : memref<!tpu.dma_semaphore, #tpu.memory_space<semaphore_mem>>) src(%dma_wait3A_64 : memref<96x128xf32, #tpu.memory_space<vmem>>) dst(%dma_wait3A_61 : memref<96x128xf32, #tpu.memory_space<vmem_shared>>)
      tpu.yield
    }) : () -> ()
    %add3A_9 = arith.constant 192 : i32
    %add3A_10 = arith.addi %mul3A_5, %add3A_9 : i32
    "tpu.region"() ({
      %run_scoped3A = tpu.sem_alloc : memref<!tpu.dma_semaphore, #tpu.memory_space<semaphore_mem>>
      %dma_start3A = arith.constant 0 : i32
      %dma_start3A_47 = arith.constant 0 : i32
      %dma_start3A_48 = tpu.memref_slice %arg11[%dma_start3A, %dma_start3A_47] : memref<192x128xf32, #tpu.memory_space<vmem>> -> memref<96x128xf32, #tpu.memory_space<vmem>>
      %dma_start3A_49 = arith.constant 0 : i32
      %dma_start3A_50 = tpu.memref_slice %arg8[%add3A_10, %dma_start3A_49] : memref<10112x128xf32, #tpu.memory_space<vmem_shared>> -> memref<96x128xf32, #tpu.memory_space<vmem_shared>>
      %dma_start3A_51 = arith.constant 0 : i32
      %dma_start3A_52 = tpu.memref_slice %arg8[%add3A_10, %dma_start3A_51] : memref<10112x128xf32, #tpu.memory_space<vmem_shared>> -> memref<96x128xf32, #tpu.memory_space<vmem_shared>>
      %dma_start3A_53 = arith.constant 0 : i32
      %dma_start3A_54 = arith.constant 0 : i32
      %dma_start3A_55 = tpu.memref_slice %arg11[%dma_start3A_53, %dma_start3A_54] : memref<192x128xf32, #tpu.memory_space<vmem>> -> memref<96x128xf32, #tpu.memory_space<vmem>>
      tpu.enqueue_dma source(%dma_start3A_55 : memref<96x128xf32, #tpu.memory_space<vmem>>) target(%dma_start3A_52 : memref<96x128xf32, #tpu.memory_space<vmem_shared>>) target_semaphore(%run_scoped3A : memref<!tpu.dma_semaphore, #tpu.memory_space<semaphore_mem>>)
      %dma_wait3A = arith.constant 0 : i32
      %dma_wait3A_56 = arith.constant 0 : i32
      %dma_wait3A_57 = tpu.memref_slice %arg11[%dma_wait3A, %dma_wait3A_56] : memref<192x128xf32, #tpu.memory_space<vmem>> -> memref<96x128xf32, #tpu.memory_space<vmem>>
      %dma_wait3A_58 = arith.constant 0 : i32
      %dma_wait3A_59 = tpu.memref_slice %arg8[%add3A_10, %dma_wait3A_58] : memref<10112x128xf32, #tpu.memory_space<vmem_shared>> -> memref<96x128xf32, #tpu.memory_space<vmem_shared>>
      %dma_wait3A_60 = arith.constant 0 : i32
      %dma_wait3A_61 = tpu.memref_slice %arg8[%add3A_10, %dma_wait3A_60] : memref<10112x128xf32, #tpu.memory_space<vmem_shared>> -> memref<96x128xf32, #tpu.memory_space<vmem_shared>>
      %dma_wait3A_62 = arith.constant 0 : i32
      %dma_wait3A_63 = arith.constant 0 : i32
      %dma_wait3A_64 = tpu.memref_slice %arg11[%dma_wait3A_62, %dma_wait3A_63] : memref<192x128xf32, #tpu.memory_space<vmem>> -> memref<96x128xf32, #tpu.memory_space<vmem>>
      tpu.wait_dma2 semaphore(%run_scoped3A : memref<!tpu.dma_semaphore, #tpu.memory_space<semaphore_mem>>) src(%dma_wait3A_64 : memref<96x128xf32, #tpu.memory_space<vmem>>) dst(%dma_wait3A_61 : memref<96x128xf32, #tpu.memory_space<vmem_shared>>)
      tpu.yield
    }) : () -> ()
    %add3A_11 = arith.constant 288 : i32
    %add3A_12 = arith.addi %mul3A_5, %add3A_11 : i32
    "tpu.region"() ({
      %run_scoped3A = tpu.sem_alloc : memref<!tpu.dma_semaphore, #tpu.memory_space<semaphore_mem>>
      %dma_start3A = arith.constant 0 : i32
      %dma_start3A_47 = arith.constant 0 : i32
      %dma_start3A_48 = tpu.memref_slice %arg11[%dma_start3A, %dma_start3A_47] : memref<192x128xf32, #tpu.memory_space<vmem>> -> memref<96x128xf32, #tpu.memory_space<vmem>>
      %dma_start3A_49 = arith.constant 0 : i32
      %dma_start3A_50 = tpu.memref_slice %arg8[%add3A_12, %dma_start3A_49] : memref<10112x128xf32, #tpu.memory_space<vmem_shared>> -> memref<96x128xf32, #tpu.memory_space<vmem_shared>>
      %dma_start3A_51 = arith.constant 0 : i32
      %dma_start3A_52 = tpu.memref_slice %arg8[%add3A_12, %dma_start3A_51] : memref<10112x128xf32, #tpu.memory_space<vmem_shared>> -> memref<96x128xf32, #tpu.memory_space<vmem_shared>>
      %dma_start3A_53 = arith.constant 0 : i32
      %dma_start3A_54 = arith.constant 0 : i32
      %dma_start3A_55 = tpu.memref_slice %arg11[%dma_start3A_53, %dma_start3A_54] : memref<192x128xf32, #tpu.memory_space<vmem>> -> memref<96x128xf32, #tpu.memory_space<vmem>>
      tpu.enqueue_dma source(%dma_start3A_55 : memref<96x128xf32, #tpu.memory_space<vmem>>) target(%dma_start3A_52 : memref<96x128xf32, #tpu.memory_space<vmem_shared>>) target_semaphore(%run_scoped3A : memref<!tpu.dma_semaphore, #tpu.memory_space<semaphore_mem>>)
      %dma_wait3A = arith.constant 0 : i32
      %dma_wait3A_56 = arith.constant 0 : i32
      %dma_wait3A_57 = tpu.memref_slice %arg11[%dma_wait3A, %dma_wait3A_56] : memref<192x128xf32, #tpu.memory_space<vmem>> -> memref<96x128xf32, #tpu.memory_space<vmem>>
      %dma_wait3A_58 = arith.constant 0 : i32
      %dma_wait3A_59 = tpu.memref_slice %arg8[%add3A_12, %dma_wait3A_58] : memref<10112x128xf32, #tpu.memory_space<vmem_shared>> -> memref<96x128xf32, #tpu.memory_space<vmem_shared>>
      %dma_wait3A_60 = arith.constant 0 : i32
      %dma_wait3A_61 = tpu.memref_slice %arg8[%add3A_12, %dma_wait3A_60] : memref<10112x128xf32, #tpu.memory_space<vmem_shared>> -> memref<96x128xf32, #tpu.memory_space<vmem_shared>>
      %dma_wait3A_62 = arith.constant 0 : i32
      %dma_wait3A_63 = arith.constant 0 : i32
      %dma_wait3A_64 = tpu.memref_slice %arg11[%dma_wait3A_62, %dma_wait3A_63] : memref<192x128xf32, #tpu.memory_space<vmem>> -> memref<96x128xf32, #tpu.memory_space<vmem>>
      tpu.wait_dma2 semaphore(%run_scoped3A : memref<!tpu.dma_semaphore, #tpu.memory_space<semaphore_mem>>) src(%dma_wait3A_64 : memref<96x128xf32, #tpu.memory_space<vmem>>) dst(%dma_wait3A_61 : memref<96x128xf32, #tpu.memory_space<vmem_shared>>)
      tpu.yield
    }) : () -> ()
    %add3A_13 = arith.constant 384 : i32
    %add3A_14 = arith.addi %mul3A_5, %add3A_13 : i32
    "tpu.region"() ({
      %run_scoped3A = tpu.sem_alloc : memref<!tpu.dma_semaphore, #tpu.memory_space<semaphore_mem>>
      %dma_start3A = arith.constant 0 : i32
      %dma_start3A_47 = arith.constant 0 : i32
      %dma_start3A_48 = tpu.memref_slice %arg11[%dma_start3A, %dma_start3A_47] : memref<192x128xf32, #tpu.memory_space<vmem>> -> memref<96x128xf32, #tpu.memory_space<vmem>>
      %dma_start3A_49 = arith.constant 0 : i32
      %dma_start3A_50 = tpu.memref_slice %arg8[%add3A_14, %dma_start3A_49] : memref<10112x128xf32, #tpu.memory_space<vmem_shared>> -> memref<96x128xf32, #tpu.memory_space<vmem_shared>>
      %dma_start3A_51 = arith.constant 0 : i32
      %dma_start3A_52 = tpu.memref_slice %arg8[%add3A_14, %dma_start3A_51] : memref<10112x128xf32, #tpu.memory_space<vmem_shared>> -> memref<96x128xf32, #tpu.memory_space<vmem_shared>>
      %dma_start3A_53 = arith.constant 0 : i32
      %dma_start3A_54 = arith.constant 0 : i32
      %dma_start3A_55 = tpu.memref_slice %arg11[%dma_start3A_53, %dma_start3A_54] : memref<192x128xf32, #tpu.memory_space<vmem>> -> memref<96x128xf32, #tpu.memory_space<vmem>>
      tpu.enqueue_dma source(%dma_start3A_55 : memref<96x128xf32, #tpu.memory_space<vmem>>) target(%dma_start3A_52 : memref<96x128xf32, #tpu.memory_space<vmem_shared>>) target_semaphore(%run_scoped3A : memref<!tpu.dma_semaphore, #tpu.memory_space<semaphore_mem>>)
      %dma_wait3A = arith.constant 0 : i32
      %dma_wait3A_56 = arith.constant 0 : i32
      %dma_wait3A_57 = tpu.memref_slice %arg11[%dma_wait3A, %dma_wait3A_56] : memref<192x128xf32, #tpu.memory_space<vmem>> -> memref<96x128xf32, #tpu.memory_space<vmem>>
      %dma_wait3A_58 = arith.constant 0 : i32
      %dma_wait3A_59 = tpu.memref_slice %arg8[%add3A_14, %dma_wait3A_58] : memref<10112x128xf32, #tpu.memory_space<vmem_shared>> -> memref<96x128xf32, #tpu.memory_space<vmem_shared>>
      %dma_wait3A_60 = arith.constant 0 : i32
      %dma_wait3A_61 = tpu.memref_slice %arg8[%add3A_14, %dma_wait3A_60] : memref<10112x128xf32, #tpu.memory_space<vmem_shared>> -> memref<96x128xf32, #tpu.memory_space<vmem_shared>>
      %dma_wait3A_62 = arith.constant 0 : i32
      %dma_wait3A_63 = arith.constant 0 : i32
      %dma_wait3A_64 = tpu.memref_slice %arg11[%dma_wait3A_62, %dma_wait3A_63] : memref<192x128xf32, #tpu.memory_space<vmem>> -> memref<96x128xf32, #tpu.memory_space<vmem>>
      tpu.wait_dma2 semaphore(%run_scoped3A : memref<!tpu.dma_semaphore, #tpu.memory_space<semaphore_mem>>) src(%dma_wait3A_64 : memref<96x128xf32, #tpu.memory_space<vmem>>) dst(%dma_wait3A_61 : memref<96x128xf32, #tpu.memory_space<vmem_shared>>)
      tpu.yield
    }) : () -> ()
    %add3A_15 = arith.constant 480 : i32
    %add3A_16 = arith.addi %mul3A_5, %add3A_15 : i32
    "tpu.region"() ({
      %run_scoped3A = tpu.sem_alloc : memref<!tpu.dma_semaphore, #tpu.memory_space<semaphore_mem>>
      %dma_start3A = arith.constant 0 : i32
      %dma_start3A_47 = arith.constant 0 : i32
      %dma_start3A_48 = tpu.memref_slice %arg11[%dma_start3A, %dma_start3A_47] : memref<192x128xf32, #tpu.memory_space<vmem>> -> memref<96x128xf32, #tpu.memory_space<vmem>>
      %dma_start3A_49 = arith.constant 0 : i32
      %dma_start3A_50 = tpu.memref_slice %arg8[%add3A_16, %dma_start3A_49] : memref<10112x128xf32, #tpu.memory_space<vmem_shared>> -> memref<96x128xf32, #tpu.memory_space<vmem_shared>>
      %dma_start3A_51 = arith.constant 0 : i32
      %dma_start3A_52 = tpu.memref_slice %arg8[%add3A_16, %dma_start3A_51] : memref<10112x128xf32, #tpu.memory_space<vmem_shared>> -> memref<96x128xf32, #tpu.memory_space<vmem_shared>>
      %dma_start3A_53 = arith.constant 0 : i32
      %dma_start3A_54 = arith.constant 0 : i32
      %dma_start3A_55 = tpu.memref_slice %arg11[%dma_start3A_53, %dma_start3A_54] : memref<192x128xf32, #tpu.memory_space<vmem>> -> memref<96x128xf32, #tpu.memory_space<vmem>>
      tpu.enqueue_dma source(%dma_start3A_55 : memref<96x128xf32, #tpu.memory_space<vmem>>) target(%dma_start3A_52 : memref<96x128xf32, #tpu.memory_space<vmem_shared>>) target_semaphore(%run_scoped3A : memref<!tpu.dma_semaphore, #tpu.memory_space<semaphore_mem>>)
      %dma_wait3A = arith.constant 0 : i32
      %dma_wait3A_56 = arith.constant 0 : i32
      %dma_wait3A_57 = tpu.memref_slice %arg11[%dma_wait3A, %dma_wait3A_56] : memref<192x128xf32, #tpu.memory_space<vmem>> -> memref<96x128xf32, #tpu.memory_space<vmem>>
      %dma_wait3A_58 = arith.constant 0 : i32
      %dma_wait3A_59 = tpu.memref_slice %arg8[%add3A_16, %dma_wait3A_58] : memref<10112x128xf32, #tpu.memory_space<vmem_shared>> -> memref<96x128xf32, #tpu.memory_space<vmem_shared>>
      %dma_wait3A_60 = arith.constant 0 : i32
      %dma_wait3A_61 = tpu.memref_slice %arg8[%add3A_16, %dma_wait3A_60] : memref<10112x128xf32, #tpu.memory_space<vmem_shared>> -> memref<96x128xf32, #tpu.memory_space<vmem_shared>>
      %dma_wait3A_62 = arith.constant 0 : i32
      %dma_wait3A_63 = arith.constant 0 : i32
      %dma_wait3A_64 = tpu.memref_slice %arg11[%dma_wait3A_62, %dma_wait3A_63] : memref<192x128xf32, #tpu.memory_space<vmem>> -> memref<96x128xf32, #tpu.memory_space<vmem>>
      tpu.wait_dma2 semaphore(%run_scoped3A : memref<!tpu.dma_semaphore, #tpu.memory_space<semaphore_mem>>) src(%dma_wait3A_64 : memref<96x128xf32, #tpu.memory_space<vmem>>) dst(%dma_wait3A_61 : memref<96x128xf32, #tpu.memory_space<vmem_shared>>)
      tpu.yield
    }) : () -> ()
    %add3A_17 = arith.constant 576 : i32
    %add3A_18 = arith.addi %mul3A_5, %add3A_17 : i32
    "tpu.region"() ({
      %run_scoped3A = tpu.sem_alloc : memref<!tpu.dma_semaphore, #tpu.memory_space<semaphore_mem>>
      %dma_start3A = arith.constant 0 : i32
      %dma_start3A_47 = arith.constant 0 : i32
      %dma_start3A_48 = tpu.memref_slice %arg11[%dma_start3A, %dma_start3A_47] : memref<192x128xf32, #tpu.memory_space<vmem>> -> memref<56x128xf32, #tpu.memory_space<vmem>>
      %dma_start3A_49 = arith.constant 0 : i32
      %dma_start3A_50 = tpu.memref_slice %arg8[%add3A_18, %dma_start3A_49] : memref<10112x128xf32, #tpu.memory_space<vmem_shared>> -> memref<56x128xf32, #tpu.memory_space<vmem_shared>>
      %dma_start3A_51 = arith.constant 0 : i32
      %dma_start3A_52 = tpu.memref_slice %arg8[%add3A_18, %dma_start3A_51] : memref<10112x128xf32, #tpu.memory_space<vmem_shared>> -> memref<56x128xf32, #tpu.memory_space<vmem_shared>>
      %dma_start3A_53 = arith.constant 0 : i32
      %dma_start3A_54 = arith.constant 0 : i32
      %dma_start3A_55 = tpu.memref_slice %arg11[%dma_start3A_53, %dma_start3A_54] : memref<192x128xf32, #tpu.memory_space<vmem>> -> memref<56x128xf32, #tpu.memory_space<vmem>>
      tpu.enqueue_dma source(%dma_start3A_55 : memref<56x128xf32, #tpu.memory_space<vmem>>) target(%dma_start3A_52 : memref<56x128xf32, #tpu.memory_space<vmem_shared>>) target_semaphore(%run_scoped3A : memref<!tpu.dma_semaphore, #tpu.memory_space<semaphore_mem>>)
      %dma_wait3A = arith.constant 0 : i32
      %dma_wait3A_56 = arith.constant 0 : i32
      %dma_wait3A_57 = tpu.memref_slice %arg11[%dma_wait3A, %dma_wait3A_56] : memref<192x128xf32, #tpu.memory_space<vmem>> -> memref<56x128xf32, #tpu.memory_space<vmem>>
      %dma_wait3A_58 = arith.constant 0 : i32
      %dma_wait3A_59 = tpu.memref_slice %arg8[%add3A_18, %dma_wait3A_58] : memref<10112x128xf32, #tpu.memory_space<vmem_shared>> -> memref<56x128xf32, #tpu.memory_space<vmem_shared>>
      %dma_wait3A_60 = arith.constant 0 : i32
      %dma_wait3A_61 = tpu.memref_slice %arg8[%add3A_18, %dma_wait3A_60] : memref<10112x128xf32, #tpu.memory_space<vmem_shared>> -> memref<56x128xf32, #tpu.memory_space<vmem_shared>>
      %dma_wait3A_62 = arith.constant 0 : i32
      %dma_wait3A_63 = arith.constant 0 : i32
      %dma_wait3A_64 = tpu.memref_slice %arg11[%dma_wait3A_62, %dma_wait3A_63] : memref<192x128xf32, #tpu.memory_space<vmem>> -> memref<56x128xf32, #tpu.memory_space<vmem>>
      tpu.wait_dma2 semaphore(%run_scoped3A : memref<!tpu.dma_semaphore, #tpu.memory_space<semaphore_mem>>) src(%dma_wait3A_64 : memref<56x128xf32, #tpu.memory_space<vmem>>) dst(%dma_wait3A_61 : memref<56x128xf32, #tpu.memory_space<vmem_shared>>)
      tpu.yield
    }) : () -> ()
    %barrier3A = arith.constant 0 : index
    tpu.barrier barrier_id(%barrier3A)
    %mul3A_19 = arith.constant 10080 : i32
    %mul3A_20 = arith.muli %arg1, %mul3A_19 : i32
    %lt3A = arith.constant 8 : i32
    %lt3A_21 = arith.cmpi slt, %arg1, %lt3A : i32
    %eq3A = arith.constant 0 : i32
    %eq3A_22 = arith.cmpi eq, %arg0, %eq3A : i32
    %eq3A_23 = arith.xori %lt3A_21, %eq3A_22 : i1
    %eq3A_24 = arith.constant true
    %eq3A_25 = arith.xori %eq3A_23, %eq3A_24 : i1
    "tpu.region"() ({
      %run_scoped3A = tpu.sem_alloc : memref<!tpu.dma_semaphore, #tpu.memory_space<semaphore_mem>>
      %dma_start3A = tpu.memref_slice %arg4[%mul3A_20] : memref<161280xi32, #tpu.memory_space<hbm>> -> memref<10080xi32, #tpu.memory_space<hbm>>
      %dma_start3A_47 = tpu.memref_slice %arg4[%mul3A_20] : memref<161280xi32, #tpu.memory_space<hbm>> -> memref<10080xi32, #tpu.memory_space<hbm>>
      tpu.enqueue_dma source(%dma_start3A_47 : memref<10080xi32, #tpu.memory_space<hbm>>) target(%arg9 : memref<10080xi32, #tpu.memory_space<vmem>>) target_semaphore(%run_scoped3A : memref<!tpu.dma_semaphore, #tpu.memory_space<semaphore_mem>>)
      %dma_wait3A = tpu.memref_slice %arg4[%mul3A_20] : memref<161280xi32, #tpu.memory_space<hbm>> -> memref<10080xi32, #tpu.memory_space<hbm>>
      %dma_wait3A_48 = tpu.memref_slice %arg4[%mul3A_20] : memref<161280xi32, #tpu.memory_space<hbm>> -> memref<10080xi32, #tpu.memory_space<hbm>>
      tpu.wait_dma2 semaphore(%run_scoped3A : memref<!tpu.dma_semaphore, #tpu.memory_space<semaphore_mem>>) src(%dma_wait3A_48 : memref<10080xi32, #tpu.memory_space<hbm>>) dst(%arg9 : memref<10080xi32, #tpu.memory_space<vmem>>)
      tpu.yield
    }) : () -> ()
    %mul3A_26 = arith.constant 105 : i32
    %mul3A_27 = arith.muli %arg1, %mul3A_26 : i32
    "tpu.region"() ({
      %run_scoped3A = tpu.sem_alloc : memref<!tpu.dma_semaphore, #tpu.memory_space<semaphore_mem>>
      %dma_start3A = arith.constant 0 : i32
      %dma_start3A_47 = arith.constant 0 : i32
      %dma_start3A_48 = tpu.memref_slice %arg5[%mul3A_27, %dma_start3A, %dma_start3A_47] : memref<1680x1x96xi32, #tpu.memory_space<hbm>> -> memref<105x1x96xi32, #tpu.memory_space<hbm>>
      %dma_start3A_49 = arith.constant 0 : i32
      %dma_start3A_50 = arith.constant 0 : i32
      %dma_start3A_51 = tpu.memref_slice %arg5[%mul3A_27, %dma_start3A_49, %dma_start3A_50] : memref<1680x1x96xi32, #tpu.memory_space<hbm>> -> memref<105x1x96xi32, #tpu.memory_space<hbm>>
      tpu.enqueue_dma source(%dma_start3A_51 : memref<105x1x96xi32, #tpu.memory_space<hbm>>) target(%arg10 : memref<105x1x96xi32, #tpu.memory_space<vmem>>) target_semaphore(%run_scoped3A : memref<!tpu.dma_semaphore, #tpu.memory_space<semaphore_mem>>)
      %dma_wait3A = arith.constant 0 : i32
      %dma_wait3A_52 = arith.constant 0 : i32
      %dma_wait3A_53 = tpu.memref_slice %arg5[%mul3A_27, %dma_wait3A, %dma_wait3A_52] : memref<1680x1x96xi32, #tpu.memory_space<hbm>> -> memref<105x1x96xi32, #tpu.memory_space<hbm>>
      %dma_wait3A_54 = arith.constant 0 : i32
      %dma_wait3A_55 = arith.constant 0 : i32
      %dma_wait3A_56 = tpu.memref_slice %arg5[%mul3A_27, %dma_wait3A_54, %dma_wait3A_55] : memref<1680x1x96xi32, #tpu.memory_space<hbm>> -> memref<105x1x96xi32, #tpu.memory_space<hbm>>
      tpu.wait_dma2 semaphore(%run_scoped3A : memref<!tpu.dma_semaphore, #tpu.memory_space<semaphore_mem>>) src(%dma_wait3A_56 : memref<105x1x96xi32, #tpu.memory_space<hbm>>) dst(%arg10 : memref<105x1x96xi32, #tpu.memory_space<vmem>>)
      tpu.yield
    }) : () -> ()
    %eq3A_28 = arith.constant 0 : i32
    %eq3A_29 = arith.cmpi eq, %arg0, %eq3A_28 : i32
    %convert_element_type3A = arith.extui %eq3A_29 : i1 to i32
    %cond3A = arith.constant 0 : i32
    %cond3A_30 = arith.cmpi ne, %convert_element_type3A, %cond3A : i32
    scf.if %cond3A_30 {
      %dma_start3A = arith.constant 0 : i32
      %dma_start3A_47 = arith.constant 0 : i32
      %dma_start3A_48 = tpu.memref_slice %arg11[%dma_start3A, %dma_start3A_47] : memref<192x128xf32, #tpu.memory_space<vmem>> -> memref<96x128xf32, #tpu.memory_space<vmem>>
      %dma_start3A_49 = arith.constant 0 : i32
      %dma_start3A_50 = tpu.memref_slice %arg9[%dma_start3A_49] : memref<10080xi32, #tpu.memory_space<vmem>> -> memref<96xi32, #tpu.memory_space<vmem>>
      %dma_start3A_51 = arith.constant 0 : i32
      %dma_start3A_52 = arith.constant 0 : i32
      %dma_start3A_53 = tpu.memref_slice %arg2[%dma_start3A_51, %dma_start3A_52] : memref<10000x128xf32, #tpu.memory_space<hbm>> -> memref<10000x128xf32, #tpu.memory_space<hbm>>
      tpu.enqueue_indirect_dma source(%dma_start3A_53 : memref<10000x128xf32, #tpu.memory_space<hbm>>) target(%dma_start3A_48 : memref<96x128xf32, #tpu.memory_space<vmem>>) offsets(%dma_start3A_50 : memref<96xi32, #tpu.memory_space<vmem>>) semaphore(%arg12 : memref<!tpu.dma_semaphore, #tpu.memory_space<semaphore_mem>>)
      %scan3A_54 = arith.constant 0 : i32
      %scan3A_55 = arith.constant 0 : i32
      %scan3A_56 = arith.constant 105 : i32
      %scan3A_57 = arith.addi %scan3A_55, %scan3A_56 : i32
      %scan3A_58 = arith.constant 1 : i32
      scf.for %scan3A_60 = %scan3A_55 to %scan3A_57 step %scan3A_58  : i32 {
        %mul3A_61 = arith.constant 96 : i32
        %mul3A_62 = arith.muli %scan3A_60, %mul3A_61 : i32
        %jit3A = arith.constant 2 : i32
        %eq3A_63 = arith.constant 0 : i32
        %eq3A_64 = arith.cmpi eq, %jit3A, %eq3A_63 : i32
        %jit3A_65 = arith.constant 1 : i32
        %select_n3A = arith.select %eq3A_64, %jit3A_65, %jit3A : i32
        %rem3A = arith.remsi %scan3A_60, %select_n3A : i32
        %ne3A = arith.constant 0 : i32
        %ne3A_66 = arith.cmpi ne, %rem3A, %ne3A : i32
        %lt3A_67 = arith.constant 0 : i32
        %lt3A_68 = arith.cmpi slt, %rem3A, %lt3A_67 : i32
        %lt3A_69 = arith.constant 0 : i32
        %lt3A_70 = arith.cmpi slt, %select_n3A, %lt3A_69 : i32
        %ne3A_71 = arith.xori %lt3A_68, %lt3A_70 : i1
        %and3A = arith.andi %ne3A_71, %ne3A_66 : i1
        %add3A_72 = arith.addi %rem3A, %select_n3A : i32
        %select_n3A_73 = arith.select %and3A, %add3A_72, %rem3A : i32
        %mul3A_74 = arith.constant 96 : i32
        %mul3A_75 = arith.muli %select_n3A_73, %mul3A_74 : i32
        %dma_wait3A = arith.constant 0 : i32
        %dma_wait3A_76 = tpu.memref_slice %arg11[%mul3A_75, %dma_wait3A] : memref<192x128xf32, #tpu.memory_space<vmem>> -> memref<96x128xf32, #tpu.memory_space<vmem>>
        %dma_wait3A_77 = tpu.memref_slice %arg9[%mul3A_62] : memref<10080xi32, #tpu.memory_space<vmem>> -> memref<96xi32, #tpu.memory_space<vmem>>
        %dma_wait3A_78 = arith.constant 0 : i32
        %dma_wait3A_79 = arith.constant 0 : i32
        %dma_wait3A_80 = tpu.memref_slice %arg2[%dma_wait3A_78, %dma_wait3A_79] : memref<10000x128xf32, #tpu.memory_space<hbm>> -> memref<10000x128xf32, #tpu.memory_space<hbm>>
        tpu.wait_indirect_dma semaphore(%arg12 : memref<!tpu.dma_semaphore, #tpu.memory_space<semaphore_mem>>) src(%dma_wait3A_80 : memref<10000x128xf32, #tpu.memory_space<hbm>>) dst(%dma_wait3A_76 : memref<96x128xf32, #tpu.memory_space<vmem>>)
        %add3A_81 = arith.constant 1 : i32
        %add3A_82 = arith.addi %scan3A_60, %add3A_81 : i32
        %lt3A_83 = arith.constant 105 : i32
        %lt3A_84 = arith.cmpi slt, %add3A_82, %lt3A_83 : i32
        %convert_element_type3A_85 = arith.extui %lt3A_84 : i1 to i32
        %cond3A_86 = arith.constant 0 : i32
        %cond3A_87 = arith.cmpi ne, %convert_element_type3A_85, %cond3A_86 : i32
        scf.if %cond3A_87 {
          %add3A_106 = arith.constant 1 : i32
          %add3A_107 = arith.addi %scan3A_60, %add3A_106 : i32
          %min3A = arith.constant 104 : i32
          %min3A_108 = arith.minsi %add3A_107, %min3A : i32
          %mul3A_109 = arith.constant 96 : i32
          %mul3A_110 = arith.muli %min3A_108, %mul3A_109 : i32
          %jit3A_111 = arith.constant 2 : i32
          %eq3A_112 = arith.constant 0 : i32
          %eq3A_113 = arith.cmpi eq, %jit3A_111, %eq3A_112 : i32
          %jit3A_114 = arith.constant 1 : i32
          %select_n3A_115 = arith.select %eq3A_113, %jit3A_114, %jit3A_111 : i32
          %rem3A_116 = arith.remsi %min3A_108, %select_n3A_115 : i32
          %ne3A_117 = arith.constant 0 : i32
          %ne3A_118 = arith.cmpi ne, %rem3A_116, %ne3A_117 : i32
          %lt3A_119 = arith.constant 0 : i32
          %lt3A_120 = arith.cmpi slt, %rem3A_116, %lt3A_119 : i32
          %lt3A_121 = arith.constant 0 : i32
          %lt3A_122 = arith.cmpi slt, %select_n3A_115, %lt3A_121 : i32
          %ne3A_123 = arith.xori %lt3A_120, %lt3A_122 : i1
          %and3A_124 = arith.andi %ne3A_123, %ne3A_118 : i1
          %add3A_125 = arith.addi %rem3A_116, %select_n3A_115 : i32
          %select_n3A_126 = arith.select %and3A_124, %add3A_125, %rem3A_116 : i32
          %mul3A_127 = arith.constant 96 : i32
          %mul3A_128 = arith.muli %select_n3A_126, %mul3A_127 : i32
          %dma_start3A_129 = arith.constant 0 : i32
          %dma_start3A_130 = tpu.memref_slice %arg11[%mul3A_128, %dma_start3A_129] : memref<192x128xf32, #tpu.memory_space<vmem>> -> memref<96x128xf32, #tpu.memory_space<vmem>>
          %dma_start3A_131 = tpu.memref_slice %arg9[%mul3A_110] : memref<10080xi32, #tpu.memory_space<vmem>> -> memref<96xi32, #tpu.memory_space<vmem>>
          %dma_start3A_132 = arith.constant 0 : i32
          %dma_start3A_133 = arith.constant 0 : i32
          %dma_start3A_134 = tpu.memref_slice %arg2[%dma_start3A_132, %dma_start3A_133] : memref<10000x128xf32, #tpu.memory_space<hbm>> -> memref<10000x128xf32, #tpu.memory_space<hbm>>
          tpu.enqueue_indirect_dma source(%dma_start3A_134 : memref<10000x128xf32, #tpu.memory_space<hbm>>) target(%dma_start3A_130 : memref<96x128xf32, #tpu.memory_space<vmem>>) offsets(%dma_start3A_131 : memref<96xi32, #tpu.memory_space<vmem>>) semaphore(%arg12 : memref<!tpu.dma_semaphore, #tpu.memory_space<semaphore_mem>>)
        } else {
        }
        %jit3A_88 = arith.constant 2 : i32
        %eq3A_89 = arith.constant 0 : i32
        %eq3A_90 = arith.cmpi eq, %jit3A_88, %eq3A_89 : i32
        %jit3A_91 = arith.constant 1 : i32
        %select_n3A_92 = arith.select %eq3A_90, %jit3A_91, %jit3A_88 : i32
        %rem3A_93 = arith.remsi %scan3A_60, %select_n3A_92 : i32
        %ne3A_94 = arith.constant 0 : i32
        %ne3A_95 = arith.cmpi ne, %rem3A_93, %ne3A_94 : i32
        %lt3A_96 = arith.constant 0 : i32
        %lt3A_97 = arith.cmpi slt, %rem3A_93, %lt3A_96 : i32
        %lt3A_98 = arith.constant 0 : i32
        %lt3A_99 = arith.cmpi slt, %select_n3A_92, %lt3A_98 : i32
        %ne3A_100 = arith.xori %lt3A_97, %lt3A_99 : i1
        %and3A_101 = arith.andi %ne3A_100, %ne3A_95 : i1
        %add3A_102 = arith.addi %rem3A_93, %select_n3A_92 : i32
        %select_n3A_103 = arith.select %and3A_101, %add3A_102, %rem3A_93 : i32
        %mul3A_104 = arith.constant 96 : i32
        %mul3A_105 = arith.muli %select_n3A_103, %mul3A_104 : i32
        %run_scoped3A = arith.constant 0 : i32
        "tpu.region"() ({
          %run_scoped3A_106 = tpu.sem_alloc : memref<!tpu.dma_semaphore, #tpu.memory_space<semaphore_mem>>
          %dma_start3A_107 = arith.constant 0 : i32
          %dma_start3A_108 = tpu.memref_slice %arg11[%mul3A_105, %dma_start3A_107] : memref<192x128xf32, #tpu.memory_space<vmem>> -> memref<96x128xf32, #tpu.memory_space<vmem>>
          %dma_start3A_109 = arith.constant 0 : i32
          %dma_start3A_110 = tpu.memref_slice %arg10[%scan3A_60, %run_scoped3A, %dma_start3A_109] : memref<105x1x96xi32, #tpu.memory_space<vmem>> -> memref<1x1x96xi32, #tpu.memory_space<vmem>>
          %dma_start3A_111 = tpu.memref_squeeze %dma_start3A_110 : memref<1x1x96xi32, #tpu.memory_space<vmem>> -> memref<96xi32, #tpu.memory_space<vmem>>
          %dma_start3A_112 = arith.constant 0 : i32
          %dma_start3A_113 = arith.constant 0 : i32
          %dma_start3A_114 = tpu.memref_slice %arg8[%dma_start3A_112, %dma_start3A_113] : memref<10112x128xf32, #tpu.memory_space<vmem_shared>> -> memref<10112x128xf32, #tpu.memory_space<vmem_shared>>
          tpu.enqueue_indirect_dma source(%dma_start3A_108 : memref<96x128xf32, #tpu.memory_space<vmem>>) target(%dma_start3A_114 : memref<10112x128xf32, #tpu.memory_space<vmem_shared>>) offsets(%dma_start3A_111 : memref<96xi32, #tpu.memory_space<vmem>>) semaphore(%run_scoped3A_106 : memref<!tpu.dma_semaphore, #tpu.memory_space<semaphore_mem>>) {add = true}
          %dma_wait3A_115 = arith.constant 0 : i32
          %dma_wait3A_116 = tpu.memref_slice %arg11[%mul3A_105, %dma_wait3A_115] : memref<192x128xf32, #tpu.memory_space<vmem>> -> memref<96x128xf32, #tpu.memory_space<vmem>>
          %dma_wait3A_117 = arith.constant 0 : i32
          %dma_wait3A_118 = tpu.memref_slice %arg10[%scan3A_60, %run_scoped3A, %dma_wait3A_117] : memref<105x1x96xi32, #tpu.memory_space<vmem>> -> memref<1x1x96xi32, #tpu.memory_space<vmem>>
          %dma_wait3A_119 = tpu.memref_squeeze %dma_wait3A_118 : memref<1x1x96xi32, #tpu.memory_space<vmem>> -> memref<96xi32, #tpu.memory_space<vmem>>
          %dma_wait3A_120 = arith.constant 0 : i32
          %dma_wait3A_121 = arith.constant 0 : i32
          %dma_wait3A_122 = tpu.memref_slice %arg8[%dma_wait3A_120, %dma_wait3A_121] : memref<10112x128xf32, #tpu.memory_space<vmem_shared>> -> memref<10112x128xf32, #tpu.memory_space<vmem_shared>>
          tpu.wait_indirect_dma semaphore(%run_scoped3A_106 : memref<!tpu.dma_semaphore, #tpu.memory_space<semaphore_mem>>) src(%dma_wait3A_116 : memref<96x128xf32, #tpu.memory_space<vmem>>) dst(%dma_wait3A_122 : memref<10112x128xf32, #tpu.memory_space<vmem_shared>>)
          tpu.yield
        }) : () -> ()
      }
      %scan3A_59 = arith.constant 105 : i32
    } else {
    }
    %eq3A_31 = arith.constant 1 : i32
    %eq3A_32 = arith.cmpi eq, %arg0, %eq3A_31 : i32
    %convert_element_type3A_33 = arith.extui %eq3A_32 : i1 to i32
    %cond3A_34 = arith.constant 0 : i32
    %cond3A_35 = arith.cmpi ne, %convert_element_type3A_33, %cond3A_34 : i32
    scf.if %cond3A_35 {
      %dma_start3A = arith.constant 0 : i32
      %dma_start3A_47 = arith.constant 0 : i32
      %dma_start3A_48 = tpu.memref_slice %arg11[%dma_start3A, %dma_start3A_47] : memref<192x128xf32, #tpu.memory_space<vmem>> -> memref<96x128xf32, #tpu.memory_space<vmem>>
      %dma_start3A_49 = arith.constant 0 : i32
      %dma_start3A_50 = tpu.memref_slice %arg9[%dma_start3A_49] : memref<10080xi32, #tpu.memory_space<vmem>> -> memref<96xi32, #tpu.memory_space<vmem>>
      %dma_start3A_51 = arith.constant 0 : i32
      %dma_start3A_52 = arith.constant 0 : i32
      %dma_start3A_53 = tpu.memref_slice %arg3[%dma_start3A_51, %dma_start3A_52] : memref<10000x128xf32, #tpu.memory_space<hbm>> -> memref<10000x128xf32, #tpu.memory_space<hbm>>
      tpu.enqueue_indirect_dma source(%dma_start3A_53 : memref<10000x128xf32, #tpu.memory_space<hbm>>) target(%dma_start3A_48 : memref<96x128xf32, #tpu.memory_space<vmem>>) offsets(%dma_start3A_50 : memref<96xi32, #tpu.memory_space<vmem>>) semaphore(%arg12 : memref<!tpu.dma_semaphore, #tpu.memory_space<semaphore_mem>>)
      %scan3A_54 = arith.constant 0 : i32
      %scan3A_55 = arith.constant 0 : i32
      %scan3A_56 = arith.constant 105 : i32
      %scan3A_57 = arith.addi %scan3A_55, %scan3A_56 : i32
      %scan3A_58 = arith.constant 1 : i32
      scf.for %scan3A_60 = %scan3A_55 to %scan3A_57 step %scan3A_58  : i32 {
        %mul3A_61 = arith.constant 96 : i32
        %mul3A_62 = arith.muli %scan3A_60, %mul3A_61 : i32
        %jit3A = arith.constant 2 : i32
        %eq3A_63 = arith.constant 0 : i32
        %eq3A_64 = arith.cmpi eq, %jit3A, %eq3A_63 : i32
        %jit3A_65 = arith.constant 1 : i32
        %select_n3A = arith.select %eq3A_64, %jit3A_65, %jit3A : i32
        %rem3A = arith.remsi %scan3A_60, %select_n3A : i32
        %ne3A = arith.constant 0 : i32
        %ne3A_66 = arith.cmpi ne, %rem3A, %ne3A : i32
        %lt3A_67 = arith.constant 0 : i32
        %lt3A_68 = arith.cmpi slt, %rem3A, %lt3A_67 : i32
        %lt3A_69 = arith.constant 0 : i32
        %lt3A_70 = arith.cmpi slt, %select_n3A, %lt3A_69 : i32
        %ne3A_71 = arith.xori %lt3A_68, %lt3A_70 : i1
        %and3A = arith.andi %ne3A_71, %ne3A_66 : i1
        %add3A_72 = arith.addi %rem3A, %select_n3A : i32
        %select_n3A_73 = arith.select %and3A, %add3A_72, %rem3A : i32
        %mul3A_74 = arith.constant 96 : i32
        %mul3A_75 = arith.muli %select_n3A_73, %mul3A_74 : i32
        %dma_wait3A = arith.constant 0 : i32
        %dma_wait3A_76 = tpu.memref_slice %arg11[%mul3A_75, %dma_wait3A] : memref<192x128xf32, #tpu.memory_space<vmem>> -> memref<96x128xf32, #tpu.memory_space<vmem>>
        %dma_wait3A_77 = tpu.memref_slice %arg9[%mul3A_62] : memref<10080xi32, #tpu.memory_space<vmem>> -> memref<96xi32, #tpu.memory_space<vmem>>
        %dma_wait3A_78 = arith.constant 0 : i32
        %dma_wait3A_79 = arith.constant 0 : i32
        %dma_wait3A_80 = tpu.memref_slice %arg3[%dma_wait3A_78, %dma_wait3A_79] : memref<10000x128xf32, #tpu.memory_space<hbm>> -> memref<10000x128xf32, #tpu.memory_space<hbm>>
        tpu.wait_indirect_dma semaphore(%arg12 : memref<!tpu.dma_semaphore, #tpu.memory_space<semaphore_mem>>) src(%dma_wait3A_80 : memref<10000x128xf32, #tpu.memory_space<hbm>>) dst(%dma_wait3A_76 : memref<96x128xf32, #tpu.memory_space<vmem>>)
        %add3A_81 = arith.constant 1 : i32
        %add3A_82 = arith.addi %scan3A_60, %add3A_81 : i32
        %lt3A_83 = arith.constant 105 : i32
        %lt3A_84 = arith.cmpi slt, %add3A_82, %lt3A_83 : i32
        %convert_element_type3A_85 = arith.extui %lt3A_84 : i1 to i32
        %cond3A_86 = arith.constant 0 : i32
        %cond3A_87 = arith.cmpi ne, %convert_element_type3A_85, %cond3A_86 : i32
        scf.if %cond3A_87 {
          %add3A_106 = arith.constant 1 : i32
          %add3A_107 = arith.addi %scan3A_60, %add3A_106 : i32
          %min3A = arith.constant 104 : i32
          %min3A_108 = arith.minsi %add3A_107, %min3A : i32
          %mul3A_109 = arith.constant 96 : i32
          %mul3A_110 = arith.muli %min3A_108, %mul3A_109 : i32
          %jit3A_111 = arith.constant 2 : i32
          %eq3A_112 = arith.constant 0 : i32
          %eq3A_113 = arith.cmpi eq, %jit3A_111, %eq3A_112 : i32
          %jit3A_114 = arith.constant 1 : i32
          %select_n3A_115 = arith.select %eq3A_113, %jit3A_114, %jit3A_111 : i32
          %rem3A_116 = arith.remsi %min3A_108, %select_n3A_115 : i32
          %ne3A_117 = arith.constant 0 : i32
          %ne3A_118 = arith.cmpi ne, %rem3A_116, %ne3A_117 : i32
          %lt3A_119 = arith.constant 0 : i32
          %lt3A_120 = arith.cmpi slt, %rem3A_116, %lt3A_119 : i32
          %lt3A_121 = arith.constant 0 : i32
          %lt3A_122 = arith.cmpi slt, %select_n3A_115, %lt3A_121 : i32
          %ne3A_123 = arith.xori %lt3A_120, %lt3A_122 : i1
          %and3A_124 = arith.andi %ne3A_123, %ne3A_118 : i1
          %add3A_125 = arith.addi %rem3A_116, %select_n3A_115 : i32
          %select_n3A_126 = arith.select %and3A_124, %add3A_125, %rem3A_116 : i32
          %mul3A_127 = arith.constant 96 : i32
          %mul3A_128 = arith.muli %select_n3A_126, %mul3A_127 : i32
          %dma_start3A_129 = arith.constant 0 : i32
          %dma_start3A_130 = tpu.memref_slice %arg11[%mul3A_128, %dma_start3A_129] : memref<192x128xf32, #tpu.memory_space<vmem>> -> memref<96x128xf32, #tpu.memory_space<vmem>>
          %dma_start3A_131 = tpu.memref_slice %arg9[%mul3A_110] : memref<10080xi32, #tpu.memory_space<vmem>> -> memref<96xi32, #tpu.memory_space<vmem>>
          %dma_start3A_132 = arith.constant 0 : i32
          %dma_start3A_133 = arith.constant 0 : i32
          %dma_start3A_134 = tpu.memref_slice %arg3[%dma_start3A_132, %dma_start3A_133] : memref<10000x128xf32, #tpu.memory_space<hbm>> -> memref<10000x128xf32, #tpu.memory_space<hbm>>
          tpu.enqueue_indirect_dma source(%dma_start3A_134 : memref<10000x128xf32, #tpu.memory_space<hbm>>) target(%dma_start3A_130 : memref<96x128xf32, #tpu.memory_space<vmem>>) offsets(%dma_start3A_131 : memref<96xi32, #tpu.memory_space<vmem>>) semaphore(%arg12 : memref<!tpu.dma_semaphore, #tpu.memory_space<semaphore_mem>>)
        } else {
        }
        %jit3A_88 = arith.constant 2 : i32
        %eq3A_89 = arith.constant 0 : i32
        %eq3A_90 = arith.cmpi eq, %jit3A_88, %eq3A_89 : i32
        %jit3A_91 = arith.constant 1 : i32
        %select_n3A_92 = arith.select %eq3A_90, %jit3A_91, %jit3A_88 : i32
        %rem3A_93 = arith.remsi %scan3A_60, %select_n3A_92 : i32
        %ne3A_94 = arith.constant 0 : i32
        %ne3A_95 = arith.cmpi ne, %rem3A_93, %ne3A_94 : i32
        %lt3A_96 = arith.constant 0 : i32
        %lt3A_97 = arith.cmpi slt, %rem3A_93, %lt3A_96 : i32
        %lt3A_98 = arith.constant 0 : i32
        %lt3A_99 = arith.cmpi slt, %select_n3A_92, %lt3A_98 : i32
        %ne3A_100 = arith.xori %lt3A_97, %lt3A_99 : i1
        %and3A_101 = arith.andi %ne3A_100, %ne3A_95 : i1
        %add3A_102 = arith.addi %rem3A_93, %select_n3A_92 : i32
        %select_n3A_103 = arith.select %and3A_101, %add3A_102, %rem3A_93 : i32
        %mul3A_104 = arith.constant 96 : i32
        %mul3A_105 = arith.muli %select_n3A_103, %mul3A_104 : i32
        %run_scoped3A = arith.constant 0 : i32
        "tpu.region"() ({
          %run_scoped3A_106 = tpu.sem_alloc : memref<!tpu.dma_semaphore, #tpu.memory_space<semaphore_mem>>
          %dma_start3A_107 = arith.constant 0 : i32
          %dma_start3A_108 = tpu.memref_slice %arg11[%mul3A_105, %dma_start3A_107] : memref<192x128xf32, #tpu.memory_space<vmem>> -> memref<96x128xf32, #tpu.memory_space<vmem>>
          %dma_start3A_109 = arith.constant 0 : i32
          %dma_start3A_110 = tpu.memref_slice %arg10[%scan3A_60, %run_scoped3A, %dma_start3A_109] : memref<105x1x96xi32, #tpu.memory_space<vmem>> -> memref<1x1x96xi32, #tpu.memory_space<vmem>>
          %dma_start3A_111 = tpu.memref_squeeze %dma_start3A_110 : memref<1x1x96xi32, #tpu.memory_space<vmem>> -> memref<96xi32, #tpu.memory_space<vmem>>
          %dma_start3A_112 = arith.constant 0 : i32
          %dma_start3A_113 = arith.constant 0 : i32
          %dma_start3A_114 = tpu.memref_slice %arg8[%dma_start3A_112, %dma_start3A_113] : memref<10112x128xf32, #tpu.memory_space<vmem_shared>> -> memref<10112x128xf32, #tpu.memory_space<vmem_shared>>
          tpu.enqueue_indirect_dma source(%dma_start3A_108 : memref<96x128xf32, #tpu.memory_space<vmem>>) target(%dma_start3A_114 : memref<10112x128xf32, #tpu.memory_space<vmem_shared>>) offsets(%dma_start3A_111 : memref<96xi32, #tpu.memory_space<vmem>>) semaphore(%run_scoped3A_106 : memref<!tpu.dma_semaphore, #tpu.memory_space<semaphore_mem>>) {add = true}
          %dma_wait3A_115 = arith.constant 0 : i32
          %dma_wait3A_116 = tpu.memref_slice %arg11[%mul3A_105, %dma_wait3A_115] : memref<192x128xf32, #tpu.memory_space<vmem>> -> memref<96x128xf32, #tpu.memory_space<vmem>>
          %dma_wait3A_117 = arith.constant 0 : i32
          %dma_wait3A_118 = tpu.memref_slice %arg10[%scan3A_60, %run_scoped3A, %dma_wait3A_117] : memref<105x1x96xi32, #tpu.memory_space<vmem>> -> memref<1x1x96xi32, #tpu.memory_space<vmem>>
          %dma_wait3A_119 = tpu.memref_squeeze %dma_wait3A_118 : memref<1x1x96xi32, #tpu.memory_space<vmem>> -> memref<96xi32, #tpu.memory_space<vmem>>
          %dma_wait3A_120 = arith.constant 0 : i32
          %dma_wait3A_121 = arith.constant 0 : i32
          %dma_wait3A_122 = tpu.memref_slice %arg8[%dma_wait3A_120, %dma_wait3A_121] : memref<10112x128xf32, #tpu.memory_space<vmem_shared>> -> memref<10112x128xf32, #tpu.memory_space<vmem_shared>>
          tpu.wait_indirect_dma semaphore(%run_scoped3A_106 : memref<!tpu.dma_semaphore, #tpu.memory_space<semaphore_mem>>) src(%dma_wait3A_116 : memref<96x128xf32, #tpu.memory_space<vmem>>) dst(%dma_wait3A_122 : memref<10112x128xf32, #tpu.memory_space<vmem_shared>>)
          tpu.yield
        }) : () -> ()
      }
      %scan3A_59 = arith.constant 105 : i32
    } else {
    }
    %barrier3A_36 = arith.constant 0 : index
    tpu.barrier barrier_id(%barrier3A_36)
    %eq3A_37 = arith.constant 0 : i32
    %eq3A_38 = arith.cmpi eq, %arg0, %eq3A_37 : i32
    %convert_element_type3A_39 = arith.extui %eq3A_38 : i1 to i32
    %cond3A_40 = arith.constant 0 : i32
    %cond3A_41 = arith.cmpi ne, %convert_element_type3A_39, %cond3A_40 : i32
    scf.if %cond3A_41 {
      %lt3A_47 = arith.constant 15 : i32
      %lt3A_48 = arith.cmpi slt, %arg1, %lt3A_47 : i32
      %convert_element_type3A_49 = arith.extui %lt3A_48 : i1 to i32
      %cond3A_50 = arith.constant 0 : i32
      %cond3A_51 = arith.cmpi ne, %convert_element_type3A_49, %cond3A_50 : i32
      scf.if %cond3A_51 {
        "tpu.region"() ({
          %run_scoped3A = tpu.sem_alloc : memref<!tpu.dma_semaphore, #tpu.memory_space<semaphore_mem>>
          %dma_start3A = arith.constant 0 : i32
          %dma_start3A_57 = tpu.memref_slice %arg6[%mul3A_5, %dma_start3A] : memref<10000x128xf32, #tpu.memory_space<hbm>> -> memref<632x128xf32, #tpu.memory_space<hbm>>
          %dma_start3A_58 = arith.constant 0 : i32
          %dma_start3A_59 = tpu.memref_slice %arg8[%mul3A_5, %dma_start3A_58] : memref<10112x128xf32, #tpu.memory_space<vmem_shared>> -> memref<632x128xf32, #tpu.memory_space<vmem_shared>>
          tpu.enqueue_dma source(%dma_start3A_59 : memref<632x128xf32, #tpu.memory_space<vmem_shared>>) target(%dma_start3A_57 : memref<632x128xf32, #tpu.memory_space<hbm>>) target_semaphore(%run_scoped3A : memref<!tpu.dma_semaphore, #tpu.memory_space<semaphore_mem>>)
          %dma_wait3A = arith.constant 0 : i32
          %dma_wait3A_60 = tpu.memref_slice %arg6[%mul3A_5, %dma_wait3A] : memref<10000x128xf32, #tpu.memory_space<hbm>> -> memref<632x128xf32, #tpu.memory_space<hbm>>
          %dma_wait3A_61 = arith.constant 0 : i32
          %dma_wait3A_62 = tpu.memref_slice %arg8[%mul3A_5, %dma_wait3A_61] : memref<10112x128xf32, #tpu.memory_space<vmem_shared>> -> memref<632x128xf32, #tpu.memory_space<vmem_shared>>
          tpu.wait_dma2 semaphore(%run_scoped3A : memref<!tpu.dma_semaphore, #tpu.memory_space<semaphore_mem>>) src(%dma_wait3A_62 : memref<632x128xf32, #tpu.memory_space<vmem_shared>>) dst(%dma_wait3A_60 : memref<632x128xf32, #tpu.memory_space<hbm>>)
          tpu.yield
        }) : () -> ()
      } else {
      }
      %eq3A_52 = arith.constant 15 : i32
      %eq3A_53 = arith.cmpi eq, %arg1, %eq3A_52 : i32
      %convert_element_type3A_54 = arith.extui %eq3A_53 : i1 to i32
      %cond3A_55 = arith.constant 0 : i32
      %cond3A_56 = arith.cmpi ne, %convert_element_type3A_54, %cond3A_55 : i32
      scf.if %cond3A_56 {
        "tpu.region"() ({
          %run_scoped3A = tpu.sem_alloc : memref<!tpu.dma_semaphore, #tpu.memory_space<semaphore_mem>>
          %dma_start3A = arith.constant 9480 : i32
          %dma_start3A_57 = arith.constant 0 : i32
          %dma_start3A_58 = tpu.memref_slice %arg6[%dma_start3A, %dma_start3A_57] : memref<10000x128xf32, #tpu.memory_space<hbm>> -> memref<520x128xf32, #tpu.memory_space<hbm>>
          %dma_start3A_59 = arith.constant 9480 : i32
          %dma_start3A_60 = arith.constant 0 : i32
          %dma_start3A_61 = tpu.memref_slice %arg8[%dma_start3A_59, %dma_start3A_60] : memref<10112x128xf32, #tpu.memory_space<vmem_shared>> -> memref<520x128xf32, #tpu.memory_space<vmem_shared>>
          tpu.enqueue_dma source(%dma_start3A_61 : memref<520x128xf32, #tpu.memory_space<vmem_shared>>) target(%dma_start3A_58 : memref<520x128xf32, #tpu.memory_space<hbm>>) target_semaphore(%run_scoped3A : memref<!tpu.dma_semaphore, #tpu.memory_space<semaphore_mem>>)
          %dma_wait3A = arith.constant 9480 : i32
          %dma_wait3A_62 = arith.constant 0 : i32
          %dma_wait3A_63 = tpu.memref_slice %arg6[%dma_wait3A, %dma_wait3A_62] : memref<10000x128xf32, #tpu.memory_space<hbm>> -> memref<520x128xf32, #tpu.memory_space<hbm>>
          %dma_wait3A_64 = arith.constant 9480 : i32
          %dma_wait3A_65 = arith.constant 0 : i32
          %dma_wait3A_66 = tpu.memref_slice %arg8[%dma_wait3A_64, %dma_wait3A_65] : memref<10112x128xf32, #tpu.memory_space<vmem_shared>> -> memref<520x128xf32, #tpu.memory_space<vmem_shared>>
          tpu.wait_dma2 semaphore(%run_scoped3A : memref<!tpu.dma_semaphore, #tpu.memory_space<semaphore_mem>>) src(%dma_wait3A_66 : memref<520x128xf32, #tpu.memory_space<vmem_shared>>) dst(%dma_wait3A_63 : memref<520x128xf32, #tpu.memory_space<hbm>>)
          tpu.yield
        }) : () -> ()
      } else {
      }
    } else {
    }
    %eq3A_42 = arith.constant 1 : i32
    %eq3A_43 = arith.cmpi eq, %arg0, %eq3A_42 : i32
    %convert_element_type3A_44 = arith.extui %eq3A_43 : i1 to i32
    %cond3A_45 = arith.constant 0 : i32
    %cond3A_46 = arith.cmpi ne, %convert_element_type3A_44, %cond3A_45 : i32
    scf.if %cond3A_46 {
      %lt3A_47 = arith.constant 15 : i32
      %lt3A_48 = arith.cmpi slt, %arg1, %lt3A_47 : i32
      %convert_element_type3A_49 = arith.extui %lt3A_48 : i1 to i32
      %cond3A_50 = arith.constant 0 : i32
      %cond3A_51 = arith.cmpi ne, %convert_element_type3A_49, %cond3A_50 : i32
      scf.if %cond3A_51 {
        "tpu.region"() ({
          %run_scoped3A = tpu.sem_alloc : memref<!tpu.dma_semaphore, #tpu.memory_space<semaphore_mem>>
          %dma_start3A = arith.constant 0 : i32
          %dma_start3A_57 = tpu.memref_slice %arg7[%mul3A_5, %dma_start3A] : memref<10000x128xf32, #tpu.memory_space<hbm>> -> memref<632x128xf32, #tpu.memory_space<hbm>>
          %dma_start3A_58 = arith.constant 0 : i32
          %dma_start3A_59 = tpu.memref_slice %arg8[%mul3A_5, %dma_start3A_58] : memref<10112x128xf32, #tpu.memory_space<vmem_shared>> -> memref<632x128xf32, #tpu.memory_space<vmem_shared>>
          tpu.enqueue_dma source(%dma_start3A_59 : memref<632x128xf32, #tpu.memory_space<vmem_shared>>) target(%dma_start3A_57 : memref<632x128xf32, #tpu.memory_space<hbm>>) target_semaphore(%run_scoped3A : memref<!tpu.dma_semaphore, #tpu.memory_space<semaphore_mem>>)
          %dma_wait3A = arith.constant 0 : i32
          %dma_wait3A_60 = tpu.memref_slice %arg7[%mul3A_5, %dma_wait3A] : memref<10000x128xf32, #tpu.memory_space<hbm>> -> memref<632x128xf32, #tpu.memory_space<hbm>>
          %dma_wait3A_61 = arith.constant 0 : i32
          %dma_wait3A_62 = tpu.memref_slice %arg8[%mul3A_5, %dma_wait3A_61] : memref<10112x128xf32, #tpu.memory_space<vmem_shared>> -> memref<632x128xf32, #tpu.memory_space<vmem_shared>>
          tpu.wait_dma2 semaphore(%run_scoped3A : memref<!tpu.dma_semaphore, #tpu.memory_space<semaphore_mem>>) src(%dma_wait3A_62 : memref<632x128xf32, #tpu.memory_space<vmem_shared>>) dst(%dma_wait3A_60 : memref<632x128xf32, #tpu.memory_space<hbm>>)
          tpu.yield
        }) : () -> ()
      } else {
      }
      %eq3A_52 = arith.constant 15 : i32
      %eq3A_53 = arith.cmpi eq, %arg1, %eq3A_52 : i32
      %convert_element_type3A_54 = arith.extui %eq3A_53 : i1 to i32
      %cond3A_55 = arith.constant 0 : i32
      %cond3A_56 = arith.cmpi ne, %convert_element_type3A_54, %cond3A_55 : i32
      scf.if %cond3A_56 {
        "tpu.region"() ({
          %run_scoped3A = tpu.sem_alloc : memref<!tpu.dma_semaphore, #tpu.memory_space<semaphore_mem>>
          %dma_start3A = arith.constant 9480 : i32
          %dma_start3A_57 = arith.constant 0 : i32
          %dma_start3A_58 = tpu.memref_slice %arg7[%dma_start3A, %dma_start3A_57] : memref<10000x128xf32, #tpu.memory_space<hbm>> -> memref<520x128xf32, #tpu.memory_space<hbm>>
          %dma_start3A_59 = arith.constant 9480 : i32
          %dma_start3A_60 = arith.constant 0 : i32
          %dma_start3A_61 = tpu.memref_slice %arg8[%dma_start3A_59, %dma_start3A_60] : memref<10112x128xf32, #tpu.memory_space<vmem_shared>> -> memref<520x128xf32, #tpu.memory_space<vmem_shared>>
          tpu.enqueue_dma source(%dma_start3A_61 : memref<520x128xf32, #tpu.memory_space<vmem_shared>>) target(%dma_start3A_58 : memref<520x128xf32, #tpu.memory_space<hbm>>) target_semaphore(%run_scoped3A : memref<!tpu.dma_semaphore, #tpu.memory_space<semaphore_mem>>)
          %dma_wait3A = arith.constant 9480 : i32
          %dma_wait3A_62 = arith.constant 0 : i32
          %dma_wait3A_63 = tpu.memref_slice %arg7[%dma_wait3A, %dma_wait3A_62] : memref<10000x128xf32, #tpu.memory_space<hbm>> -> memref<520x128xf32, #tpu.memory_space<hbm>>
          %dma_wait3A_64 = arith.constant 9480 : i32
          %dma_wait3A_65 = arith.constant 0 : i32
          %dma_wait3A_66 = tpu.memref_slice %arg8[%dma_wait3A_64, %dma_wait3A_65] : memref<10112x128xf32, #tpu.memory_space<vmem_shared>> -> memref<520x128xf32, #tpu.memory_space<vmem_shared>>
          tpu.wait_dma2 semaphore(%run_scoped3A : memref<!tpu.dma_semaphore, #tpu.memory_space<semaphore_mem>>) src(%dma_wait3A_66 : memref<520x128xf32, #tpu.memory_space<vmem_shared>>) dst(%dma_wait3A_63 : memref<520x128xf32, #tpu.memory_space<hbm>>)
          tpu.yield
        }) : () -> ()
      } else {
      }
    } else {
    }
    return
  }
}

#map = affine_map<(d0, d1) -> (0, 0)>
#map1 = affine_map<(d0, d1) -> (0)>
#map2 = affine_map<(d0, d1) -> (0, 0, 0)>
module attributes {stable_mosaic.version = 14 : i64} {
  func.func @body(%arg0: i32, %arg1: i32, %arg2: memref<10000x128xf32, #tpu.memory_space<hbm>>, %arg3: memref<10000x128xf32, #tpu.memory_space<hbm>>, %arg4: memref<161280xi32, #tpu.memory_space<hbm>>, %arg5: memref<1680x1x96xi32, #tpu.memory_space<hbm>>, %arg6: memref<10000x128xf32, #tpu.memory_space<hbm>>, %arg7: memref<10000x128xf32, #tpu.memory_space<hbm>>, %arg8: memref<10112x128xf32, #tpu.memory_space<vmem_shared>>, %arg9: memref<10080xi32, #tpu.memory_space<vmem>>, %arg10: memref<105x1x96xi32, #tpu.memory_space<vmem>>, %arg11: memref<192x128xf32, #tpu.memory_space<vmem>>, %arg12: memref<!tpu.dma_semaphore, #tpu.memory_space<semaphore_mem>>, %arg13: memref<!tpu.dma_semaphore, #tpu.memory_space<semaphore_mem>>) attributes {dimension_semantics = [#tpu.dimension_semantics<core_parallel>, #tpu.dimension_semantics<subcore_parallel>], iteration_bounds = array<i64: 2, 16>, scalar_prefetch = 0 : i64, scratch_operands = 6 : i64, tpu.core_type = #tpu.core_type<sc_vector_subcore>, window_params = [{transform_indices = #map}, {transform_indices = #map}, {transform_indices = #map1}, {transform_indices = #map2}, {transform_indices = #map}, {transform_indices = #map}]} {
    %scan3A = arith.constant 0 : i32
    %scan3A_0 = arith.constant 0 : i32
    %scan3A_1 = arith.constant 768 : i32
    %scan3A_2 = arith.addi %scan3A_0, %scan3A_1 : i32
    %scan3A_3 = arith.constant 1 : i32
    scf.for %scan3A_47 = %scan3A_0 to %scan3A_2 step %scan3A_3  : i32 {
      %broadcast_in_dim3A = arith.constant 0.000000e+00 : f32
      %broadcast_in_dim3A_48 = vector.broadcast %broadcast_in_dim3A : f32 to vector<16xf32>
      %jit3A = arith.constant 8 : i32
      %div3A = arith.divsi %scan3A_47, %jit3A : i32
      %sign3A = arith.constant 0 : i32
      %sign3A_49 = arith.cmpi sgt, %scan3A_47, %sign3A : i32
      %sign3A_50 = arith.extui %sign3A_49 : i1 to i32
      %sign3A_51 = arith.constant 0 : i32
      %sign3A_52 = arith.cmpi slt, %scan3A_47, %sign3A_51 : i32
      %sign3A_53 = arith.extui %sign3A_52 : i1 to i32
      %sign3A_54 = arith.subi %sign3A_50, %sign3A_53 : i32
      %sign3A_55 = arith.constant 0 : i32
      %sign3A_56 = arith.cmpi sgt, %jit3A, %sign3A_55 : i32
      %sign3A_57 = arith.extui %sign3A_56 : i1 to i32
      %sign3A_58 = arith.constant 0 : i32
      %sign3A_59 = arith.cmpi slt, %jit3A, %sign3A_58 : i32
      %sign3A_60 = arith.extui %sign3A_59 : i1 to i32
      %sign3A_61 = arith.subi %sign3A_57, %sign3A_60 : i32
      %ne3A = arith.cmpi ne, %sign3A_54, %sign3A_61 : i32
      %rem3A = arith.remsi %scan3A_47, %jit3A : i32
      %ne3A_62 = arith.constant 0 : i32
      %ne3A_63 = arith.cmpi ne, %rem3A, %ne3A_62 : i32
      %and3A = arith.andi %ne3A, %ne3A_63 : i1
      %sub3A = arith.constant 1 : i32
      %sub3A_64 = arith.subi %div3A, %sub3A : i32
      %select_n3A = arith.select %and3A, %sub3A_64, %div3A : i32
      %jit3A_65 = arith.constant 8 : i32
      %eq3A_66 = arith.constant 0 : i32
      %eq3A_67 = arith.cmpi eq, %jit3A_65, %eq3A_66 : i32
      %jit3A_68 = arith.constant 1 : i32
      %select_n3A_69 = arith.select %eq3A_67, %jit3A_68, %jit3A_65 : i32
      %rem3A_70 = arith.remsi %scan3A_47, %select_n3A_69 : i32
      %ne3A_71 = arith.constant 0 : i32
      %ne3A_72 = arith.cmpi ne, %rem3A_70, %ne3A_71 : i32
      %lt3A_73 = arith.constant 0 : i32
      %lt3A_74 = arith.cmpi slt, %rem3A_70, %lt3A_73 : i32
      %lt3A_75 = arith.constant 0 : i32
      %lt3A_76 = arith.cmpi slt, %select_n3A_69, %lt3A_75 : i32
      %ne3A_77 = arith.xori %lt3A_74, %lt3A_76 : i1
      %and3A_78 = arith.andi %ne3A_77, %ne3A_72 : i1
      %add3A_79 = arith.addi %rem3A_70, %select_n3A_69 : i32
      %select_n3A_80 = arith.select %and3A_78, %add3A_79, %rem3A_70 : i32
      %mul3A_81 = arith.constant 16 : i32
      %mul3A_82 = arith.muli %select_n3A_80, %mul3A_81 : i32
      %swap3A = arith.index_cast %select_n3A : i32 to index
      %swap3A_83 = arith.index_cast %mul3A_82 : i32 to index
      %swap3A_84 = tpu.vector_load %arg11[%swap3A, %swap3A_83] {strides = array<i32>} : memref<192x128xf32, #tpu.memory_space<vmem>>, vector<1x16xf32>,
      %swap3A_85 = vector.shape_cast %swap3A_84 : vector<1x16xf32> to vector<16xf32>
      %swap3A_86 = vector.shape_cast %broadcast_in_dim3A_48 : vector<16xf32> to vector<1x16xf32>
      tpu.vector_store %arg11[%swap3A, %swap3A_83], %swap3A_86 {strides = array<i32>} : memref<192x128xf32, #tpu.memory_space<vmem>>, vector<1x16xf32>,
    }
    %scan3A_4 = arith.constant 768 : i32
    %mul3A = arith.constant 632 : i32
    %mul3A_5 = arith.muli %arg1, %mul3A : i32
    %add3A = arith.constant 0 : i32
    %add3A_6 = arith.addi %mul3A_5, %add3A : i32
    "tpu.region"() ({
      %run_scoped3A = tpu.sem_alloc : memref<!tpu.dma_semaphore, #tpu.memory_space<semaphore_mem>>
      %dma_start3A = arith.constant 0 : i32
      %dma_start3A_47 = arith.constant 0 : i32
      %dma_start3A_48 = tpu.memref_slice %arg11[%dma_start3A, %dma_start3A_47] : memref<192x128xf32, #tpu.memory_space<vmem>> -> memref<96x128xf32, #tpu.memory_space<vmem>>
      %dma_start3A_49 = arith.constant 0 : i32
      %dma_start3A_50 = tpu.memref_slice %arg8[%add3A_6, %dma_start3A_49] : memref<10112x128xf32, #tpu.memory_space<vmem_shared>> -> memref<96x128xf32, #tpu.memory_space<vmem_shared>>
      %dma_start3A_51 = arith.constant 0 : i32
      %dma_start3A_52 = tpu.memref_slice %arg8[%add3A_6, %dma_start3A_51] : memref<10112x128xf32, #tpu.memory_space<vmem_shared>> -> memref<96x128xf32, #tpu.memory_space<vmem_shared>>
      %dma_start3A_53 = arith.constant 0 : i32
      %dma_start3A_54 = arith.constant 0 : i32
      %dma_start3A_55 = tpu.memref_slice %arg11[%dma_start3A_53, %dma_start3A_54] : memref<192x128xf32, #tpu.memory_space<vmem>> -> memref<96x128xf32, #tpu.memory_space<vmem>>
      tpu.enqueue_dma source(%dma_start3A_55 : memref<96x128xf32, #tpu.memory_space<vmem>>) target(%dma_start3A_52 : memref<96x128xf32, #tpu.memory_space<vmem_shared>>) target_semaphore(%run_scoped3A : memref<!tpu.dma_semaphore, #tpu.memory_space<semaphore_mem>>)
      %dma_wait3A = arith.constant 0 : i32
      %dma_wait3A_56 = arith.constant 0 : i32
      %dma_wait3A_57 = tpu.memref_slice %arg11[%dma_wait3A, %dma_wait3A_56] : memref<192x128xf32, #tpu.memory_space<vmem>> -> memref<96x128xf32, #tpu.memory_space<vmem>>
      %dma_wait3A_58 = arith.constant 0 : i32
      %dma_wait3A_59 = tpu.memref_slice %arg8[%add3A_6, %dma_wait3A_58] : memref<10112x128xf32, #tpu.memory_space<vmem_shared>> -> memref<96x128xf32, #tpu.memory_space<vmem_shared>>
      %dma_wait3A_60 = arith.constant 0 : i32
      %dma_wait3A_61 = tpu.memref_slice %arg8[%add3A_6, %dma_wait3A_60] : memref<10112x128xf32, #tpu.memory_space<vmem_shared>> -> memref<96x128xf32, #tpu.memory_space<vmem_shared>>
      %dma_wait3A_62 = arith.constant 0 : i32
      %dma_wait3A_63 = arith.constant 0 : i32
      %dma_wait3A_64 = tpu.memref_slice %arg11[%dma_wait3A_62, %dma_wait3A_63] : memref<192x128xf32, #tpu.memory_space<vmem>> -> memref<96x128xf32, #tpu.memory_space<vmem>>
      tpu.wait_dma2 semaphore(%run_scoped3A : memref<!tpu.dma_semaphore, #tpu.memory_space<semaphore_mem>>) src(%dma_wait3A_64 : memref<96x128xf32, #tpu.memory_space<vmem>>) dst(%dma_wait3A_61 : memref<96x128xf32, #tpu.memory_space<vmem_shared>>)
      tpu.yield
    }) : () -> ()
    %add3A_7 = arith.constant 96 : i32
    %add3A_8 = arith.addi %mul3A_5, %add3A_7 : i32
    "tpu.region"() ({
      %run_scoped3A = tpu.sem_alloc : memref<!tpu.dma_semaphore, #tpu.memory_space<semaphore_mem>>
      %dma_start3A = arith.constant 0 : i32
      %dma_start3A_47 = arith.constant 0 : i32
      %dma_start3A_48 = tpu.memref_slice %arg11[%dma_start3A, %dma_start3A_47] : memref<192x128xf32, #tpu.memory_space<vmem>> -> memref<96x128xf32, #tpu.memory_space<vmem>>
      %dma_start3A_49 = arith.constant 0 : i32
      %dma_start3A_50 = tpu.memref_slice %arg8[%add3A_8, %dma_start3A_49] : memref<10112x128xf32, #tpu.memory_space<vmem_shared>> -> memref<96x128xf32, #tpu.memory_space<vmem_shared>>
      %dma_start3A_51 = arith.constant 0 : i32
      %dma_start3A_52 = tpu.memref_slice %arg8[%add3A_8, %dma_start3A_51] : memref<10112x128xf32, #tpu.memory_space<vmem_shared>> -> memref<96x128xf32, #tpu.memory_space<vmem_shared>>
      %dma_start3A_53 = arith.constant 0 : i32
      %dma_start3A_54 = arith.constant 0 : i32
      %dma_start3A_55 = tpu.memref_slice %arg11[%dma_start3A_53, %dma_start3A_54] : memref<192x128xf32, #tpu.memory_space<vmem>> -> memref<96x128xf32, #tpu.memory_space<vmem>>
      tpu.enqueue_dma source(%dma_start3A_55 : memref<96x128xf32, #tpu.memory_space<vmem>>) target(%dma_start3A_52 : memref<96x128xf32, #tpu.memory_space<vmem_shared>>) target_semaphore(%run_scoped3A : memref<!tpu.dma_semaphore, #tpu.memory_space<semaphore_mem>>)
      %dma_wait3A = arith.constant 0 : i32
      %dma_wait3A_56 = arith.constant 0 : i32
      %dma_wait3A_57 = tpu.memref_slice %arg11[%dma_wait3A, %dma_wait3A_56] : memref<192x128xf32, #tpu.memory_space<vmem>> -> memref<96x128xf32, #tpu.memory_space<vmem>>
      %dma_wait3A_58 = arith.constant 0 : i32
      %dma_wait3A_59 = tpu.memref_slice %arg8[%add3A_8, %dma_wait3A_58] : memref<10112x128xf32, #tpu.memory_space<vmem_shared>> -> memref<96x128xf32, #tpu.memory_space<vmem_shared>>
      %dma_wait3A_60 = arith.constant 0 : i32
      %dma_wait3A_61 = tpu.memref_slice %arg8[%add3A_8, %dma_wait3A_60] : memref<10112x128xf32, #tpu.memory_space<vmem_shared>> -> memref<96x128xf32, #tpu.memory_space<vmem_shared>>
      %dma_wait3A_62 = arith.constant 0 : i32
      %dma_wait3A_63 = arith.constant 0 : i32
      %dma_wait3A_64 = tpu.memref_slice %arg11[%dma_wait3A_62, %dma_wait3A_63] : memref<192x128xf32, #tpu.memory_space<vmem>> -> memref<96x128xf32, #tpu.memory_space<vmem>>
      tpu.wait_dma2 semaphore(%run_scoped3A : memref<!tpu.dma_semaphore, #tpu.memory_space<semaphore_mem>>) src(%dma_wait3A_64 : memref<96x128xf32, #tpu.memory_space<vmem>>) dst(%dma_wait3A_61 : memref<96x128xf32, #tpu.memory_space<vmem_shared>>)
      tpu.yield
    }) : () -> ()
    %add3A_9 = arith.constant 192 : i32
    %add3A_10 = arith.addi %mul3A_5, %add3A_9 : i32
    "tpu.region"() ({
      %run_scoped3A = tpu.sem_alloc : memref<!tpu.dma_semaphore, #tpu.memory_space<semaphore_mem>>
      %dma_start3A = arith.constant 0 : i32
      %dma_start3A_47 = arith.constant 0 : i32
      %dma_start3A_48 = tpu.memref_slice %arg11[%dma_start3A, %dma_start3A_47] : memref<192x128xf32, #tpu.memory_space<vmem>> -> memref<96x128xf32, #tpu.memory_space<vmem>>
      %dma_start3A_49 = arith.constant 0 : i32
      %dma_start3A_50 = tpu.memref_slice %arg8[%add3A_10, %dma_start3A_49] : memref<10112x128xf32, #tpu.memory_space<vmem_shared>> -> memref<96x128xf32, #tpu.memory_space<vmem_shared>>
      %dma_start3A_51 = arith.constant 0 : i32
      %dma_start3A_52 = tpu.memref_slice %arg8[%add3A_10, %dma_start3A_51] : memref<10112x128xf32, #tpu.memory_space<vmem_shared>> -> memref<96x128xf32, #tpu.memory_space<vmem_shared>>
      %dma_start3A_53 = arith.constant 0 : i32
      %dma_start3A_54 = arith.constant 0 : i32
      %dma_start3A_55 = tpu.memref_slice %arg11[%dma_start3A_53, %dma_start3A_54] : memref<192x128xf32, #tpu.memory_space<vmem>> -> memref<96x128xf32, #tpu.memory_space<vmem>>
      tpu.enqueue_dma source(%dma_start3A_55 : memref<96x128xf32, #tpu.memory_space<vmem>>) target(%dma_start3A_52 : memref<96x128xf32, #tpu.memory_space<vmem_shared>>) target_semaphore(%run_scoped3A : memref<!tpu.dma_semaphore, #tpu.memory_space<semaphore_mem>>)
      %dma_wait3A = arith.constant 0 : i32
      %dma_wait3A_56 = arith.constant 0 : i32
      %dma_wait3A_57 = tpu.memref_slice %arg11[%dma_wait3A, %dma_wait3A_56] : memref<192x128xf32, #tpu.memory_space<vmem>> -> memref<96x128xf32, #tpu.memory_space<vmem>>
      %dma_wait3A_58 = arith.constant 0 : i32
      %dma_wait3A_59 = tpu.memref_slice %arg8[%add3A_10, %dma_wait3A_58] : memref<10112x128xf32, #tpu.memory_space<vmem_shared>> -> memref<96x128xf32, #tpu.memory_space<vmem_shared>>
      %dma_wait3A_60 = arith.constant 0 : i32
      %dma_wait3A_61 = tpu.memref_slice %arg8[%add3A_10, %dma_wait3A_60] : memref<10112x128xf32, #tpu.memory_space<vmem_shared>> -> memref<96x128xf32, #tpu.memory_space<vmem_shared>>
      %dma_wait3A_62 = arith.constant 0 : i32
      %dma_wait3A_63 = arith.constant 0 : i32
      %dma_wait3A_64 = tpu.memref_slice %arg11[%dma_wait3A_62, %dma_wait3A_63] : memref<192x128xf32, #tpu.memory_space<vmem>> -> memref<96x128xf32, #tpu.memory_space<vmem>>
      tpu.wait_dma2 semaphore(%run_scoped3A : memref<!tpu.dma_semaphore, #tpu.memory_space<semaphore_mem>>) src(%dma_wait3A_64 : memref<96x128xf32, #tpu.memory_space<vmem>>) dst(%dma_wait3A_61 : memref<96x128xf32, #tpu.memory_space<vmem_shared>>)
      tpu.yield
    }) : () -> ()
    %add3A_11 = arith.constant 288 : i32
    %add3A_12 = arith.addi %mul3A_5, %add3A_11 : i32
    "tpu.region"() ({
      %run_scoped3A = tpu.sem_alloc : memref<!tpu.dma_semaphore, #tpu.memory_space<semaphore_mem>>
      %dma_start3A = arith.constant 0 : i32
      %dma_start3A_47 = arith.constant 0 : i32
      %dma_start3A_48 = tpu.memref_slice %arg11[%dma_start3A, %dma_start3A_47] : memref<192x128xf32, #tpu.memory_space<vmem>> -> memref<96x128xf32, #tpu.memory_space<vmem>>
      %dma_start3A_49 = arith.constant 0 : i32
      %dma_start3A_50 = tpu.memref_slice %arg8[%add3A_12, %dma_start3A_49] : memref<10112x128xf32, #tpu.memory_space<vmem_shared>> -> memref<96x128xf32, #tpu.memory_space<vmem_shared>>
      %dma_start3A_51 = arith.constant 0 : i32
      %dma_start3A_52 = tpu.memref_slice %arg8[%add3A_12, %dma_start3A_51] : memref<10112x128xf32, #tpu.memory_space<vmem_shared>> -> memref<96x128xf32, #tpu.memory_space<vmem_shared>>
      %dma_start3A_53 = arith.constant 0 : i32
      %dma_start3A_54 = arith.constant 0 : i32
      %dma_start3A_55 = tpu.memref_slice %arg11[%dma_start3A_53, %dma_start3A_54] : memref<192x128xf32, #tpu.memory_space<vmem>> -> memref<96x128xf32, #tpu.memory_space<vmem>>
      tpu.enqueue_dma source(%dma_start3A_55 : memref<96x128xf32, #tpu.memory_space<vmem>>) target(%dma_start3A_52 : memref<96x128xf32, #tpu.memory_space<vmem_shared>>) target_semaphore(%run_scoped3A : memref<!tpu.dma_semaphore, #tpu.memory_space<semaphore_mem>>)
      %dma_wait3A = arith.constant 0 : i32
      %dma_wait3A_56 = arith.constant 0 : i32
      %dma_wait3A_57 = tpu.memref_slice %arg11[%dma_wait3A, %dma_wait3A_56] : memref<192x128xf32, #tpu.memory_space<vmem>> -> memref<96x128xf32, #tpu.memory_space<vmem>>
      %dma_wait3A_58 = arith.constant 0 : i32
      %dma_wait3A_59 = tpu.memref_slice %arg8[%add3A_12, %dma_wait3A_58] : memref<10112x128xf32, #tpu.memory_space<vmem_shared>> -> memref<96x128xf32, #tpu.memory_space<vmem_shared>>
      %dma_wait3A_60 = arith.constant 0 : i32
      %dma_wait3A_61 = tpu.memref_slice %arg8[%add3A_12, %dma_wait3A_60] : memref<10112x128xf32, #tpu.memory_space<vmem_shared>> -> memref<96x128xf32, #tpu.memory_space<vmem_shared>>
      %dma_wait3A_62 = arith.constant 0 : i32
      %dma_wait3A_63 = arith.constant 0 : i32
      %dma_wait3A_64 = tpu.memref_slice %arg11[%dma_wait3A_62, %dma_wait3A_63] : memref<192x128xf32, #tpu.memory_space<vmem>> -> memref<96x128xf32, #tpu.memory_space<vmem>>
      tpu.wait_dma2 semaphore(%run_scoped3A : memref<!tpu.dma_semaphore, #tpu.memory_space<semaphore_mem>>) src(%dma_wait3A_64 : memref<96x128xf32, #tpu.memory_space<vmem>>) dst(%dma_wait3A_61 : memref<96x128xf32, #tpu.memory_space<vmem_shared>>)
      tpu.yield
    }) : () -> ()
    %add3A_13 = arith.constant 384 : i32
    %add3A_14 = arith.addi %mul3A_5, %add3A_13 : i32
    "tpu.region"() ({
      %run_scoped3A = tpu.sem_alloc : memref<!tpu.dma_semaphore, #tpu.memory_space<semaphore_mem>>
      %dma_start3A = arith.constant 0 : i32
      %dma_start3A_47 = arith.constant 0 : i32
      %dma_start3A_48 = tpu.memref_slice %arg11[%dma_start3A, %dma_start3A_47] : memref<192x128xf32, #tpu.memory_space<vmem>> -> memref<96x128xf32, #tpu.memory_space<vmem>>
      %dma_start3A_49 = arith.constant 0 : i32
      %dma_start3A_50 = tpu.memref_slice %arg8[%add3A_14, %dma_start3A_49] : memref<10112x128xf32, #tpu.memory_space<vmem_shared>> -> memref<96x128xf32, #tpu.memory_space<vmem_shared>>
      %dma_start3A_51 = arith.constant 0 : i32
      %dma_start3A_52 = tpu.memref_slice %arg8[%add3A_14, %dma_start3A_51] : memref<10112x128xf32, #tpu.memory_space<vmem_shared>> -> memref<96x128xf32, #tpu.memory_space<vmem_shared>>
      %dma_start3A_53 = arith.constant 0 : i32
      %dma_start3A_54 = arith.constant 0 : i32
      %dma_start3A_55 = tpu.memref_slice %arg11[%dma_start3A_53, %dma_start3A_54] : memref<192x128xf32, #tpu.memory_space<vmem>> -> memref<96x128xf32, #tpu.memory_space<vmem>>
      tpu.enqueue_dma source(%dma_start3A_55 : memref<96x128xf32, #tpu.memory_space<vmem>>) target(%dma_start3A_52 : memref<96x128xf32, #tpu.memory_space<vmem_shared>>) target_semaphore(%run_scoped3A : memref<!tpu.dma_semaphore, #tpu.memory_space<semaphore_mem>>)
      %dma_wait3A = arith.constant 0 : i32
      %dma_wait3A_56 = arith.constant 0 : i32
      %dma_wait3A_57 = tpu.memref_slice %arg11[%dma_wait3A, %dma_wait3A_56] : memref<192x128xf32, #tpu.memory_space<vmem>> -> memref<96x128xf32, #tpu.memory_space<vmem>>
      %dma_wait3A_58 = arith.constant 0 : i32
      %dma_wait3A_59 = tpu.memref_slice %arg8[%add3A_14, %dma_wait3A_58] : memref<10112x128xf32, #tpu.memory_space<vmem_shared>> -> memref<96x128xf32, #tpu.memory_space<vmem_shared>>
      %dma_wait3A_60 = arith.constant 0 : i32
      %dma_wait3A_61 = tpu.memref_slice %arg8[%add3A_14, %dma_wait3A_60] : memref<10112x128xf32, #tpu.memory_space<vmem_shared>> -> memref<96x128xf32, #tpu.memory_space<vmem_shared>>
      %dma_wait3A_62 = arith.constant 0 : i32
      %dma_wait3A_63 = arith.constant 0 : i32
      %dma_wait3A_64 = tpu.memref_slice %arg11[%dma_wait3A_62, %dma_wait3A_63] : memref<192x128xf32, #tpu.memory_space<vmem>> -> memref<96x128xf32, #tpu.memory_space<vmem>>
      tpu.wait_dma2 semaphore(%run_scoped3A : memref<!tpu.dma_semaphore, #tpu.memory_space<semaphore_mem>>) src(%dma_wait3A_64 : memref<96x128xf32, #tpu.memory_space<vmem>>) dst(%dma_wait3A_61 : memref<96x128xf32, #tpu.memory_space<vmem_shared>>)
      tpu.yield
    }) : () -> ()
    %add3A_15 = arith.constant 480 : i32
    %add3A_16 = arith.addi %mul3A_5, %add3A_15 : i32
    "tpu.region"() ({
      %run_scoped3A = tpu.sem_alloc : memref<!tpu.dma_semaphore, #tpu.memory_space<semaphore_mem>>
      %dma_start3A = arith.constant 0 : i32
      %dma_start3A_47 = arith.constant 0 : i32
      %dma_start3A_48 = tpu.memref_slice %arg11[%dma_start3A, %dma_start3A_47] : memref<192x128xf32, #tpu.memory_space<vmem>> -> memref<96x128xf32, #tpu.memory_space<vmem>>
      %dma_start3A_49 = arith.constant 0 : i32
      %dma_start3A_50 = tpu.memref_slice %arg8[%add3A_16, %dma_start3A_49] : memref<10112x128xf32, #tpu.memory_space<vmem_shared>> -> memref<96x128xf32, #tpu.memory_space<vmem_shared>>
      %dma_start3A_51 = arith.constant 0 : i32
      %dma_start3A_52 = tpu.memref_slice %arg8[%add3A_16, %dma_start3A_51] : memref<10112x128xf32, #tpu.memory_space<vmem_shared>> -> memref<96x128xf32, #tpu.memory_space<vmem_shared>>
      %dma_start3A_53 = arith.constant 0 : i32
      %dma_start3A_54 = arith.constant 0 : i32
      %dma_start3A_55 = tpu.memref_slice %arg11[%dma_start3A_53, %dma_start3A_54] : memref<192x128xf32, #tpu.memory_space<vmem>> -> memref<96x128xf32, #tpu.memory_space<vmem>>
      tpu.enqueue_dma source(%dma_start3A_55 : memref<96x128xf32, #tpu.memory_space<vmem>>) target(%dma_start3A_52 : memref<96x128xf32, #tpu.memory_space<vmem_shared>>) target_semaphore(%run_scoped3A : memref<!tpu.dma_semaphore, #tpu.memory_space<semaphore_mem>>)
      %dma_wait3A = arith.constant 0 : i32
      %dma_wait3A_56 = arith.constant 0 : i32
      %dma_wait3A_57 = tpu.memref_slice %arg11[%dma_wait3A, %dma_wait3A_56] : memref<192x128xf32, #tpu.memory_space<vmem>> -> memref<96x128xf32, #tpu.memory_space<vmem>>
      %dma_wait3A_58 = arith.constant 0 : i32
      %dma_wait3A_59 = tpu.memref_slice %arg8[%add3A_16, %dma_wait3A_58] : memref<10112x128xf32, #tpu.memory_space<vmem_shared>> -> memref<96x128xf32, #tpu.memory_space<vmem_shared>>
      %dma_wait3A_60 = arith.constant 0 : i32
      %dma_wait3A_61 = tpu.memref_slice %arg8[%add3A_16, %dma_wait3A_60] : memref<10112x128xf32, #tpu.memory_space<vmem_shared>> -> memref<96x128xf32, #tpu.memory_space<vmem_shared>>
      %dma_wait3A_62 = arith.constant 0 : i32
      %dma_wait3A_63 = arith.constant 0 : i32
      %dma_wait3A_64 = tpu.memref_slice %arg11[%dma_wait3A_62, %dma_wait3A_63] : memref<192x128xf32, #tpu.memory_space<vmem>> -> memref<96x128xf32, #tpu.memory_space<vmem>>
      tpu.wait_dma2 semaphore(%run_scoped3A : memref<!tpu.dma_semaphore, #tpu.memory_space<semaphore_mem>>) src(%dma_wait3A_64 : memref<96x128xf32, #tpu.memory_space<vmem>>) dst(%dma_wait3A_61 : memref<96x128xf32, #tpu.memory_space<vmem_shared>>)
      tpu.yield
    }) : () -> ()
    %add3A_17 = arith.constant 576 : i32
    %add3A_18 = arith.addi %mul3A_5, %add3A_17 : i32
    "tpu.region"() ({
      %run_scoped3A = tpu.sem_alloc : memref<!tpu.dma_semaphore, #tpu.memory_space<semaphore_mem>>
      %dma_start3A = arith.constant 0 : i32
      %dma_start3A_47 = arith.constant 0 : i32
      %dma_start3A_48 = tpu.memref_slice %arg11[%dma_start3A, %dma_start3A_47] : memref<192x128xf32, #tpu.memory_space<vmem>> -> memref<56x128xf32, #tpu.memory_space<vmem>>
      %dma_start3A_49 = arith.constant 0 : i32
      %dma_start3A_50 = tpu.memref_slice %arg8[%add3A_18, %dma_start3A_49] : memref<10112x128xf32, #tpu.memory_space<vmem_shared>> -> memref<56x128xf32, #tpu.memory_space<vmem_shared>>
      %dma_start3A_51 = arith.constant 0 : i32
      %dma_start3A_52 = tpu.memref_slice %arg8[%add3A_18, %dma_start3A_51] : memref<10112x128xf32, #tpu.memory_space<vmem_shared>> -> memref<56x128xf32, #tpu.memory_space<vmem_shared>>
      %dma_start3A_53 = arith.constant 0 : i32
      %dma_start3A_54 = arith.constant 0 : i32
      %dma_start3A_55 = tpu.memref_slice %arg11[%dma_start3A_53, %dma_start3A_54] : memref<192x128xf32, #tpu.memory_space<vmem>> -> memref<56x128xf32, #tpu.memory_space<vmem>>
      tpu.enqueue_dma source(%dma_start3A_55 : memref<56x128xf32, #tpu.memory_space<vmem>>) target(%dma_start3A_52 : memref<56x128xf32, #tpu.memory_space<vmem_shared>>) target_semaphore(%run_scoped3A : memref<!tpu.dma_semaphore, #tpu.memory_space<semaphore_mem>>)
      %dma_wait3A = arith.constant 0 : i32
      %dma_wait3A_56 = arith.constant 0 : i32
      %dma_wait3A_57 = tpu.memref_slice %arg11[%dma_wait3A, %dma_wait3A_56] : memref<192x128xf32, #tpu.memory_space<vmem>> -> memref<56x128xf32, #tpu.memory_space<vmem>>
      %dma_wait3A_58 = arith.constant 0 : i32
      %dma_wait3A_59 = tpu.memref_slice %arg8[%add3A_18, %dma_wait3A_58] : memref<10112x128xf32, #tpu.memory_space<vmem_shared>> -> memref<56x128xf32, #tpu.memory_space<vmem_shared>>
      %dma_wait3A_60 = arith.constant 0 : i32
      %dma_wait3A_61 = tpu.memref_slice %arg8[%add3A_18, %dma_wait3A_60] : memref<10112x128xf32, #tpu.memory_space<vmem_shared>> -> memref<56x128xf32, #tpu.memory_space<vmem_shared>>
      %dma_wait3A_62 = arith.constant 0 : i32
      %dma_wait3A_63 = arith.constant 0 : i32
      %dma_wait3A_64 = tpu.memref_slice %arg11[%dma_wait3A_62, %dma_wait3A_63] : memref<192x128xf32, #tpu.memory_space<vmem>> -> memref<56x128xf32, #tpu.memory_space<vmem>>
      tpu.wait_dma2 semaphore(%run_scoped3A : memref<!tpu.dma_semaphore, #tpu.memory_space<semaphore_mem>>) src(%dma_wait3A_64 : memref<56x128xf32, #tpu.memory_space<vmem>>) dst(%dma_wait3A_61 : memref<56x128xf32, #tpu.memory_space<vmem_shared>>)
      tpu.yield
    }) : () -> ()
    %barrier3A = arith.constant 0 : index
    tpu.barrier barrier_id(%barrier3A)
    %mul3A_19 = arith.constant 10080 : i32
    %mul3A_20 = arith.muli %arg1, %mul3A_19 : i32
    %lt3A = arith.constant 8 : i32
    %lt3A_21 = arith.cmpi slt, %arg1, %lt3A : i32
    %eq3A = arith.constant 0 : i32
    %eq3A_22 = arith.cmpi eq, %arg0, %eq3A : i32
    %eq3A_23 = arith.xori %lt3A_21, %eq3A_22 : i1
    %eq3A_24 = arith.constant true
    %eq3A_25 = arith.xori %eq3A_23, %eq3A_24 : i1
    "tpu.region"() ({
      %run_scoped3A = tpu.sem_alloc : memref<!tpu.dma_semaphore, #tpu.memory_space<semaphore_mem>>
      %dma_start3A = tpu.memref_slice %arg4[%mul3A_20] : memref<161280xi32, #tpu.memory_space<hbm>> -> memref<10080xi32, #tpu.memory_space<hbm>>
      %dma_start3A_47 = tpu.memref_slice %arg4[%mul3A_20] : memref<161280xi32, #tpu.memory_space<hbm>> -> memref<10080xi32, #tpu.memory_space<hbm>>
      tpu.enqueue_dma source(%dma_start3A_47 : memref<10080xi32, #tpu.memory_space<hbm>>) target(%arg9 : memref<10080xi32, #tpu.memory_space<vmem>>) target_semaphore(%run_scoped3A : memref<!tpu.dma_semaphore, #tpu.memory_space<semaphore_mem>>)
      %dma_wait3A = tpu.memref_slice %arg4[%mul3A_20] : memref<161280xi32, #tpu.memory_space<hbm>> -> memref<10080xi32, #tpu.memory_space<hbm>>
      %dma_wait3A_48 = tpu.memref_slice %arg4[%mul3A_20] : memref<161280xi32, #tpu.memory_space<hbm>> -> memref<10080xi32, #tpu.memory_space<hbm>>
      tpu.wait_dma2 semaphore(%run_scoped3A : memref<!tpu.dma_semaphore, #tpu.memory_space<semaphore_mem>>) src(%dma_wait3A_48 : memref<10080xi32, #tpu.memory_space<hbm>>) dst(%arg9 : memref<10080xi32, #tpu.memory_space<vmem>>)
      tpu.yield
    }) : () -> ()
    %mul3A_26 = arith.constant 105 : i32
    %mul3A_27 = arith.muli %arg1, %mul3A_26 : i32
    "tpu.region"() ({
      %run_scoped3A = tpu.sem_alloc : memref<!tpu.dma_semaphore, #tpu.memory_space<semaphore_mem>>
      %dma_start3A = arith.constant 0 : i32
      %dma_start3A_47 = arith.constant 0 : i32
      %dma_start3A_48 = tpu.memref_slice %arg5[%mul3A_27, %dma_start3A, %dma_start3A_47] : memref<1680x1x96xi32, #tpu.memory_space<hbm>> -> memref<105x1x96xi32, #tpu.memory_space<hbm>>
      %dma_start3A_49 = arith.constant 0 : i32
      %dma_start3A_50 = arith.constant 0 : i32
      %dma_start3A_51 = tpu.memref_slice %arg5[%mul3A_27, %dma_start3A_49, %dma_start3A_50] : memref<1680x1x96xi32, #tpu.memory_space<hbm>> -> memref<105x1x96xi32, #tpu.memory_space<hbm>>
      tpu.enqueue_dma source(%dma_start3A_51 : memref<105x1x96xi32, #tpu.memory_space<hbm>>) target(%arg10 : memref<105x1x96xi32, #tpu.memory_space<vmem>>) target_semaphore(%run_scoped3A : memref<!tpu.dma_semaphore, #tpu.memory_space<semaphore_mem>>)
      %dma_wait3A = arith.constant 0 : i32
      %dma_wait3A_52 = arith.constant 0 : i32
      %dma_wait3A_53 = tpu.memref_slice %arg5[%mul3A_27, %dma_wait3A, %dma_wait3A_52] : memref<1680x1x96xi32, #tpu.memory_space<hbm>> -> memref<105x1x96xi32, #tpu.memory_space<hbm>>
      %dma_wait3A_54 = arith.constant 0 : i32
      %dma_wait3A_55 = arith.constant 0 : i32
      %dma_wait3A_56 = tpu.memref_slice %arg5[%mul3A_27, %dma_wait3A_54, %dma_wait3A_55] : memref<1680x1x96xi32, #tpu.memory_space<hbm>> -> memref<105x1x96xi32, #tpu.memory_space<hbm>>
      tpu.wait_dma2 semaphore(%run_scoped3A : memref<!tpu.dma_semaphore, #tpu.memory_space<semaphore_mem>>) src(%dma_wait3A_56 : memref<105x1x96xi32, #tpu.memory_space<hbm>>) dst(%arg10 : memref<105x1x96xi32, #tpu.memory_space<vmem>>)
      tpu.yield
    }) : () -> ()
    %eq3A_28 = arith.constant 0 : i32
    %eq3A_29 = arith.cmpi eq, %arg0, %eq3A_28 : i32
    %convert_element_type3A = arith.extui %eq3A_29 : i1 to i32
    %cond3A = arith.constant 0 : i32
    %cond3A_30 = arith.cmpi ne, %convert_element_type3A, %cond3A : i32
    scf.if %cond3A_30 {
      %dma_start3A = arith.constant 0 : i32
      %dma_start3A_47 = arith.constant 0 : i32
      %dma_start3A_48 = tpu.memref_slice %arg11[%dma_start3A, %dma_start3A_47] : memref<192x128xf32, #tpu.memory_space<vmem>> -> memref<96x128xf32, #tpu.memory_space<vmem>>
      %dma_start3A_49 = arith.constant 0 : i32
      %dma_start3A_50 = tpu.memref_slice %arg9[%dma_start3A_49] : memref<10080xi32, #tpu.memory_space<vmem>> -> memref<96xi32, #tpu.memory_space<vmem>>
      %dma_start3A_51 = arith.constant 0 : i32
      %dma_start3A_52 = arith.constant 0 : i32
      %dma_start3A_53 = tpu.memref_slice %arg2[%dma_start3A_51, %dma_start3A_52] : memref<10000x128xf32, #tpu.memory_space<hbm>> -> memref<10000x128xf32, #tpu.memory_space<hbm>>
      tpu.enqueue_indirect_dma source(%dma_start3A_53 : memref<10000x128xf32, #tpu.memory_space<hbm>>) target(%dma_start3A_48 : memref<96x128xf32, #tpu.memory_space<vmem>>) offsets(%dma_start3A_50 : memref<96xi32, #tpu.memory_space<vmem>>) semaphore(%arg12 : memref<!tpu.dma_semaphore, #tpu.memory_space<semaphore_mem>>)
      %scan3A_54 = arith.constant 0 : i32
      %scan3A_55 = arith.constant 0 : i32
      %scan3A_56 = arith.constant 105 : i32
      %scan3A_57 = arith.addi %scan3A_55, %scan3A_56 : i32
      %scan3A_58 = arith.constant 1 : i32
      scf.for %scan3A_60 = %scan3A_55 to %scan3A_57 step %scan3A_58  : i32 {
        %mul3A_61 = arith.constant 96 : i32
        %mul3A_62 = arith.muli %scan3A_60, %mul3A_61 : i32
        %jit3A = arith.constant 2 : i32
        %eq3A_63 = arith.constant 0 : i32
        %eq3A_64 = arith.cmpi eq, %jit3A, %eq3A_63 : i32
        %jit3A_65 = arith.constant 1 : i32
        %select_n3A = arith.select %eq3A_64, %jit3A_65, %jit3A : i32
        %rem3A = arith.remsi %scan3A_60, %select_n3A : i32
        %ne3A = arith.constant 0 : i32
        %ne3A_66 = arith.cmpi ne, %rem3A, %ne3A : i32
        %lt3A_67 = arith.constant 0 : i32
        %lt3A_68 = arith.cmpi slt, %rem3A, %lt3A_67 : i32
        %lt3A_69 = arith.constant 0 : i32
        %lt3A_70 = arith.cmpi slt, %select_n3A, %lt3A_69 : i32
        %ne3A_71 = arith.xori %lt3A_68, %lt3A_70 : i1
        %and3A = arith.andi %ne3A_71, %ne3A_66 : i1
        %add3A_72 = arith.addi %rem3A, %select_n3A : i32
        %select_n3A_73 = arith.select %and3A, %add3A_72, %rem3A : i32
        %mul3A_74 = arith.constant 96 : i32
        %mul3A_75 = arith.muli %select_n3A_73, %mul3A_74 : i32
        %dma_wait3A = arith.constant 0 : i32
        %dma_wait3A_76 = tpu.memref_slice %arg11[%mul3A_75, %dma_wait3A] : memref<192x128xf32, #tpu.memory_space<vmem>> -> memref<96x128xf32, #tpu.memory_space<vmem>>
        %dma_wait3A_77 = tpu.memref_slice %arg9[%mul3A_62] : memref<10080xi32, #tpu.memory_space<vmem>> -> memref<96xi32, #tpu.memory_space<vmem>>
        %dma_wait3A_78 = arith.constant 0 : i32
        %dma_wait3A_79 = arith.constant 0 : i32
        %dma_wait3A_80 = tpu.memref_slice %arg2[%dma_wait3A_78, %dma_wait3A_79] : memref<10000x128xf32, #tpu.memory_space<hbm>> -> memref<10000x128xf32, #tpu.memory_space<hbm>>
        tpu.wait_indirect_dma semaphore(%arg12 : memref<!tpu.dma_semaphore, #tpu.memory_space<semaphore_mem>>) src(%dma_wait3A_80 : memref<10000x128xf32, #tpu.memory_space<hbm>>) dst(%dma_wait3A_76 : memref<96x128xf32, #tpu.memory_space<vmem>>)
        %add3A_81 = arith.constant 1 : i32
        %add3A_82 = arith.addi %scan3A_60, %add3A_81 : i32
        %lt3A_83 = arith.constant 105 : i32
        %lt3A_84 = arith.cmpi slt, %add3A_82, %lt3A_83 : i32
        %convert_element_type3A_85 = arith.extui %lt3A_84 : i1 to i32
        %cond3A_86 = arith.constant 0 : i32
        %cond3A_87 = arith.cmpi ne, %convert_element_type3A_85, %cond3A_86 : i32
        scf.if %cond3A_87 {
          %add3A_106 = arith.constant 1 : i32
          %add3A_107 = arith.addi %scan3A_60, %add3A_106 : i32
          %min3A = arith.constant 104 : i32
          %min3A_108 = arith.minsi %add3A_107, %min3A : i32
          %mul3A_109 = arith.constant 96 : i32
          %mul3A_110 = arith.muli %min3A_108, %mul3A_109 : i32
          %jit3A_111 = arith.constant 2 : i32
          %eq3A_112 = arith.constant 0 : i32
          %eq3A_113 = arith.cmpi eq, %jit3A_111, %eq3A_112 : i32
          %jit3A_114 = arith.constant 1 : i32
          %select_n3A_115 = arith.select %eq3A_113, %jit3A_114, %jit3A_111 : i32
          %rem3A_116 = arith.remsi %min3A_108, %select_n3A_115 : i32
          %ne3A_117 = arith.constant 0 : i32
          %ne3A_118 = arith.cmpi ne, %rem3A_116, %ne3A_117 : i32
          %lt3A_119 = arith.constant 0 : i32
          %lt3A_120 = arith.cmpi slt, %rem3A_116, %lt3A_119 : i32
          %lt3A_121 = arith.constant 0 : i32
          %lt3A_122 = arith.cmpi slt, %select_n3A_115, %lt3A_121 : i32
          %ne3A_123 = arith.xori %lt3A_120, %lt3A_122 : i1
          %and3A_124 = arith.andi %ne3A_123, %ne3A_118 : i1
          %add3A_125 = arith.addi %rem3A_116, %select_n3A_115 : i32
          %select_n3A_126 = arith.select %and3A_124, %add3A_125, %rem3A_116 : i32
          %mul3A_127 = arith.constant 96 : i32
          %mul3A_128 = arith.muli %select_n3A_126, %mul3A_127 : i32
          %dma_start3A_129 = arith.constant 0 : i32
          %dma_start3A_130 = tpu.memref_slice %arg11[%mul3A_128, %dma_start3A_129] : memref<192x128xf32, #tpu.memory_space<vmem>> -> memref<96x128xf32, #tpu.memory_space<vmem>>
          %dma_start3A_131 = tpu.memref_slice %arg9[%mul3A_110] : memref<10080xi32, #tpu.memory_space<vmem>> -> memref<96xi32, #tpu.memory_space<vmem>>
          %dma_start3A_132 = arith.constant 0 : i32
          %dma_start3A_133 = arith.constant 0 : i32
          %dma_start3A_134 = tpu.memref_slice %arg2[%dma_start3A_132, %dma_start3A_133] : memref<10000x128xf32, #tpu.memory_space<hbm>> -> memref<10000x128xf32, #tpu.memory_space<hbm>>
          tpu.enqueue_indirect_dma source(%dma_start3A_134 : memref<10000x128xf32, #tpu.memory_space<hbm>>) target(%dma_start3A_130 : memref<96x128xf32, #tpu.memory_space<vmem>>) offsets(%dma_start3A_131 : memref<96xi32, #tpu.memory_space<vmem>>) semaphore(%arg12 : memref<!tpu.dma_semaphore, #tpu.memory_space<semaphore_mem>>)
        } else {
        }
        %jit3A_88 = arith.constant 2 : i32
        %eq3A_89 = arith.constant 0 : i32
        %eq3A_90 = arith.cmpi eq, %jit3A_88, %eq3A_89 : i32
        %jit3A_91 = arith.constant 1 : i32
        %select_n3A_92 = arith.select %eq3A_90, %jit3A_91, %jit3A_88 : i32
        %rem3A_93 = arith.remsi %scan3A_60, %select_n3A_92 : i32
        %ne3A_94 = arith.constant 0 : i32
        %ne3A_95 = arith.cmpi ne, %rem3A_93, %ne3A_94 : i32
        %lt3A_96 = arith.constant 0 : i32
        %lt3A_97 = arith.cmpi slt, %rem3A_93, %lt3A_96 : i32
        %lt3A_98 = arith.constant 0 : i32
        %lt3A_99 = arith.cmpi slt, %select_n3A_92, %lt3A_98 : i32
        %ne3A_100 = arith.xori %lt3A_97, %lt3A_99 : i1
        %and3A_101 = arith.andi %ne3A_100, %ne3A_95 : i1
        %add3A_102 = arith.addi %rem3A_93, %select_n3A_92 : i32
        %select_n3A_103 = arith.select %and3A_101, %add3A_102, %rem3A_93 : i32
        %mul3A_104 = arith.constant 96 : i32
        %mul3A_105 = arith.muli %select_n3A_103, %mul3A_104 : i32
        %run_scoped3A = arith.constant 0 : i32
        "tpu.region"() ({
          %run_scoped3A_106 = tpu.sem_alloc : memref<!tpu.dma_semaphore, #tpu.memory_space<semaphore_mem>>
          %dma_start3A_107 = arith.constant 0 : i32
          %dma_start3A_108 = tpu.memref_slice %arg11[%mul3A_105, %dma_start3A_107] : memref<192x128xf32, #tpu.memory_space<vmem>> -> memref<96x128xf32, #tpu.memory_space<vmem>>
          %dma_start3A_109 = arith.constant 0 : i32
          %dma_start3A_110 = tpu.memref_slice %arg10[%scan3A_60, %run_scoped3A, %dma_start3A_109] : memref<105x1x96xi32, #tpu.memory_space<vmem>> -> memref<1x1x96xi32, #tpu.memory_space<vmem>>
          %dma_start3A_111 = tpu.memref_squeeze %dma_start3A_110 : memref<1x1x96xi32, #tpu.memory_space<vmem>> -> memref<96xi32, #tpu.memory_space<vmem>>
          %dma_start3A_112 = arith.constant 0 : i32
          %dma_start3A_113 = arith.constant 0 : i32
          %dma_start3A_114 = tpu.memref_slice %arg8[%dma_start3A_112, %dma_start3A_113] : memref<10112x128xf32, #tpu.memory_space<vmem_shared>> -> memref<10112x128xf32, #tpu.memory_space<vmem_shared>>
          tpu.enqueue_indirect_dma source(%dma_start3A_108 : memref<96x128xf32, #tpu.memory_space<vmem>>) target(%dma_start3A_114 : memref<10112x128xf32, #tpu.memory_space<vmem_shared>>) offsets(%dma_start3A_111 : memref<96xi32, #tpu.memory_space<vmem>>) semaphore(%run_scoped3A_106 : memref<!tpu.dma_semaphore, #tpu.memory_space<semaphore_mem>>) {add = true}
          %dma_wait3A_115 = arith.constant 0 : i32
          %dma_wait3A_116 = tpu.memref_slice %arg11[%mul3A_105, %dma_wait3A_115] : memref<192x128xf32, #tpu.memory_space<vmem>> -> memref<96x128xf32, #tpu.memory_space<vmem>>
          %dma_wait3A_117 = arith.constant 0 : i32
          %dma_wait3A_118 = tpu.memref_slice %arg10[%scan3A_60, %run_scoped3A, %dma_wait3A_117] : memref<105x1x96xi32, #tpu.memory_space<vmem>> -> memref<1x1x96xi32, #tpu.memory_space<vmem>>
          %dma_wait3A_119 = tpu.memref_squeeze %dma_wait3A_118 : memref<1x1x96xi32, #tpu.memory_space<vmem>> -> memref<96xi32, #tpu.memory_space<vmem>>
          %dma_wait3A_120 = arith.constant 0 : i32
          %dma_wait3A_121 = arith.constant 0 : i32
          %dma_wait3A_122 = tpu.memref_slice %arg8[%dma_wait3A_120, %dma_wait3A_121] : memref<10112x128xf32, #tpu.memory_space<vmem_shared>> -> memref<10112x128xf32, #tpu.memory_space<vmem_shared>>
          tpu.wait_indirect_dma semaphore(%run_scoped3A_106 : memref<!tpu.dma_semaphore, #tpu.memory_space<semaphore_mem>>) src(%dma_wait3A_116 : memref<96x128xf32, #tpu.memory_space<vmem>>) dst(%dma_wait3A_122 : memref<10112x128xf32, #tpu.memory_space<vmem_shared>>)
          tpu.yield
        }) : () -> ()
      }
      %scan3A_59 = arith.constant 105 : i32
    } else {
    }
    %eq3A_31 = arith.constant 1 : i32
    %eq3A_32 = arith.cmpi eq, %arg0, %eq3A_31 : i32
    %convert_element_type3A_33 = arith.extui %eq3A_32 : i1 to i32
    %cond3A_34 = arith.constant 0 : i32
    %cond3A_35 = arith.cmpi ne, %convert_element_type3A_33, %cond3A_34 : i32
    scf.if %cond3A_35 {
      %dma_start3A = arith.constant 0 : i32
      %dma_start3A_47 = arith.constant 0 : i32
      %dma_start3A_48 = tpu.memref_slice %arg11[%dma_start3A, %dma_start3A_47] : memref<192x128xf32, #tpu.memory_space<vmem>> -> memref<96x128xf32, #tpu.memory_space<vmem>>
      %dma_start3A_49 = arith.constant 0 : i32
      %dma_start3A_50 = tpu.memref_slice %arg9[%dma_start3A_49] : memref<10080xi32, #tpu.memory_space<vmem>> -> memref<96xi32, #tpu.memory_space<vmem>>
      %dma_start3A_51 = arith.constant 0 : i32
      %dma_start3A_52 = arith.constant 0 : i32
      %dma_start3A_53 = tpu.memref_slice %arg3[%dma_start3A_51, %dma_start3A_52] : memref<10000x128xf32, #tpu.memory_space<hbm>> -> memref<10000x128xf32, #tpu.memory_space<hbm>>
      tpu.enqueue_indirect_dma source(%dma_start3A_53 : memref<10000x128xf32, #tpu.memory_space<hbm>>) target(%dma_start3A_48 : memref<96x128xf32, #tpu.memory_space<vmem>>) offsets(%dma_start3A_50 : memref<96xi32, #tpu.memory_space<vmem>>) semaphore(%arg12 : memref<!tpu.dma_semaphore, #tpu.memory_space<semaphore_mem>>)
      %scan3A_54 = arith.constant 0 : i32
      %scan3A_55 = arith.constant 0 : i32
      %scan3A_56 = arith.constant 105 : i32
      %scan3A_57 = arith.addi %scan3A_55, %scan3A_56 : i32
      %scan3A_58 = arith.constant 1 : i32
      scf.for %scan3A_60 = %scan3A_55 to %scan3A_57 step %scan3A_58  : i32 {
        %mul3A_61 = arith.constant 96 : i32
        %mul3A_62 = arith.muli %scan3A_60, %mul3A_61 : i32
        %jit3A = arith.constant 2 : i32
        %eq3A_63 = arith.constant 0 : i32
        %eq3A_64 = arith.cmpi eq, %jit3A, %eq3A_63 : i32
        %jit3A_65 = arith.constant 1 : i32
        %select_n3A = arith.select %eq3A_64, %jit3A_65, %jit3A : i32
        %rem3A = arith.remsi %scan3A_60, %select_n3A : i32
        %ne3A = arith.constant 0 : i32
        %ne3A_66 = arith.cmpi ne, %rem3A, %ne3A : i32
        %lt3A_67 = arith.constant 0 : i32
        %lt3A_68 = arith.cmpi slt, %rem3A, %lt3A_67 : i32
        %lt3A_69 = arith.constant 0 : i32
        %lt3A_70 = arith.cmpi slt, %select_n3A, %lt3A_69 : i32
        %ne3A_71 = arith.xori %lt3A_68, %lt3A_70 : i1
        %and3A = arith.andi %ne3A_71, %ne3A_66 : i1
        %add3A_72 = arith.addi %rem3A, %select_n3A : i32
        %select_n3A_73 = arith.select %and3A, %add3A_72, %rem3A : i32
        %mul3A_74 = arith.constant 96 : i32
        %mul3A_75 = arith.muli %select_n3A_73, %mul3A_74 : i32
        %dma_wait3A = arith.constant 0 : i32
        %dma_wait3A_76 = tpu.memref_slice %arg11[%mul3A_75, %dma_wait3A] : memref<192x128xf32, #tpu.memory_space<vmem>> -> memref<96x128xf32, #tpu.memory_space<vmem>>
        %dma_wait3A_77 = tpu.memref_slice %arg9[%mul3A_62] : memref<10080xi32, #tpu.memory_space<vmem>> -> memref<96xi32, #tpu.memory_space<vmem>>
        %dma_wait3A_78 = arith.constant 0 : i32
        %dma_wait3A_79 = arith.constant 0 : i32
        %dma_wait3A_80 = tpu.memref_slice %arg3[%dma_wait3A_78, %dma_wait3A_79] : memref<10000x128xf32, #tpu.memory_space<hbm>> -> memref<10000x128xf32, #tpu.memory_space<hbm>>
        tpu.wait_indirect_dma semaphore(%arg12 : memref<!tpu.dma_semaphore, #tpu.memory_space<semaphore_mem>>) src(%dma_wait3A_80 : memref<10000x128xf32, #tpu.memory_space<hbm>>) dst(%dma_wait3A_76 : memref<96x128xf32, #tpu.memory_space<vmem>>)
        %add3A_81 = arith.constant 1 : i32
        %add3A_82 = arith.addi %scan3A_60, %add3A_81 : i32
        %lt3A_83 = arith.constant 105 : i32
        %lt3A_84 = arith.cmpi slt, %add3A_82, %lt3A_83 : i32
        %convert_element_type3A_85 = arith.extui %lt3A_84 : i1 to i32
        %cond3A_86 = arith.constant 0 : i32
        %cond3A_87 = arith.cmpi ne, %convert_element_type3A_85, %cond3A_86 : i32
        scf.if %cond3A_87 {
          %add3A_106 = arith.constant 1 : i32
          %add3A_107 = arith.addi %scan3A_60, %add3A_106 : i32
          %min3A = arith.constant 104 : i32
          %min3A_108 = arith.minsi %add3A_107, %min3A : i32
          %mul3A_109 = arith.constant 96 : i32
          %mul3A_110 = arith.muli %min3A_108, %mul3A_109 : i32
          %jit3A_111 = arith.constant 2 : i32
          %eq3A_112 = arith.constant 0 : i32
          %eq3A_113 = arith.cmpi eq, %jit3A_111, %eq3A_112 : i32
          %jit3A_114 = arith.constant 1 : i32
          %select_n3A_115 = arith.select %eq3A_113, %jit3A_114, %jit3A_111 : i32
          %rem3A_116 = arith.remsi %min3A_108, %select_n3A_115 : i32
          %ne3A_117 = arith.constant 0 : i32
          %ne3A_118 = arith.cmpi ne, %rem3A_116, %ne3A_117 : i32
          %lt3A_119 = arith.constant 0 : i32
          %lt3A_120 = arith.cmpi slt, %rem3A_116, %lt3A_119 : i32
          %lt3A_121 = arith.constant 0 : i32
          %lt3A_122 = arith.cmpi slt, %select_n3A_115, %lt3A_121 : i32
          %ne3A_123 = arith.xori %lt3A_120, %lt3A_122 : i1
          %and3A_124 = arith.andi %ne3A_123, %ne3A_118 : i1
          %add3A_125 = arith.addi %rem3A_116, %select_n3A_115 : i32
          %select_n3A_126 = arith.select %and3A_124, %add3A_125, %rem3A_116 : i32
          %mul3A_127 = arith.constant 96 : i32
          %mul3A_128 = arith.muli %select_n3A_126, %mul3A_127 : i32
          %dma_start3A_129 = arith.constant 0 : i32
          %dma_start3A_130 = tpu.memref_slice %arg11[%mul3A_128, %dma_start3A_129] : memref<192x128xf32, #tpu.memory_space<vmem>> -> memref<96x128xf32, #tpu.memory_space<vmem>>
          %dma_start3A_131 = tpu.memref_slice %arg9[%mul3A_110] : memref<10080xi32, #tpu.memory_space<vmem>> -> memref<96xi32, #tpu.memory_space<vmem>>
          %dma_start3A_132 = arith.constant 0 : i32
          %dma_start3A_133 = arith.constant 0 : i32
          %dma_start3A_134 = tpu.memref_slice %arg3[%dma_start3A_132, %dma_start3A_133] : memref<10000x128xf32, #tpu.memory_space<hbm>> -> memref<10000x128xf32, #tpu.memory_space<hbm>>
          tpu.enqueue_indirect_dma source(%dma_start3A_134 : memref<10000x128xf32, #tpu.memory_space<hbm>>) target(%dma_start3A_130 : memref<96x128xf32, #tpu.memory_space<vmem>>) offsets(%dma_start3A_131 : memref<96xi32, #tpu.memory_space<vmem>>) semaphore(%arg12 : memref<!tpu.dma_semaphore, #tpu.memory_space<semaphore_mem>>)
        } else {
        }
        %jit3A_88 = arith.constant 2 : i32
        %eq3A_89 = arith.constant 0 : i32
        %eq3A_90 = arith.cmpi eq, %jit3A_88, %eq3A_89 : i32
        %jit3A_91 = arith.constant 1 : i32
        %select_n3A_92 = arith.select %eq3A_90, %jit3A_91, %jit3A_88 : i32
        %rem3A_93 = arith.remsi %scan3A_60, %select_n3A_92 : i32
        %ne3A_94 = arith.constant 0 : i32
        %ne3A_95 = arith.cmpi ne, %rem3A_93, %ne3A_94 : i32
        %lt3A_96 = arith.constant 0 : i32
        %lt3A_97 = arith.cmpi slt, %rem3A_93, %lt3A_96 : i32
        %lt3A_98 = arith.constant 0 : i32
        %lt3A_99 = arith.cmpi slt, %select_n3A_92, %lt3A_98 : i32
        %ne3A_100 = arith.xori %lt3A_97, %lt3A_99 : i1
        %and3A_101 = arith.andi %ne3A_100, %ne3A_95 : i1
        %add3A_102 = arith.addi %rem3A_93, %select_n3A_92 : i32
        %select_n3A_103 = arith.select %and3A_101, %add3A_102, %rem3A_93 : i32
        %mul3A_104 = arith.constant 96 : i32
        %mul3A_105 = arith.muli %select_n3A_103, %mul3A_104 : i32
        %run_scoped3A = arith.constant 0 : i32
        "tpu.region"() ({
          %run_scoped3A_106 = tpu.sem_alloc : memref<!tpu.dma_semaphore, #tpu.memory_space<semaphore_mem>>
          %dma_start3A_107 = arith.constant 0 : i32
          %dma_start3A_108 = tpu.memref_slice %arg11[%mul3A_105, %dma_start3A_107] : memref<192x128xf32, #tpu.memory_space<vmem>> -> memref<96x128xf32, #tpu.memory_space<vmem>>
          %dma_start3A_109 = arith.constant 0 : i32
          %dma_start3A_110 = tpu.memref_slice %arg10[%scan3A_60, %run_scoped3A, %dma_start3A_109] : memref<105x1x96xi32, #tpu.memory_space<vmem>> -> memref<1x1x96xi32, #tpu.memory_space<vmem>>
          %dma_start3A_111 = tpu.memref_squeeze %dma_start3A_110 : memref<1x1x96xi32, #tpu.memory_space<vmem>> -> memref<96xi32, #tpu.memory_space<vmem>>
          %dma_start3A_112 = arith.constant 0 : i32
          %dma_start3A_113 = arith.constant 0 : i32
          %dma_start3A_114 = tpu.memref_slice %arg8[%dma_start3A_112, %dma_start3A_113] : memref<10112x128xf32, #tpu.memory_space<vmem_shared>> -> memref<10112x128xf32, #tpu.memory_space<vmem_shared>>
          tpu.enqueue_indirect_dma source(%dma_start3A_108 : memref<96x128xf32, #tpu.memory_space<vmem>>) target(%dma_start3A_114 : memref<10112x128xf32, #tpu.memory_space<vmem_shared>>) offsets(%dma_start3A_111 : memref<96xi32, #tpu.memory_space<vmem>>) semaphore(%run_scoped3A_106 : memref<!tpu.dma_semaphore, #tpu.memory_space<semaphore_mem>>) {add = true}
          %dma_wait3A_115 = arith.constant 0 : i32
          %dma_wait3A_116 = tpu.memref_slice %arg11[%mul3A_105, %dma_wait3A_115] : memref<192x128xf32, #tpu.memory_space<vmem>> -> memref<96x128xf32, #tpu.memory_space<vmem>>
          %dma_wait3A_117 = arith.constant 0 : i32
          %dma_wait3A_118 = tpu.memref_slice %arg10[%scan3A_60, %run_scoped3A, %dma_wait3A_117] : memref<105x1x96xi32, #tpu.memory_space<vmem>> -> memref<1x1x96xi32, #tpu.memory_space<vmem>>
          %dma_wait3A_119 = tpu.memref_squeeze %dma_wait3A_118 : memref<1x1x96xi32, #tpu.memory_space<vmem>> -> memref<96xi32, #tpu.memory_space<vmem>>
          %dma_wait3A_120 = arith.constant 0 : i32
          %dma_wait3A_121 = arith.constant 0 : i32
          %dma_wait3A_122 = tpu.memref_slice %arg8[%dma_wait3A_120, %dma_wait3A_121] : memref<10112x128xf32, #tpu.memory_space<vmem_shared>> -> memref<10112x128xf32, #tpu.memory_space<vmem_shared>>
          tpu.wait_indirect_dma semaphore(%run_scoped3A_106 : memref<!tpu.dma_semaphore, #tpu.memory_space<semaphore_mem>>) src(%dma_wait3A_116 : memref<96x128xf32, #tpu.memory_space<vmem>>) dst(%dma_wait3A_122 : memref<10112x128xf32, #tpu.memory_space<vmem_shared>>)
          tpu.yield
        }) : () -> ()
      }
      %scan3A_59 = arith.constant 105 : i32
    } else {
    }
    %barrier3A_36 = arith.constant 0 : index
    tpu.barrier barrier_id(%barrier3A_36)
    %eq3A_37 = arith.constant 0 : i32
    %eq3A_38 = arith.cmpi eq, %arg0, %eq3A_37 : i32
    %convert_element_type3A_39 = arith.extui %eq3A_38 : i1 to i32
    %cond3A_40 = arith.constant 0 : i32
    %cond3A_41 = arith.cmpi ne, %convert_element_type3A_39, %cond3A_40 : i32
    scf.if %cond3A_41 {
      %lt3A_47 = arith.constant 15 : i32
      %lt3A_48 = arith.cmpi slt, %arg1, %lt3A_47 : i32
      %convert_element_type3A_49 = arith.extui %lt3A_48 : i1 to i32
      %cond3A_50 = arith.constant 0 : i32
      %cond3A_51 = arith.cmpi ne, %convert_element_type3A_49, %cond3A_50 : i32
      scf.if %cond3A_51 {
        "tpu.region"() ({
          %run_scoped3A = tpu.sem_alloc : memref<!tpu.dma_semaphore, #tpu.memory_space<semaphore_mem>>
          %dma_start3A = arith.constant 0 : i32
          %dma_start3A_57 = tpu.memref_slice %arg6[%mul3A_5, %dma_start3A] : memref<10000x128xf32, #tpu.memory_space<hbm>> -> memref<632x128xf32, #tpu.memory_space<hbm>>
          %dma_start3A_58 = arith.constant 0 : i32
          %dma_start3A_59 = tpu.memref_slice %arg8[%mul3A_5, %dma_start3A_58] : memref<10112x128xf32, #tpu.memory_space<vmem_shared>> -> memref<632x128xf32, #tpu.memory_space<vmem_shared>>
          tpu.enqueue_dma source(%dma_start3A_59 : memref<632x128xf32, #tpu.memory_space<vmem_shared>>) target(%dma_start3A_57 : memref<632x128xf32, #tpu.memory_space<hbm>>) target_semaphore(%run_scoped3A : memref<!tpu.dma_semaphore, #tpu.memory_space<semaphore_mem>>)
          %dma_wait3A = arith.constant 0 : i32
          %dma_wait3A_60 = tpu.memref_slice %arg6[%mul3A_5, %dma_wait3A] : memref<10000x128xf32, #tpu.memory_space<hbm>> -> memref<632x128xf32, #tpu.memory_space<hbm>>
          %dma_wait3A_61 = arith.constant 0 : i32
          %dma_wait3A_62 = tpu.memref_slice %arg8[%mul3A_5, %dma_wait3A_61] : memref<10112x128xf32, #tpu.memory_space<vmem_shared>> -> memref<632x128xf32, #tpu.memory_space<vmem_shared>>
          tpu.wait_dma2 semaphore(%run_scoped3A : memref<!tpu.dma_semaphore, #tpu.memory_space<semaphore_mem>>) src(%dma_wait3A_62 : memref<632x128xf32, #tpu.memory_space<vmem_shared>>) dst(%dma_wait3A_60 : memref<632x128xf32, #tpu.memory_space<hbm>>)
          tpu.yield
        }) : () -> ()
      } else {
      }
      %eq3A_52 = arith.constant 15 : i32
      %eq3A_53 = arith.cmpi eq, %arg1, %eq3A_52 : i32
      %convert_element_type3A_54 = arith.extui %eq3A_53 : i1 to i32
      %cond3A_55 = arith.constant 0 : i32
      %cond3A_56 = arith.cmpi ne, %convert_element_type3A_54, %cond3A_55 : i32
      scf.if %cond3A_56 {
        "tpu.region"() ({
          %run_scoped3A = tpu.sem_alloc : memref<!tpu.dma_semaphore, #tpu.memory_space<semaphore_mem>>
          %dma_start3A = arith.constant 9480 : i32
          %dma_start3A_57 = arith.constant 0 : i32
          %dma_start3A_58 = tpu.memref_slice %arg6[%dma_start3A, %dma_start3A_57] : memref<10000x128xf32, #tpu.memory_space<hbm>> -> memref<520x128xf32, #tpu.memory_space<hbm>>
          %dma_start3A_59 = arith.constant 9480 : i32
          %dma_start3A_60 = arith.constant 0 : i32
          %dma_start3A_61 = tpu.memref_slice %arg8[%dma_start3A_59, %dma_start3A_60] : memref<10112x128xf32, #tpu.memory_space<vmem_shared>> -> memref<520x128xf32, #tpu.memory_space<vmem_shared>>
          tpu.enqueue_dma source(%dma_start3A_61 : memref<520x128xf32, #tpu.memory_space<vmem_shared>>) target(%dma_start3A_58 : memref<520x128xf32, #tpu.memory_space<hbm>>) target_semaphore(%run_scoped3A : memref<!tpu.dma_semaphore, #tpu.memory_space<semaphore_mem>>)
          %dma_wait3A = arith.constant 9480 : i32
          %dma_wait3A_62 = arith.constant 0 : i32
          %dma_wait3A_63 = tpu.memref_slice %arg6[%dma_wait3A, %dma_wait3A_62] : memref<10000x128xf32, #tpu.memory_space<hbm>> -> memref<520x128xf32, #tpu.memory_space<hbm>>
          %dma_wait3A_64 = arith.constant 9480 : i32
          %dma_wait3A_65 = arith.constant 0 : i32
          %dma_wait3A_66 = tpu.memref_slice %arg8[%dma_wait3A_64, %dma_wait3A_65] : memref<10112x128xf32, #tpu.memory_space<vmem_shared>> -> memref<520x128xf32, #tpu.memory_space<vmem_shared>>
          tpu.wait_dma2 semaphore(%run_scoped3A : memref<!tpu.dma_semaphore, #tpu.memory_space<semaphore_mem>>) src(%dma_wait3A_66 : memref<520x128xf32, #tpu.memory_space<vmem_shared>>) dst(%dma_wait3A_63 : memref<520x128xf32, #tpu.memory_space<hbm>>)
          tpu.yield
        }) : () -> ()
      } else {
      }
    } else {
    }
    %eq3A_42 = arith.constant 1 : i32
    %eq3A_43 = arith.cmpi eq, %arg0, %eq3A_42 : i32
    %convert_element_type3A_44 = arith.extui %eq3A_43 : i1 to i32
    %cond3A_45 = arith.constant 0 : i32
    %cond3A_46 = arith.cmpi ne, %convert_element_type3A_44, %cond3A_45 : i32
    scf.if %cond3A_46 {
      %lt3A_47 = arith.constant 15 : i32
      %lt3A_48 = arith.cmpi slt, %arg1, %lt3A_47 : i32
      %convert_element_type3A_49 = arith.extui %lt3A_48 : i1 to i32
      %cond3A_50 = arith.constant 0 : i32
      %cond3A_51 = arith.cmpi ne, %convert_element_type3A_49, %cond3A_50 : i32
      scf.if %cond3A_51 {
        "tpu.region"() ({
          %run_scoped3A = tpu.sem_alloc : memref<!tpu.dma_semaphore, #tpu.memory_space<semaphore_mem>>
          %dma_start3A = arith.constant 0 : i32
          %dma_start3A_57 = tpu.memref_slice %arg7[%mul3A_5, %dma_start3A] : memref<10000x128xf32, #tpu.memory_space<hbm>> -> memref<632x128xf32, #tpu.memory_space<hbm>>
          %dma_start3A_58 = arith.constant 0 : i32
          %dma_start3A_59 = tpu.memref_slice %arg8[%mul3A_5, %dma_start3A_58] : memref<10112x128xf32, #tpu.memory_space<vmem_shared>> -> memref<632x128xf32, #tpu.memory_space<vmem_shared>>
          tpu.enqueue_dma source(%dma_start3A_59 : memref<632x128xf32, #tpu.memory_space<vmem_shared>>) target(%dma_start3A_57 : memref<632x128xf32, #tpu.memory_space<hbm>>) target_semaphore(%run_scoped3A : memref<!tpu.dma_semaphore, #tpu.memory_space<semaphore_mem>>)
          %dma_wait3A = arith.constant 0 : i32
          %dma_wait3A_60 = tpu.memref_slice %arg7[%mul3A_5, %dma_wait3A] : memref<10000x128xf32, #tpu.memory_space<hbm>> -> memref<632x128xf32, #tpu.memory_space<hbm>>
          %dma_wait3A_61 = arith.constant 0 : i32
          %dma_wait3A_62 = tpu.memref_slice %arg8[%mul3A_5, %dma_wait3A_61] : memref<10112x128xf32, #tpu.memory_space<vmem_shared>> -> memref<632x128xf32, #tpu.memory_space<vmem_shared>>
          tpu.wait_dma2 semaphore(%run_scoped3A : memref<!tpu.dma_semaphore, #tpu.memory_space<semaphore_mem>>) src(%dma_wait3A_62 : memref<632x128xf32, #tpu.memory_space<vmem_shared>>) dst(%dma_wait3A_60 : memref<632x128xf32, #tpu.memory_space<hbm>>)
          tpu.yield
        }) : () -> ()
      } else {
      }
      %eq3A_52 = arith.constant 15 : i32
      %eq3A_53 = arith.cmpi eq, %arg1, %eq3A_52 : i32
      %convert_element_type3A_54 = arith.extui %eq3A_53 : i1 to i32
      %cond3A_55 = arith.constant 0 : i32
      %cond3A_56 = arith.cmpi ne, %convert_element_type3A_54, %cond3A_55 : i32
      scf.if %cond3A_56 {
        "tpu.region"() ({
          %run_scoped3A = tpu.sem_alloc : memref<!tpu.dma_semaphore, #tpu.memory_space<semaphore_mem>>
          %dma_start3A = arith.constant 9480 : i32
          %dma_start3A_57 = arith.constant 0 : i32
          %dma_start3A_58 = tpu.memref_slice %arg7[%dma_start3A, %dma_start3A_57] : memref<10000x128xf32, #tpu.memory_space<hbm>> -> memref<520x128xf32, #tpu.memory_space<hbm>>
          %dma_start3A_59 = arith.constant 9480 : i32
          %dma_start3A_60 = arith.constant 0 : i32
          %dma_start3A_61 = tpu.memref_slice %arg8[%dma_start3A_59, %dma_start3A_60] : memref<10112x128xf32, #tpu.memory_space<vmem_shared>> -> memref<520x128xf32, #tpu.memory_space<vmem_shared>>
          tpu.enqueue_dma source(%dma_start3A_61 : memref<520x128xf32, #tpu.memory_space<vmem_shared>>) target(%dma_start3A_58 : memref<520x128xf32, #tpu.memory_space<hbm>>) target_semaphore(%run_scoped3A : memref<!tpu.dma_semaphore, #tpu.memory_space<semaphore_mem>>)
          %dma_wait3A = arith.constant 9480 : i32
          %dma_wait3A_62 = arith.constant 0 : i32
          %dma_wait3A_63 = tpu.memref_slice %arg7[%dma_wait3A, %dma_wait3A_62] : memref<10000x128xf32, #tpu.memory_space<hbm>> -> memref<520x128xf32, #tpu.memory_space<hbm>>
          %dma_wait3A_64 = arith.constant 9480 : i32
          %dma_wait3A_65 = arith.constant 0 : i32
          %dma_wait3A_66 = tpu.memref_slice %arg8[%dma_wait3A_64, %dma_wait3A_65] : memref<10112x128xf32, #tpu.memory_space<vmem_shared>> -> memref<520x128xf32, #tpu.memory_space<vmem_shared>>
          tpu.wait_dma2 semaphore(%run_scoped3A : memref<!tpu.dma_semaphore, #tpu.memory_space<semaphore_mem>>) src(%dma_wait3A_66 : memref<520x128xf32, #tpu.memory_space<vmem_shared>>) dst(%dma_wait3A_63 : memref<520x128xf32, #tpu.memory_space<hbm>>)
          tpu.yield
        }) : () -> ()
      } else {
      }
    } else {
    }
    return
  }
}

#map = affine_map<(d0, d1) -> (0, 0)>
#map1 = affine_map<(d0, d1) -> (0)>
#map2 = affine_map<(d0, d1) -> (0, 0, 0)>
module attributes {stable_mosaic.version = 14 : i64} {
  func.func @body(%arg0: i32, %arg1: i32, %arg2: memref<10000x128xf32, #tpu.memory_space<hbm>>, %arg3: memref<10000x128xf32, #tpu.memory_space<hbm>>, %arg4: memref<161280xi32, #tpu.memory_space<hbm>>, %arg5: memref<1680x1x96xi32, #tpu.memory_space<hbm>>, %arg6: memref<10000x128xf32, #tpu.memory_space<hbm>>, %arg7: memref<10000x128xf32, #tpu.memory_space<hbm>>, %arg8: memref<10000xf32, #tpu.memory_space<hbm>>, %arg9: memref<10000xf32, #tpu.memory_space<hbm>>, %arg10: memref<10112x128xf32, #tpu.memory_space<vmem_shared>>, %arg11: memref<10080xi32, #tpu.memory_space<vmem>>, %arg12: memref<105x1x96xi32, #tpu.memory_space<vmem>>, %arg13: memref<192x128xf32, #tpu.memory_space<vmem>>, %arg14: memref<!tpu.dma_semaphore, #tpu.memory_space<semaphore_mem>>, %arg15: memref<!tpu.dma_semaphore, #tpu.memory_space<semaphore_mem>>, %arg16: memref<10112xf32, #tpu.memory_space<vmem_shared>>, %arg17: memref<640xf32, #tpu.memory_space<vmem>>, %arg18: memref<96xf32, #tpu.memory_space<vmem>>) attributes {dimension_semantics = [#tpu.dimension_semantics<core_parallel>, #tpu.dimension_semantics<subcore_parallel>], iteration_bounds = array<i64: 2, 16>, scalar_prefetch = 0 : i64, scratch_operands = 9 : i64, tpu.core_type = #tpu.core_type<sc_vector_subcore>, window_params = [{transform_indices = #map}, {transform_indices = #map}, {transform_indices = #map1}, {transform_indices = #map2}, {transform_indices = #map}, {transform_indices = #map}, {transform_indices = #map1}, {transform_indices = #map1}]} {
    %scan3A = arith.constant 0 : i32
    %scan3A_0 = arith.constant 0 : i32
    %scan3A_1 = arith.constant 768 : i32
    %scan3A_2 = arith.addi %scan3A_0, %scan3A_1 : i32
    %scan3A_3 = arith.constant 1 : i32
    scf.for %scan3A_87 = %scan3A_0 to %scan3A_2 step %scan3A_3  : i32 {
      %broadcast_in_dim3A_88 = arith.constant 0.000000e+00 : f32
      %broadcast_in_dim3A_89 = vector.broadcast %broadcast_in_dim3A_88 : f32 to vector<16xf32>
      %jit3A = arith.constant 8 : i32
      %div3A = arith.divsi %scan3A_87, %jit3A : i32
      %sign3A = arith.constant 0 : i32
      %sign3A_90 = arith.cmpi sgt, %scan3A_87, %sign3A : i32
      %sign3A_91 = arith.extui %sign3A_90 : i1 to i32
      %sign3A_92 = arith.constant 0 : i32
      %sign3A_93 = arith.cmpi slt, %scan3A_87, %sign3A_92 : i32
      %sign3A_94 = arith.extui %sign3A_93 : i1 to i32
      %sign3A_95 = arith.subi %sign3A_91, %sign3A_94 : i32
      %sign3A_96 = arith.constant 0 : i32
      %sign3A_97 = arith.cmpi sgt, %jit3A, %sign3A_96 : i32
      %sign3A_98 = arith.extui %sign3A_97 : i1 to i32
      %sign3A_99 = arith.constant 0 : i32
      %sign3A_100 = arith.cmpi slt, %jit3A, %sign3A_99 : i32
      %sign3A_101 = arith.extui %sign3A_100 : i1 to i32
      %sign3A_102 = arith.subi %sign3A_98, %sign3A_101 : i32
      %ne3A = arith.cmpi ne, %sign3A_95, %sign3A_102 : i32
      %rem3A = arith.remsi %scan3A_87, %jit3A : i32
      %ne3A_103 = arith.constant 0 : i32
      %ne3A_104 = arith.cmpi ne, %rem3A, %ne3A_103 : i32
      %and3A = arith.andi %ne3A, %ne3A_104 : i1
      %sub3A = arith.constant 1 : i32
      %sub3A_105 = arith.subi %div3A, %sub3A : i32
      %select_n3A = arith.select %and3A, %sub3A_105, %div3A : i32
      %jit3A_106 = arith.constant 8 : i32
      %eq3A_107 = arith.constant 0 : i32
      %eq3A_108 = arith.cmpi eq, %jit3A_106, %eq3A_107 : i32
      %jit3A_109 = arith.constant 1 : i32
      %select_n3A_110 = arith.select %eq3A_108, %jit3A_109, %jit3A_106 : i32
      %rem3A_111 = arith.remsi %scan3A_87, %select_n3A_110 : i32
      %ne3A_112 = arith.constant 0 : i32
      %ne3A_113 = arith.cmpi ne, %rem3A_111, %ne3A_112 : i32
      %lt3A_114 = arith.constant 0 : i32
      %lt3A_115 = arith.cmpi slt, %rem3A_111, %lt3A_114 : i32
      %lt3A_116 = arith.constant 0 : i32
      %lt3A_117 = arith.cmpi slt, %select_n3A_110, %lt3A_116 : i32
      %ne3A_118 = arith.xori %lt3A_115, %lt3A_117 : i1
      %and3A_119 = arith.andi %ne3A_118, %ne3A_113 : i1
      %add3A_120 = arith.addi %rem3A_111, %select_n3A_110 : i32
      %select_n3A_121 = arith.select %and3A_119, %add3A_120, %rem3A_111 : i32
      %mul3A_122 = arith.constant 16 : i32
      %mul3A_123 = arith.muli %select_n3A_121, %mul3A_122 : i32
      %swap3A_124 = arith.index_cast %select_n3A : i32 to index
      %swap3A_125 = arith.index_cast %mul3A_123 : i32 to index
      %swap3A_126 = tpu.vector_load %arg13[%swap3A_124, %swap3A_125] {strides = array<i32>} : memref<192x128xf32, #tpu.memory_space<vmem>>, vector<1x16xf32>,
      %swap3A_127 = vector.shape_cast %swap3A_126 : vector<1x16xf32> to vector<16xf32>
      %swap3A_128 = vector.shape_cast %broadcast_in_dim3A_89 : vector<16xf32> to vector<1x16xf32>
      tpu.vector_store %arg13[%swap3A_124, %swap3A_125], %swap3A_128 {strides = array<i32>} : memref<192x128xf32, #tpu.memory_space<vmem>>, vector<1x16xf32>,
    }
    %scan3A_4 = arith.constant 768 : i32
    %mul3A = arith.constant 632 : i32
    %mul3A_5 = arith.muli %arg1, %mul3A : i32
    %add3A = arith.constant 0 : i32
    %add3A_6 = arith.addi %mul3A_5, %add3A : i32
    "tpu.region"() ({
      %run_scoped3A = tpu.sem_alloc : memref<!tpu.dma_semaphore, #tpu.memory_space<semaphore_mem>>
      %dma_start3A = arith.constant 0 : i32
      %dma_start3A_87 = arith.constant 0 : i32
      %dma_start3A_88 = tpu.memref_slice %arg13[%dma_start3A, %dma_start3A_87] : memref<192x128xf32, #tpu.memory_space<vmem>> -> memref<96x128xf32, #tpu.memory_space<vmem>>
      %dma_start3A_89 = arith.constant 0 : i32
      %dma_start3A_90 = tpu.memref_slice %arg10[%add3A_6, %dma_start3A_89] : memref<10112x128xf32, #tpu.memory_space<vmem_shared>> -> memref<96x128xf32, #tpu.memory_space<vmem_shared>>
      %dma_start3A_91 = arith.constant 0 : i32
      %dma_start3A_92 = tpu.memref_slice %arg10[%add3A_6, %dma_start3A_91] : memref<10112x128xf32, #tpu.memory_space<vmem_shared>> -> memref<96x128xf32, #tpu.memory_space<vmem_shared>>
      %dma_start3A_93 = arith.constant 0 : i32
      %dma_start3A_94 = arith.constant 0 : i32
      %dma_start3A_95 = tpu.memref_slice %arg13[%dma_start3A_93, %dma_start3A_94] : memref<192x128xf32, #tpu.memory_space<vmem>> -> memref<96x128xf32, #tpu.memory_space<vmem>>
      tpu.enqueue_dma source(%dma_start3A_95 : memref<96x128xf32, #tpu.memory_space<vmem>>) target(%dma_start3A_92 : memref<96x128xf32, #tpu.memory_space<vmem_shared>>) target_semaphore(%run_scoped3A : memref<!tpu.dma_semaphore, #tpu.memory_space<semaphore_mem>>)
      %dma_wait3A = arith.constant 0 : i32
      %dma_wait3A_96 = arith.constant 0 : i32
      %dma_wait3A_97 = tpu.memref_slice %arg13[%dma_wait3A, %dma_wait3A_96] : memref<192x128xf32, #tpu.memory_space<vmem>> -> memref<96x128xf32, #tpu.memory_space<vmem>>
      %dma_wait3A_98 = arith.constant 0 : i32
      %dma_wait3A_99 = tpu.memref_slice %arg10[%add3A_6, %dma_wait3A_98] : memref<10112x128xf32, #tpu.memory_space<vmem_shared>> -> memref<96x128xf32, #tpu.memory_space<vmem_shared>>
      %dma_wait3A_100 = arith.constant 0 : i32
      %dma_wait3A_101 = tpu.memref_slice %arg10[%add3A_6, %dma_wait3A_100] : memref<10112x128xf32, #tpu.memory_space<vmem_shared>> -> memref<96x128xf32, #tpu.memory_space<vmem_shared>>
      %dma_wait3A_102 = arith.constant 0 : i32
      %dma_wait3A_103 = arith.constant 0 : i32
      %dma_wait3A_104 = tpu.memref_slice %arg13[%dma_wait3A_102, %dma_wait3A_103] : memref<192x128xf32, #tpu.memory_space<vmem>> -> memref<96x128xf32, #tpu.memory_space<vmem>>
      tpu.wait_dma2 semaphore(%run_scoped3A : memref<!tpu.dma_semaphore, #tpu.memory_space<semaphore_mem>>) src(%dma_wait3A_104 : memref<96x128xf32, #tpu.memory_space<vmem>>) dst(%dma_wait3A_101 : memref<96x128xf32, #tpu.memory_space<vmem_shared>>)
      tpu.yield
    }) : () -> ()
    %add3A_7 = arith.constant 96 : i32
    %add3A_8 = arith.addi %mul3A_5, %add3A_7 : i32
    "tpu.region"() ({
      %run_scoped3A = tpu.sem_alloc : memref<!tpu.dma_semaphore, #tpu.memory_space<semaphore_mem>>
      %dma_start3A = arith.constant 0 : i32
      %dma_start3A_87 = arith.constant 0 : i32
      %dma_start3A_88 = tpu.memref_slice %arg13[%dma_start3A, %dma_start3A_87] : memref<192x128xf32, #tpu.memory_space<vmem>> -> memref<96x128xf32, #tpu.memory_space<vmem>>
      %dma_start3A_89 = arith.constant 0 : i32
      %dma_start3A_90 = tpu.memref_slice %arg10[%add3A_8, %dma_start3A_89] : memref<10112x128xf32, #tpu.memory_space<vmem_shared>> -> memref<96x128xf32, #tpu.memory_space<vmem_shared>>
      %dma_start3A_91 = arith.constant 0 : i32
      %dma_start3A_92 = tpu.memref_slice %arg10[%add3A_8, %dma_start3A_91] : memref<10112x128xf32, #tpu.memory_space<vmem_shared>> -> memref<96x128xf32, #tpu.memory_space<vmem_shared>>
      %dma_start3A_93 = arith.constant 0 : i32
      %dma_start3A_94 = arith.constant 0 : i32
      %dma_start3A_95 = tpu.memref_slice %arg13[%dma_start3A_93, %dma_start3A_94] : memref<192x128xf32, #tpu.memory_space<vmem>> -> memref<96x128xf32, #tpu.memory_space<vmem>>
      tpu.enqueue_dma source(%dma_start3A_95 : memref<96x128xf32, #tpu.memory_space<vmem>>) target(%dma_start3A_92 : memref<96x128xf32, #tpu.memory_space<vmem_shared>>) target_semaphore(%run_scoped3A : memref<!tpu.dma_semaphore, #tpu.memory_space<semaphore_mem>>)
      %dma_wait3A = arith.constant 0 : i32
      %dma_wait3A_96 = arith.constant 0 : i32
      %dma_wait3A_97 = tpu.memref_slice %arg13[%dma_wait3A, %dma_wait3A_96] : memref<192x128xf32, #tpu.memory_space<vmem>> -> memref<96x128xf32, #tpu.memory_space<vmem>>
      %dma_wait3A_98 = arith.constant 0 : i32
      %dma_wait3A_99 = tpu.memref_slice %arg10[%add3A_8, %dma_wait3A_98] : memref<10112x128xf32, #tpu.memory_space<vmem_shared>> -> memref<96x128xf32, #tpu.memory_space<vmem_shared>>
      %dma_wait3A_100 = arith.constant 0 : i32
      %dma_wait3A_101 = tpu.memref_slice %arg10[%add3A_8, %dma_wait3A_100] : memref<10112x128xf32, #tpu.memory_space<vmem_shared>> -> memref<96x128xf32, #tpu.memory_space<vmem_shared>>
      %dma_wait3A_102 = arith.constant 0 : i32
      %dma_wait3A_103 = arith.constant 0 : i32
      %dma_wait3A_104 = tpu.memref_slice %arg13[%dma_wait3A_102, %dma_wait3A_103] : memref<192x128xf32, #tpu.memory_space<vmem>> -> memref<96x128xf32, #tpu.memory_space<vmem>>
      tpu.wait_dma2 semaphore(%run_scoped3A : memref<!tpu.dma_semaphore, #tpu.memory_space<semaphore_mem>>) src(%dma_wait3A_104 : memref<96x128xf32, #tpu.memory_space<vmem>>) dst(%dma_wait3A_101 : memref<96x128xf32, #tpu.memory_space<vmem_shared>>)
      tpu.yield
    }) : () -> ()
    %add3A_9 = arith.constant 192 : i32
    %add3A_10 = arith.addi %mul3A_5, %add3A_9 : i32
    "tpu.region"() ({
      %run_scoped3A = tpu.sem_alloc : memref<!tpu.dma_semaphore, #tpu.memory_space<semaphore_mem>>
      %dma_start3A = arith.constant 0 : i32
      %dma_start3A_87 = arith.constant 0 : i32
      %dma_start3A_88 = tpu.memref_slice %arg13[%dma_start3A, %dma_start3A_87] : memref<192x128xf32, #tpu.memory_space<vmem>> -> memref<96x128xf32, #tpu.memory_space<vmem>>
      %dma_start3A_89 = arith.constant 0 : i32
      %dma_start3A_90 = tpu.memref_slice %arg10[%add3A_10, %dma_start3A_89] : memref<10112x128xf32, #tpu.memory_space<vmem_shared>> -> memref<96x128xf32, #tpu.memory_space<vmem_shared>>
      %dma_start3A_91 = arith.constant 0 : i32
      %dma_start3A_92 = tpu.memref_slice %arg10[%add3A_10, %dma_start3A_91] : memref<10112x128xf32, #tpu.memory_space<vmem_shared>> -> memref<96x128xf32, #tpu.memory_space<vmem_shared>>
      %dma_start3A_93 = arith.constant 0 : i32
      %dma_start3A_94 = arith.constant 0 : i32
      %dma_start3A_95 = tpu.memref_slice %arg13[%dma_start3A_93, %dma_start3A_94] : memref<192x128xf32, #tpu.memory_space<vmem>> -> memref<96x128xf32, #tpu.memory_space<vmem>>
      tpu.enqueue_dma source(%dma_start3A_95 : memref<96x128xf32, #tpu.memory_space<vmem>>) target(%dma_start3A_92 : memref<96x128xf32, #tpu.memory_space<vmem_shared>>) target_semaphore(%run_scoped3A : memref<!tpu.dma_semaphore, #tpu.memory_space<semaphore_mem>>)
      %dma_wait3A = arith.constant 0 : i32
      %dma_wait3A_96 = arith.constant 0 : i32
      %dma_wait3A_97 = tpu.memref_slice %arg13[%dma_wait3A, %dma_wait3A_96] : memref<192x128xf32, #tpu.memory_space<vmem>> -> memref<96x128xf32, #tpu.memory_space<vmem>>
      %dma_wait3A_98 = arith.constant 0 : i32
      %dma_wait3A_99 = tpu.memref_slice %arg10[%add3A_10, %dma_wait3A_98] : memref<10112x128xf32, #tpu.memory_space<vmem_shared>> -> memref<96x128xf32, #tpu.memory_space<vmem_shared>>
      %dma_wait3A_100 = arith.constant 0 : i32
      %dma_wait3A_101 = tpu.memref_slice %arg10[%add3A_10, %dma_wait3A_100] : memref<10112x128xf32, #tpu.memory_space<vmem_shared>> -> memref<96x128xf32, #tpu.memory_space<vmem_shared>>
      %dma_wait3A_102 = arith.constant 0 : i32
      %dma_wait3A_103 = arith.constant 0 : i32
      %dma_wait3A_104 = tpu.memref_slice %arg13[%dma_wait3A_102, %dma_wait3A_103] : memref<192x128xf32, #tpu.memory_space<vmem>> -> memref<96x128xf32, #tpu.memory_space<vmem>>
      tpu.wait_dma2 semaphore(%run_scoped3A : memref<!tpu.dma_semaphore, #tpu.memory_space<semaphore_mem>>) src(%dma_wait3A_104 : memref<96x128xf32, #tpu.memory_space<vmem>>) dst(%dma_wait3A_101 : memref<96x128xf32, #tpu.memory_space<vmem_shared>>)
      tpu.yield
    }) : () -> ()
    %add3A_11 = arith.constant 288 : i32
    %add3A_12 = arith.addi %mul3A_5, %add3A_11 : i32
    "tpu.region"() ({
      %run_scoped3A = tpu.sem_alloc : memref<!tpu.dma_semaphore, #tpu.memory_space<semaphore_mem>>
      %dma_start3A = arith.constant 0 : i32
      %dma_start3A_87 = arith.constant 0 : i32
      %dma_start3A_88 = tpu.memref_slice %arg13[%dma_start3A, %dma_start3A_87] : memref<192x128xf32, #tpu.memory_space<vmem>> -> memref<96x128xf32, #tpu.memory_space<vmem>>
      %dma_start3A_89 = arith.constant 0 : i32
      %dma_start3A_90 = tpu.memref_slice %arg10[%add3A_12, %dma_start3A_89] : memref<10112x128xf32, #tpu.memory_space<vmem_shared>> -> memref<96x128xf32, #tpu.memory_space<vmem_shared>>
      %dma_start3A_91 = arith.constant 0 : i32
      %dma_start3A_92 = tpu.memref_slice %arg10[%add3A_12, %dma_start3A_91] : memref<10112x128xf32, #tpu.memory_space<vmem_shared>> -> memref<96x128xf32, #tpu.memory_space<vmem_shared>>
      %dma_start3A_93 = arith.constant 0 : i32
      %dma_start3A_94 = arith.constant 0 : i32
      %dma_start3A_95 = tpu.memref_slice %arg13[%dma_start3A_93, %dma_start3A_94] : memref<192x128xf32, #tpu.memory_space<vmem>> -> memref<96x128xf32, #tpu.memory_space<vmem>>
      tpu.enqueue_dma source(%dma_start3A_95 : memref<96x128xf32, #tpu.memory_space<vmem>>) target(%dma_start3A_92 : memref<96x128xf32, #tpu.memory_space<vmem_shared>>) target_semaphore(%run_scoped3A : memref<!tpu.dma_semaphore, #tpu.memory_space<semaphore_mem>>)
      %dma_wait3A = arith.constant 0 : i32
      %dma_wait3A_96 = arith.constant 0 : i32
      %dma_wait3A_97 = tpu.memref_slice %arg13[%dma_wait3A, %dma_wait3A_96] : memref<192x128xf32, #tpu.memory_space<vmem>> -> memref<96x128xf32, #tpu.memory_space<vmem>>
      %dma_wait3A_98 = arith.constant 0 : i32
      %dma_wait3A_99 = tpu.memref_slice %arg10[%add3A_12, %dma_wait3A_98] : memref<10112x128xf32, #tpu.memory_space<vmem_shared>> -> memref<96x128xf32, #tpu.memory_space<vmem_shared>>
      %dma_wait3A_100 = arith.constant 0 : i32
      %dma_wait3A_101 = tpu.memref_slice %arg10[%add3A_12, %dma_wait3A_100] : memref<10112x128xf32, #tpu.memory_space<vmem_shared>> -> memref<96x128xf32, #tpu.memory_space<vmem_shared>>
      %dma_wait3A_102 = arith.constant 0 : i32
      %dma_wait3A_103 = arith.constant 0 : i32
      %dma_wait3A_104 = tpu.memref_slice %arg13[%dma_wait3A_102, %dma_wait3A_103] : memref<192x128xf32, #tpu.memory_space<vmem>> -> memref<96x128xf32, #tpu.memory_space<vmem>>
      tpu.wait_dma2 semaphore(%run_scoped3A : memref<!tpu.dma_semaphore, #tpu.memory_space<semaphore_mem>>) src(%dma_wait3A_104 : memref<96x128xf32, #tpu.memory_space<vmem>>) dst(%dma_wait3A_101 : memref<96x128xf32, #tpu.memory_space<vmem_shared>>)
      tpu.yield
    }) : () -> ()
    %add3A_13 = arith.constant 384 : i32
    %add3A_14 = arith.addi %mul3A_5, %add3A_13 : i32
    "tpu.region"() ({
      %run_scoped3A = tpu.sem_alloc : memref<!tpu.dma_semaphore, #tpu.memory_space<semaphore_mem>>
      %dma_start3A = arith.constant 0 : i32
      %dma_start3A_87 = arith.constant 0 : i32
      %dma_start3A_88 = tpu.memref_slice %arg13[%dma_start3A, %dma_start3A_87] : memref<192x128xf32, #tpu.memory_space<vmem>> -> memref<96x128xf32, #tpu.memory_space<vmem>>
      %dma_start3A_89 = arith.constant 0 : i32
      %dma_start3A_90 = tpu.memref_slice %arg10[%add3A_14, %dma_start3A_89] : memref<10112x128xf32, #tpu.memory_space<vmem_shared>> -> memref<96x128xf32, #tpu.memory_space<vmem_shared>>
      %dma_start3A_91 = arith.constant 0 : i32
      %dma_start3A_92 = tpu.memref_slice %arg10[%add3A_14, %dma_start3A_91] : memref<10112x128xf32, #tpu.memory_space<vmem_shared>> -> memref<96x128xf32, #tpu.memory_space<vmem_shared>>
      %dma_start3A_93 = arith.constant 0 : i32
      %dma_start3A_94 = arith.constant 0 : i32
      %dma_start3A_95 = tpu.memref_slice %arg13[%dma_start3A_93, %dma_start3A_94] : memref<192x128xf32, #tpu.memory_space<vmem>> -> memref<96x128xf32, #tpu.memory_space<vmem>>
      tpu.enqueue_dma source(%dma_start3A_95 : memref<96x128xf32, #tpu.memory_space<vmem>>) target(%dma_start3A_92 : memref<96x128xf32, #tpu.memory_space<vmem_shared>>) target_semaphore(%run_scoped3A : memref<!tpu.dma_semaphore, #tpu.memory_space<semaphore_mem>>)
      %dma_wait3A = arith.constant 0 : i32
      %dma_wait3A_96 = arith.constant 0 : i32
      %dma_wait3A_97 = tpu.memref_slice %arg13[%dma_wait3A, %dma_wait3A_96] : memref<192x128xf32, #tpu.memory_space<vmem>> -> memref<96x128xf32, #tpu.memory_space<vmem>>
      %dma_wait3A_98 = arith.constant 0 : i32
      %dma_wait3A_99 = tpu.memref_slice %arg10[%add3A_14, %dma_wait3A_98] : memref<10112x128xf32, #tpu.memory_space<vmem_shared>> -> memref<96x128xf32, #tpu.memory_space<vmem_shared>>
      %dma_wait3A_100 = arith.constant 0 : i32
      %dma_wait3A_101 = tpu.memref_slice %arg10[%add3A_14, %dma_wait3A_100] : memref<10112x128xf32, #tpu.memory_space<vmem_shared>> -> memref<96x128xf32, #tpu.memory_space<vmem_shared>>
      %dma_wait3A_102 = arith.constant 0 : i32
      %dma_wait3A_103 = arith.constant 0 : i32
      %dma_wait3A_104 = tpu.memref_slice %arg13[%dma_wait3A_102, %dma_wait3A_103] : memref<192x128xf32, #tpu.memory_space<vmem>> -> memref<96x128xf32, #tpu.memory_space<vmem>>
      tpu.wait_dma2 semaphore(%run_scoped3A : memref<!tpu.dma_semaphore, #tpu.memory_space<semaphore_mem>>) src(%dma_wait3A_104 : memref<96x128xf32, #tpu.memory_space<vmem>>) dst(%dma_wait3A_101 : memref<96x128xf32, #tpu.memory_space<vmem_shared>>)
      tpu.yield
    }) : () -> ()
    %add3A_15 = arith.constant 480 : i32
    %add3A_16 = arith.addi %mul3A_5, %add3A_15 : i32
    "tpu.region"() ({
      %run_scoped3A = tpu.sem_alloc : memref<!tpu.dma_semaphore, #tpu.memory_space<semaphore_mem>>
      %dma_start3A = arith.constant 0 : i32
      %dma_start3A_87 = arith.constant 0 : i32
      %dma_start3A_88 = tpu.memref_slice %arg13[%dma_start3A, %dma_start3A_87] : memref<192x128xf32, #tpu.memory_space<vmem>> -> memref<96x128xf32, #tpu.memory_space<vmem>>
      %dma_start3A_89 = arith.constant 0 : i32
      %dma_start3A_90 = tpu.memref_slice %arg10[%add3A_16, %dma_start3A_89] : memref<10112x128xf32, #tpu.memory_space<vmem_shared>> -> memref<96x128xf32, #tpu.memory_space<vmem_shared>>
      %dma_start3A_91 = arith.constant 0 : i32
      %dma_start3A_92 = tpu.memref_slice %arg10[%add3A_16, %dma_start3A_91] : memref<10112x128xf32, #tpu.memory_space<vmem_shared>> -> memref<96x128xf32, #tpu.memory_space<vmem_shared>>
      %dma_start3A_93 = arith.constant 0 : i32
      %dma_start3A_94 = arith.constant 0 : i32
      %dma_start3A_95 = tpu.memref_slice %arg13[%dma_start3A_93, %dma_start3A_94] : memref<192x128xf32, #tpu.memory_space<vmem>> -> memref<96x128xf32, #tpu.memory_space<vmem>>
      tpu.enqueue_dma source(%dma_start3A_95 : memref<96x128xf32, #tpu.memory_space<vmem>>) target(%dma_start3A_92 : memref<96x128xf32, #tpu.memory_space<vmem_shared>>) target_semaphore(%run_scoped3A : memref<!tpu.dma_semaphore, #tpu.memory_space<semaphore_mem>>)
      %dma_wait3A = arith.constant 0 : i32
      %dma_wait3A_96 = arith.constant 0 : i32
      %dma_wait3A_97 = tpu.memref_slice %arg13[%dma_wait3A, %dma_wait3A_96] : memref<192x128xf32, #tpu.memory_space<vmem>> -> memref<96x128xf32, #tpu.memory_space<vmem>>
      %dma_wait3A_98 = arith.constant 0 : i32
      %dma_wait3A_99 = tpu.memref_slice %arg10[%add3A_16, %dma_wait3A_98] : memref<10112x128xf32, #tpu.memory_space<vmem_shared>> -> memref<96x128xf32, #tpu.memory_space<vmem_shared>>
      %dma_wait3A_100 = arith.constant 0 : i32
      %dma_wait3A_101 = tpu.memref_slice %arg10[%add3A_16, %dma_wait3A_100] : memref<10112x128xf32, #tpu.memory_space<vmem_shared>> -> memref<96x128xf32, #tpu.memory_space<vmem_shared>>
      %dma_wait3A_102 = arith.constant 0 : i32
      %dma_wait3A_103 = arith.constant 0 : i32
      %dma_wait3A_104 = tpu.memref_slice %arg13[%dma_wait3A_102, %dma_wait3A_103] : memref<192x128xf32, #tpu.memory_space<vmem>> -> memref<96x128xf32, #tpu.memory_space<vmem>>
      tpu.wait_dma2 semaphore(%run_scoped3A : memref<!tpu.dma_semaphore, #tpu.memory_space<semaphore_mem>>) src(%dma_wait3A_104 : memref<96x128xf32, #tpu.memory_space<vmem>>) dst(%dma_wait3A_101 : memref<96x128xf32, #tpu.memory_space<vmem_shared>>)
      tpu.yield
    }) : () -> ()
    %add3A_17 = arith.constant 576 : i32
    %add3A_18 = arith.addi %mul3A_5, %add3A_17 : i32
    "tpu.region"() ({
      %run_scoped3A = tpu.sem_alloc : memref<!tpu.dma_semaphore, #tpu.memory_space<semaphore_mem>>
      %dma_start3A = arith.constant 0 : i32
      %dma_start3A_87 = arith.constant 0 : i32
      %dma_start3A_88 = tpu.memref_slice %arg13[%dma_start3A, %dma_start3A_87] : memref<192x128xf32, #tpu.memory_space<vmem>> -> memref<56x128xf32, #tpu.memory_space<vmem>>
      %dma_start3A_89 = arith.constant 0 : i32
      %dma_start3A_90 = tpu.memref_slice %arg10[%add3A_18, %dma_start3A_89] : memref<10112x128xf32, #tpu.memory_space<vmem_shared>> -> memref<56x128xf32, #tpu.memory_space<vmem_shared>>
      %dma_start3A_91 = arith.constant 0 : i32
      %dma_start3A_92 = tpu.memref_slice %arg10[%add3A_18, %dma_start3A_91] : memref<10112x128xf32, #tpu.memory_space<vmem_shared>> -> memref<56x128xf32, #tpu.memory_space<vmem_shared>>
      %dma_start3A_93 = arith.constant 0 : i32
      %dma_start3A_94 = arith.constant 0 : i32
      %dma_start3A_95 = tpu.memref_slice %arg13[%dma_start3A_93, %dma_start3A_94] : memref<192x128xf32, #tpu.memory_space<vmem>> -> memref<56x128xf32, #tpu.memory_space<vmem>>
      tpu.enqueue_dma source(%dma_start3A_95 : memref<56x128xf32, #tpu.memory_space<vmem>>) target(%dma_start3A_92 : memref<56x128xf32, #tpu.memory_space<vmem_shared>>) target_semaphore(%run_scoped3A : memref<!tpu.dma_semaphore, #tpu.memory_space<semaphore_mem>>)
      %dma_wait3A = arith.constant 0 : i32
      %dma_wait3A_96 = arith.constant 0 : i32
      %dma_wait3A_97 = tpu.memref_slice %arg13[%dma_wait3A, %dma_wait3A_96] : memref<192x128xf32, #tpu.memory_space<vmem>> -> memref<56x128xf32, #tpu.memory_space<vmem>>
      %dma_wait3A_98 = arith.constant 0 : i32
      %dma_wait3A_99 = tpu.memref_slice %arg10[%add3A_18, %dma_wait3A_98] : memref<10112x128xf32, #tpu.memory_space<vmem_shared>> -> memref<56x128xf32, #tpu.memory_space<vmem_shared>>
      %dma_wait3A_100 = arith.constant 0 : i32
      %dma_wait3A_101 = tpu.memref_slice %arg10[%add3A_18, %dma_wait3A_100] : memref<10112x128xf32, #tpu.memory_space<vmem_shared>> -> memref<56x128xf32, #tpu.memory_space<vmem_shared>>
      %dma_wait3A_102 = arith.constant 0 : i32
      %dma_wait3A_103 = arith.constant 0 : i32
      %dma_wait3A_104 = tpu.memref_slice %arg13[%dma_wait3A_102, %dma_wait3A_103] : memref<192x128xf32, #tpu.memory_space<vmem>> -> memref<56x128xf32, #tpu.memory_space<vmem>>
      tpu.wait_dma2 semaphore(%run_scoped3A : memref<!tpu.dma_semaphore, #tpu.memory_space<semaphore_mem>>) src(%dma_wait3A_104 : memref<56x128xf32, #tpu.memory_space<vmem>>) dst(%dma_wait3A_101 : memref<56x128xf32, #tpu.memory_space<vmem_shared>>)
      tpu.yield
    }) : () -> ()
    %scan3A_19 = arith.constant 0 : i32
    %scan3A_20 = arith.constant 0 : i32
    %scan3A_21 = arith.constant 40 : i32
    %scan3A_22 = arith.addi %scan3A_20, %scan3A_21 : i32
    %scan3A_23 = arith.constant 1 : i32
    scf.for %scan3A_87 = %scan3A_20 to %scan3A_22 step %scan3A_23  : i32 {
      %broadcast_in_dim3A_88 = arith.constant 0.000000e+00 : f32
      %broadcast_in_dim3A_89 = vector.broadcast %broadcast_in_dim3A_88 : f32 to vector<16xf32>
      %mul3A_90 = arith.constant 16 : i32
      %mul3A_91 = arith.muli %scan3A_87, %mul3A_90 : i32
      %swap3A_92 = arith.index_cast %mul3A_91 : i32 to index
      %swap3A_93 = tpu.vector_load %arg17[%swap3A_92] {strides = array<i32>} : memref<640xf32, #tpu.memory_space<vmem>>, vector<16xf32>,
      %swap3A_94 = vector.shape_cast %swap3A_93 : vector<16xf32> to vector<16xf32>
      %swap3A_95 = vector.shape_cast %broadcast_in_dim3A_89 : vector<16xf32> to vector<16xf32>
      tpu.vector_store %arg17[%swap3A_92], %swap3A_95 {strides = array<i32>} : memref<640xf32, #tpu.memory_space<vmem>>, vector<16xf32>,
    }
    %scan3A_24 = arith.constant 40 : i32
    %broadcast_in_dim3A = arith.constant 1.000000e+00 : f32
    %broadcast_in_dim3A_25 = vector.broadcast %broadcast_in_dim3A : f32 to vector<16xf32>
    %swap3A = arith.constant 0 : index
    %swap3A_26 = tpu.vector_load %arg18[%swap3A] {strides = array<i32>} : memref<96xf32, #tpu.memory_space<vmem>>, vector<16xf32>,
    %swap3A_27 = vector.shape_cast %swap3A_26 : vector<16xf32> to vector<16xf32>
    %swap3A_28 = vector.shape_cast %broadcast_in_dim3A_25 : vector<16xf32> to vector<16xf32>
    tpu.vector_store %arg18[%swap3A], %swap3A_28 {strides = array<i32>} : memref<96xf32, #tpu.memory_space<vmem>>, vector<16xf32>,
    %broadcast_in_dim3A_29 = arith.constant 1.000000e+00 : f32
    %broadcast_in_dim3A_30 = vector.broadcast %broadcast_in_dim3A_29 : f32 to vector<16xf32>
    %swap3A_31 = arith.constant 16 : index
    %swap3A_32 = tpu.vector_load %arg18[%swap3A_31] {strides = array<i32>} : memref<96xf32, #tpu.memory_space<vmem>>, vector<16xf32>,
    %swap3A_33 = vector.shape_cast %swap3A_32 : vector<16xf32> to vector<16xf32>
    %swap3A_34 = vector.shape_cast %broadcast_in_dim3A_30 : vector<16xf32> to vector<16xf32>
    tpu.vector_store %arg18[%swap3A_31], %swap3A_34 {strides = array<i32>} : memref<96xf32, #tpu.memory_space<vmem>>, vector<16xf32>,
    %broadcast_in_dim3A_35 = arith.constant 1.000000e+00 : f32
    %broadcast_in_dim3A_36 = vector.broadcast %broadcast_in_dim3A_35 : f32 to vector<16xf32>
    %swap3A_37 = arith.constant 32 : index
    %swap3A_38 = tpu.vector_load %arg18[%swap3A_37] {strides = array<i32>} : memref<96xf32, #tpu.memory_space<vmem>>, vector<16xf32>,
    %swap3A_39 = vector.shape_cast %swap3A_38 : vector<16xf32> to vector<16xf32>
    %swap3A_40 = vector.shape_cast %broadcast_in_dim3A_36 : vector<16xf32> to vector<16xf32>
    tpu.vector_store %arg18[%swap3A_37], %swap3A_40 {strides = array<i32>} : memref<96xf32, #tpu.memory_space<vmem>>, vector<16xf32>,
    %broadcast_in_dim3A_41 = arith.constant 1.000000e+00 : f32
    %broadcast_in_dim3A_42 = vector.broadcast %broadcast_in_dim3A_41 : f32 to vector<16xf32>
    %swap3A_43 = arith.constant 48 : index
    %swap3A_44 = tpu.vector_load %arg18[%swap3A_43] {strides = array<i32>} : memref<96xf32, #tpu.memory_space<vmem>>, vector<16xf32>,
    %swap3A_45 = vector.shape_cast %swap3A_44 : vector<16xf32> to vector<16xf32>
    %swap3A_46 = vector.shape_cast %broadcast_in_dim3A_42 : vector<16xf32> to vector<16xf32>
    tpu.vector_store %arg18[%swap3A_43], %swap3A_46 {strides = array<i32>} : memref<96xf32, #tpu.memory_space<vmem>>, vector<16xf32>,
    %broadcast_in_dim3A_47 = arith.constant 1.000000e+00 : f32
    %broadcast_in_dim3A_48 = vector.broadcast %broadcast_in_dim3A_47 : f32 to vector<16xf32>
    %swap3A_49 = arith.constant 64 : index
    %swap3A_50 = tpu.vector_load %arg18[%swap3A_49] {strides = array<i32>} : memref<96xf32, #tpu.memory_space<vmem>>, vector<16xf32>,
    %swap3A_51 = vector.shape_cast %swap3A_50 : vector<16xf32> to vector<16xf32>
    %swap3A_52 = vector.shape_cast %broadcast_in_dim3A_48 : vector<16xf32> to vector<16xf32>
    tpu.vector_store %arg18[%swap3A_49], %swap3A_52 {strides = array<i32>} : memref<96xf32, #tpu.memory_space<vmem>>, vector<16xf32>,
    %broadcast_in_dim3A_53 = arith.constant 1.000000e+00 : f32
    %broadcast_in_dim3A_54 = vector.broadcast %broadcast_in_dim3A_53 : f32 to vector<16xf32>
    %swap3A_55 = arith.constant 80 : index
    %swap3A_56 = tpu.vector_load %arg18[%swap3A_55] {strides = array<i32>} : memref<96xf32, #tpu.memory_space<vmem>>, vector<16xf32>,
    %swap3A_57 = vector.shape_cast %swap3A_56 : vector<16xf32> to vector<16xf32>
    %swap3A_58 = vector.shape_cast %broadcast_in_dim3A_54 : vector<16xf32> to vector<16xf32>
    tpu.vector_store %arg18[%swap3A_55], %swap3A_58 {strides = array<i32>} : memref<96xf32, #tpu.memory_space<vmem>>, vector<16xf32>,
    "tpu.region"() ({
      %run_scoped3A = tpu.sem_alloc : memref<!tpu.dma_semaphore, #tpu.memory_space<semaphore_mem>>
      %dma_start3A = arith.constant 0 : i32
      %dma_start3A_87 = tpu.memref_slice %arg17[%dma_start3A] : memref<640xf32, #tpu.memory_space<vmem>> -> memref<632xf32, #tpu.memory_space<vmem>>
      %dma_start3A_88 = tpu.memref_slice %arg16[%mul3A_5] : memref<10112xf32, #tpu.memory_space<vmem_shared>> -> memref<632xf32, #tpu.memory_space<vmem_shared>>
      %dma_start3A_89 = tpu.memref_slice %arg16[%mul3A_5] : memref<10112xf32, #tpu.memory_space<vmem_shared>> -> memref<632xf32, #tpu.memory_space<vmem_shared>>
      %dma_start3A_90 = arith.constant 0 : i32
      %dma_start3A_91 = tpu.memref_slice %arg17[%dma_start3A_90] : memref<640xf32, #tpu.memory_space<vmem>> -> memref<632xf32, #tpu.memory_space<vmem>>
      tpu.enqueue_dma source(%dma_start3A_91 : memref<632xf32, #tpu.memory_space<vmem>>) target(%dma_start3A_89 : memref<632xf32, #tpu.memory_space<vmem_shared>>) target_semaphore(%run_scoped3A : memref<!tpu.dma_semaphore, #tpu.memory_space<semaphore_mem>>)
      %dma_wait3A = arith.constant 0 : i32
      %dma_wait3A_92 = tpu.memref_slice %arg17[%dma_wait3A] : memref<640xf32, #tpu.memory_space<vmem>> -> memref<632xf32, #tpu.memory_space<vmem>>
      %dma_wait3A_93 = tpu.memref_slice %arg16[%mul3A_5] : memref<10112xf32, #tpu.memory_space<vmem_shared>> -> memref<632xf32, #tpu.memory_space<vmem_shared>>
      %dma_wait3A_94 = tpu.memref_slice %arg16[%mul3A_5] : memref<10112xf32, #tpu.memory_space<vmem_shared>> -> memref<632xf32, #tpu.memory_space<vmem_shared>>
      %dma_wait3A_95 = arith.constant 0 : i32
      %dma_wait3A_96 = tpu.memref_slice %arg17[%dma_wait3A_95] : memref<640xf32, #tpu.memory_space<vmem>> -> memref<632xf32, #tpu.memory_space<vmem>>
      tpu.wait_dma2 semaphore(%run_scoped3A : memref<!tpu.dma_semaphore, #tpu.memory_space<semaphore_mem>>) src(%dma_wait3A_96 : memref<632xf32, #tpu.memory_space<vmem>>) dst(%dma_wait3A_94 : memref<632xf32, #tpu.memory_space<vmem_shared>>)
      tpu.yield
    }) : () -> ()
    %barrier3A = arith.constant 0 : index
    tpu.barrier barrier_id(%barrier3A)
    %mul3A_59 = arith.constant 10080 : i32
    %mul3A_60 = arith.muli %arg1, %mul3A_59 : i32
    %lt3A = arith.constant 8 : i32
    %lt3A_61 = arith.cmpi slt, %arg1, %lt3A : i32
    %eq3A = arith.constant 0 : i32
    %eq3A_62 = arith.cmpi eq, %arg0, %eq3A : i32
    %eq3A_63 = arith.xori %lt3A_61, %eq3A_62 : i1
    %eq3A_64 = arith.constant true
    %eq3A_65 = arith.xori %eq3A_63, %eq3A_64 : i1
    "tpu.region"() ({
      %run_scoped3A = tpu.sem_alloc : memref<!tpu.dma_semaphore, #tpu.memory_space<semaphore_mem>>
      %dma_start3A = tpu.memref_slice %arg4[%mul3A_60] : memref<161280xi32, #tpu.memory_space<hbm>> -> memref<10080xi32, #tpu.memory_space<hbm>>
      %dma_start3A_87 = tpu.memref_slice %arg4[%mul3A_60] : memref<161280xi32, #tpu.memory_space<hbm>> -> memref<10080xi32, #tpu.memory_space<hbm>>
      tpu.enqueue_dma source(%dma_start3A_87 : memref<10080xi32, #tpu.memory_space<hbm>>) target(%arg11 : memref<10080xi32, #tpu.memory_space<vmem>>) target_semaphore(%run_scoped3A : memref<!tpu.dma_semaphore, #tpu.memory_space<semaphore_mem>>)
      %dma_wait3A = tpu.memref_slice %arg4[%mul3A_60] : memref<161280xi32, #tpu.memory_space<hbm>> -> memref<10080xi32, #tpu.memory_space<hbm>>
      %dma_wait3A_88 = tpu.memref_slice %arg4[%mul3A_60] : memref<161280xi32, #tpu.memory_space<hbm>> -> memref<10080xi32, #tpu.memory_space<hbm>>
      tpu.wait_dma2 semaphore(%run_scoped3A : memref<!tpu.dma_semaphore, #tpu.memory_space<semaphore_mem>>) src(%dma_wait3A_88 : memref<10080xi32, #tpu.memory_space<hbm>>) dst(%arg11 : memref<10080xi32, #tpu.memory_space<vmem>>)
      tpu.yield
    }) : () -> ()
    %mul3A_66 = arith.constant 105 : i32
    %mul3A_67 = arith.muli %arg1, %mul3A_66 : i32
    "tpu.region"() ({
      %run_scoped3A = tpu.sem_alloc : memref<!tpu.dma_semaphore, #tpu.memory_space<semaphore_mem>>
      %dma_start3A = arith.constant 0 : i32
      %dma_start3A_87 = arith.constant 0 : i32
      %dma_start3A_88 = tpu.memref_slice %arg5[%mul3A_67, %dma_start3A, %dma_start3A_87] : memref<1680x1x96xi32, #tpu.memory_space<hbm>> -> memref<105x1x96xi32, #tpu.memory_space<hbm>>
      %dma_start3A_89 = arith.constant 0 : i32
      %dma_start3A_90 = arith.constant 0 : i32
      %dma_start3A_91 = tpu.memref_slice %arg5[%mul3A_67, %dma_start3A_89, %dma_start3A_90] : memref<1680x1x96xi32, #tpu.memory_space<hbm>> -> memref<105x1x96xi32, #tpu.memory_space<hbm>>
      tpu.enqueue_dma source(%dma_start3A_91 : memref<105x1x96xi32, #tpu.memory_space<hbm>>) target(%arg12 : memref<105x1x96xi32, #tpu.memory_space<vmem>>) target_semaphore(%run_scoped3A : memref<!tpu.dma_semaphore, #tpu.memory_space<semaphore_mem>>)
      %dma_wait3A = arith.constant 0 : i32
      %dma_wait3A_92 = arith.constant 0 : i32
      %dma_wait3A_93 = tpu.memref_slice %arg5[%mul3A_67, %dma_wait3A, %dma_wait3A_92] : memref<1680x1x96xi32, #tpu.memory_space<hbm>> -> memref<105x1x96xi32, #tpu.memory_space<hbm>>
      %dma_wait3A_94 = arith.constant 0 : i32
      %dma_wait3A_95 = arith.constant 0 : i32
      %dma_wait3A_96 = tpu.memref_slice %arg5[%mul3A_67, %dma_wait3A_94, %dma_wait3A_95] : memref<1680x1x96xi32, #tpu.memory_space<hbm>> -> memref<105x1x96xi32, #tpu.memory_space<hbm>>
      tpu.wait_dma2 semaphore(%run_scoped3A : memref<!tpu.dma_semaphore, #tpu.memory_space<semaphore_mem>>) src(%dma_wait3A_96 : memref<105x1x96xi32, #tpu.memory_space<hbm>>) dst(%arg12 : memref<105x1x96xi32, #tpu.memory_space<vmem>>)
      tpu.yield
    }) : () -> ()
    %eq3A_68 = arith.constant 0 : i32
    %eq3A_69 = arith.cmpi eq, %arg0, %eq3A_68 : i32
    %convert_element_type3A = arith.extui %eq3A_69 : i1 to i32
    %cond3A = arith.constant 0 : i32
    %cond3A_70 = arith.cmpi ne, %convert_element_type3A, %cond3A : i32
    scf.if %cond3A_70 {
      %dma_start3A = arith.constant 0 : i32
      %dma_start3A_87 = arith.constant 0 : i32
      %dma_start3A_88 = tpu.memref_slice %arg13[%dma_start3A, %dma_start3A_87] : memref<192x128xf32, #tpu.memory_space<vmem>> -> memref<96x128xf32, #tpu.memory_space<vmem>>
      %dma_start3A_89 = arith.constant 0 : i32
      %dma_start3A_90 = tpu.memref_slice %arg11[%dma_start3A_89] : memref<10080xi32, #tpu.memory_space<vmem>> -> memref<96xi32, #tpu.memory_space<vmem>>
      %dma_start3A_91 = arith.constant 0 : i32
      %dma_start3A_92 = arith.constant 0 : i32
      %dma_start3A_93 = tpu.memref_slice %arg2[%dma_start3A_91, %dma_start3A_92] : memref<10000x128xf32, #tpu.memory_space<hbm>> -> memref<10000x128xf32, #tpu.memory_space<hbm>>
      tpu.enqueue_indirect_dma source(%dma_start3A_93 : memref<10000x128xf32, #tpu.memory_space<hbm>>) target(%dma_start3A_88 : memref<96x128xf32, #tpu.memory_space<vmem>>) offsets(%dma_start3A_90 : memref<96xi32, #tpu.memory_space<vmem>>) semaphore(%arg14 : memref<!tpu.dma_semaphore, #tpu.memory_space<semaphore_mem>>)
      %scan3A_94 = arith.constant 0 : i32
      %scan3A_95 = arith.constant 0 : i32
      %scan3A_96 = arith.constant 105 : i32
      %scan3A_97 = arith.addi %scan3A_95, %scan3A_96 : i32
      %scan3A_98 = arith.constant 1 : i32
      scf.for %scan3A_100 = %scan3A_95 to %scan3A_97 step %scan3A_98  : i32 {
        %mul3A_101 = arith.constant 96 : i32
        %mul3A_102 = arith.muli %scan3A_100, %mul3A_101 : i32
        %jit3A = arith.constant 2 : i32
        %eq3A_103 = arith.constant 0 : i32
        %eq3A_104 = arith.cmpi eq, %jit3A, %eq3A_103 : i32
        %jit3A_105 = arith.constant 1 : i32
        %select_n3A = arith.select %eq3A_104, %jit3A_105, %jit3A : i32
        %rem3A = arith.remsi %scan3A_100, %select_n3A : i32
        %ne3A = arith.constant 0 : i32
        %ne3A_106 = arith.cmpi ne, %rem3A, %ne3A : i32
        %lt3A_107 = arith.constant 0 : i32
        %lt3A_108 = arith.cmpi slt, %rem3A, %lt3A_107 : i32
        %lt3A_109 = arith.constant 0 : i32
        %lt3A_110 = arith.cmpi slt, %select_n3A, %lt3A_109 : i32
        %ne3A_111 = arith.xori %lt3A_108, %lt3A_110 : i1
        %and3A = arith.andi %ne3A_111, %ne3A_106 : i1
        %add3A_112 = arith.addi %rem3A, %select_n3A : i32
        %select_n3A_113 = arith.select %and3A, %add3A_112, %rem3A : i32
        %mul3A_114 = arith.constant 96 : i32
        %mul3A_115 = arith.muli %select_n3A_113, %mul3A_114 : i32
        %dma_wait3A = arith.constant 0 : i32
        %dma_wait3A_116 = tpu.memref_slice %arg13[%mul3A_115, %dma_wait3A] : memref<192x128xf32, #tpu.memory_space<vmem>> -> memref<96x128xf32, #tpu.memory_space<vmem>>
        %dma_wait3A_117 = tpu.memref_slice %arg11[%mul3A_102] : memref<10080xi32, #tpu.memory_space<vmem>> -> memref<96xi32, #tpu.memory_space<vmem>>
        %dma_wait3A_118 = arith.constant 0 : i32
        %dma_wait3A_119 = arith.constant 0 : i32
        %dma_wait3A_120 = tpu.memref_slice %arg2[%dma_wait3A_118, %dma_wait3A_119] : memref<10000x128xf32, #tpu.memory_space<hbm>> -> memref<10000x128xf32, #tpu.memory_space<hbm>>
        tpu.wait_indirect_dma semaphore(%arg14 : memref<!tpu.dma_semaphore, #tpu.memory_space<semaphore_mem>>) src(%dma_wait3A_120 : memref<10000x128xf32, #tpu.memory_space<hbm>>) dst(%dma_wait3A_116 : memref<96x128xf32, #tpu.memory_space<vmem>>)
        %add3A_121 = arith.constant 1 : i32
        %add3A_122 = arith.addi %scan3A_100, %add3A_121 : i32
        %lt3A_123 = arith.constant 105 : i32
        %lt3A_124 = arith.cmpi slt, %add3A_122, %lt3A_123 : i32
        %convert_element_type3A_125 = arith.extui %lt3A_124 : i1 to i32
        %cond3A_126 = arith.constant 0 : i32
        %cond3A_127 = arith.cmpi ne, %convert_element_type3A_125, %cond3A_126 : i32
        scf.if %cond3A_127 {
          %add3A_149 = arith.constant 1 : i32
          %add3A_150 = arith.addi %scan3A_100, %add3A_149 : i32
          %min3A = arith.constant 104 : i32
          %min3A_151 = arith.minsi %add3A_150, %min3A : i32
          %mul3A_152 = arith.constant 96 : i32
          %mul3A_153 = arith.muli %min3A_151, %mul3A_152 : i32
          %jit3A_154 = arith.constant 2 : i32
          %eq3A_155 = arith.constant 0 : i32
          %eq3A_156 = arith.cmpi eq, %jit3A_154, %eq3A_155 : i32
          %jit3A_157 = arith.constant 1 : i32
          %select_n3A_158 = arith.select %eq3A_156, %jit3A_157, %jit3A_154 : i32
          %rem3A_159 = arith.remsi %min3A_151, %select_n3A_158 : i32
          %ne3A_160 = arith.constant 0 : i32
          %ne3A_161 = arith.cmpi ne, %rem3A_159, %ne3A_160 : i32
          %lt3A_162 = arith.constant 0 : i32
          %lt3A_163 = arith.cmpi slt, %rem3A_159, %lt3A_162 : i32
          %lt3A_164 = arith.constant 0 : i32
          %lt3A_165 = arith.cmpi slt, %select_n3A_158, %lt3A_164 : i32
          %ne3A_166 = arith.xori %lt3A_163, %lt3A_165 : i1
          %and3A_167 = arith.andi %ne3A_166, %ne3A_161 : i1
          %add3A_168 = arith.addi %rem3A_159, %select_n3A_158 : i32
          %select_n3A_169 = arith.select %and3A_167, %add3A_168, %rem3A_159 : i32
          %mul3A_170 = arith.constant 96 : i32
          %mul3A_171 = arith.muli %select_n3A_169, %mul3A_170 : i32
          %dma_start3A_172 = arith.constant 0 : i32
          %dma_start3A_173 = tpu.memref_slice %arg13[%mul3A_171, %dma_start3A_172] : memref<192x128xf32, #tpu.memory_space<vmem>> -> memref<96x128xf32, #tpu.memory_space<vmem>>
          %dma_start3A_174 = tpu.memref_slice %arg11[%mul3A_153] : memref<10080xi32, #tpu.memory_space<vmem>> -> memref<96xi32, #tpu.memory_space<vmem>>
          %dma_start3A_175 = arith.constant 0 : i32
          %dma_start3A_176 = arith.constant 0 : i32
          %dma_start3A_177 = tpu.memref_slice %arg2[%dma_start3A_175, %dma_start3A_176] : memref<10000x128xf32, #tpu.memory_space<hbm>> -> memref<10000x128xf32, #tpu.memory_space<hbm>>
          tpu.enqueue_indirect_dma source(%dma_start3A_177 : memref<10000x128xf32, #tpu.memory_space<hbm>>) target(%dma_start3A_173 : memref<96x128xf32, #tpu.memory_space<vmem>>) offsets(%dma_start3A_174 : memref<96xi32, #tpu.memory_space<vmem>>) semaphore(%arg14 : memref<!tpu.dma_semaphore, #tpu.memory_space<semaphore_mem>>)
        } else {
        }
        %jit3A_128 = arith.constant 2 : i32
        %eq3A_129 = arith.constant 0 : i32
        %eq3A_130 = arith.cmpi eq, %jit3A_128, %eq3A_129 : i32
        %jit3A_131 = arith.constant 1 : i32
        %select_n3A_132 = arith.select %eq3A_130, %jit3A_131, %jit3A_128 : i32
        %rem3A_133 = arith.remsi %scan3A_100, %select_n3A_132 : i32
        %ne3A_134 = arith.constant 0 : i32
        %ne3A_135 = arith.cmpi ne, %rem3A_133, %ne3A_134 : i32
        %lt3A_136 = arith.constant 0 : i32
        %lt3A_137 = arith.cmpi slt, %rem3A_133, %lt3A_136 : i32
        %lt3A_138 = arith.constant 0 : i32
        %lt3A_139 = arith.cmpi slt, %select_n3A_132, %lt3A_138 : i32
        %ne3A_140 = arith.xori %lt3A_137, %lt3A_139 : i1
        %and3A_141 = arith.andi %ne3A_140, %ne3A_135 : i1
        %add3A_142 = arith.addi %rem3A_133, %select_n3A_132 : i32
        %select_n3A_143 = arith.select %and3A_141, %add3A_142, %rem3A_133 : i32
        %mul3A_144 = arith.constant 96 : i32
        %mul3A_145 = arith.muli %select_n3A_143, %mul3A_144 : i32
        %run_scoped3A = arith.constant 0 : i32
        "tpu.region"() ({
          %run_scoped3A_149 = tpu.sem_alloc : memref<!tpu.dma_semaphore, #tpu.memory_space<semaphore_mem>>
          %dma_start3A_150 = arith.constant 0 : i32
          %dma_start3A_151 = tpu.memref_slice %arg13[%mul3A_145, %dma_start3A_150] : memref<192x128xf32, #tpu.memory_space<vmem>> -> memref<96x128xf32, #tpu.memory_space<vmem>>
          %dma_start3A_152 = arith.constant 0 : i32
          %dma_start3A_153 = tpu.memref_slice %arg12[%scan3A_100, %run_scoped3A, %dma_start3A_152] : memref<105x1x96xi32, #tpu.memory_space<vmem>> -> memref<1x1x96xi32, #tpu.memory_space<vmem>>
          %dma_start3A_154 = tpu.memref_squeeze %dma_start3A_153 : memref<1x1x96xi32, #tpu.memory_space<vmem>> -> memref<96xi32, #tpu.memory_space<vmem>>
          %dma_start3A_155 = arith.constant 0 : i32
          %dma_start3A_156 = arith.constant 0 : i32
          %dma_start3A_157 = tpu.memref_slice %arg10[%dma_start3A_155, %dma_start3A_156] : memref<10112x128xf32, #tpu.memory_space<vmem_shared>> -> memref<10112x128xf32, #tpu.memory_space<vmem_shared>>
          tpu.enqueue_indirect_dma source(%dma_start3A_151 : memref<96x128xf32, #tpu.memory_space<vmem>>) target(%dma_start3A_157 : memref<10112x128xf32, #tpu.memory_space<vmem_shared>>) offsets(%dma_start3A_154 : memref<96xi32, #tpu.memory_space<vmem>>) semaphore(%run_scoped3A_149 : memref<!tpu.dma_semaphore, #tpu.memory_space<semaphore_mem>>) {add = true}
          %dma_wait3A_158 = arith.constant 0 : i32
          %dma_wait3A_159 = tpu.memref_slice %arg13[%mul3A_145, %dma_wait3A_158] : memref<192x128xf32, #tpu.memory_space<vmem>> -> memref<96x128xf32, #tpu.memory_space<vmem>>
          %dma_wait3A_160 = arith.constant 0 : i32
          %dma_wait3A_161 = tpu.memref_slice %arg12[%scan3A_100, %run_scoped3A, %dma_wait3A_160] : memref<105x1x96xi32, #tpu.memory_space<vmem>> -> memref<1x1x96xi32, #tpu.memory_space<vmem>>
          %dma_wait3A_162 = tpu.memref_squeeze %dma_wait3A_161 : memref<1x1x96xi32, #tpu.memory_space<vmem>> -> memref<96xi32, #tpu.memory_space<vmem>>
          %dma_wait3A_163 = arith.constant 0 : i32
          %dma_wait3A_164 = arith.constant 0 : i32
          %dma_wait3A_165 = tpu.memref_slice %arg10[%dma_wait3A_163, %dma_wait3A_164] : memref<10112x128xf32, #tpu.memory_space<vmem_shared>> -> memref<10112x128xf32, #tpu.memory_space<vmem_shared>>
          tpu.wait_indirect_dma semaphore(%run_scoped3A_149 : memref<!tpu.dma_semaphore, #tpu.memory_space<semaphore_mem>>) src(%dma_wait3A_159 : memref<96x128xf32, #tpu.memory_space<vmem>>) dst(%dma_wait3A_165 : memref<10112x128xf32, #tpu.memory_space<vmem_shared>>)
          tpu.yield
        }) : () -> ()
        %convert_element_type3A_146 = arith.extui %eq3A_65 : i1 to i32
        %cond3A_147 = arith.constant 0 : i32
        %cond3A_148 = arith.cmpi ne, %convert_element_type3A_146, %cond3A_147 : i32
        scf.if %cond3A_148 {
          %run_scoped3A_149 = arith.constant 0 : i32
          "tpu.region"() ({
            %run_scoped3A_150 = tpu.sem_alloc : memref<!tpu.dma_semaphore, #tpu.memory_space<semaphore_mem>>
            %dma_start3A_151 = arith.constant 0 : i32
            %dma_start3A_152 = tpu.memref_slice %arg12[%scan3A_100, %run_scoped3A_149, %dma_start3A_151] : memref<105x1x96xi32, #tpu.memory_space<vmem>> -> memref<1x1x96xi32, #tpu.memory_space<vmem>>
            %dma_start3A_153 = tpu.memref_squeeze %dma_start3A_152 : memref<1x1x96xi32, #tpu.memory_space<vmem>> -> memref<96xi32, #tpu.memory_space<vmem>>
            %dma_start3A_154 = arith.constant 0 : i32
            %dma_start3A_155 = tpu.memref_slice %arg16[%dma_start3A_154] : memref<10112xf32, #tpu.memory_space<vmem_shared>> -> memref<10112xf32, #tpu.memory_space<vmem_shared>>
            tpu.enqueue_indirect_dma source(%arg18 : memref<96xf32, #tpu.memory_space<vmem>>) target(%dma_start3A_155 : memref<10112xf32, #tpu.memory_space<vmem_shared>>) offsets(%dma_start3A_153 : memref<96xi32, #tpu.memory_space<vmem>>) semaphore(%run_scoped3A_150 : memref<!tpu.dma_semaphore, #tpu.memory_space<semaphore_mem>>) {add = true}
            %dma_wait3A_156 = arith.constant 0 : i32
            %dma_wait3A_157 = tpu.memref_slice %arg12[%scan3A_100, %run_scoped3A_149, %dma_wait3A_156] : memref<105x1x96xi32, #tpu.memory_space<vmem>> -> memref<1x1x96xi32, #tpu.memory_space<vmem>>
            %dma_wait3A_158 = tpu.memref_squeeze %dma_wait3A_157 : memref<1x1x96xi32, #tpu.memory_space<vmem>> -> memref<96xi32, #tpu.memory_space<vmem>>
            %dma_wait3A_159 = arith.constant 0 : i32
            %dma_wait3A_160 = tpu.memref_slice %arg16[%dma_wait3A_159] : memref<10112xf32, #tpu.memory_space<vmem_shared>> -> memref<10112xf32, #tpu.memory_space<vmem_shared>>
            tpu.wait_indirect_dma semaphore(%run_scoped3A_150 : memref<!tpu.dma_semaphore, #tpu.memory_space<semaphore_mem>>) src(%arg18 : memref<96xf32, #tpu.memory_space<vmem>>) dst(%dma_wait3A_160 : memref<10112xf32, #tpu.memory_space<vmem_shared>>)
            tpu.yield
          }) : () -> ()
        } else {
        }
      }
      %scan3A_99 = arith.constant 105 : i32
    } else {
    }
    %eq3A_71 = arith.constant 1 : i32
    %eq3A_72 = arith.cmpi eq, %arg0, %eq3A_71 : i32
    %convert_element_type3A_73 = arith.extui %eq3A_72 : i1 to i32
    %cond3A_74 = arith.constant 0 : i32
    %cond3A_75 = arith.cmpi ne, %convert_element_type3A_73, %cond3A_74 : i32
    scf.if %cond3A_75 {
      %dma_start3A = arith.constant 0 : i32
      %dma_start3A_87 = arith.constant 0 : i32
      %dma_start3A_88 = tpu.memref_slice %arg13[%dma_start3A, %dma_start3A_87] : memref<192x128xf32, #tpu.memory_space<vmem>> -> memref<96x128xf32, #tpu.memory_space<vmem>>
      %dma_start3A_89 = arith.constant 0 : i32
      %dma_start3A_90 = tpu.memref_slice %arg11[%dma_start3A_89] : memref<10080xi32, #tpu.memory_space<vmem>> -> memref<96xi32, #tpu.memory_space<vmem>>
      %dma_start3A_91 = arith.constant 0 : i32
      %dma_start3A_92 = arith.constant 0 : i32
      %dma_start3A_93 = tpu.memref_slice %arg3[%dma_start3A_91, %dma_start3A_92] : memref<10000x128xf32, #tpu.memory_space<hbm>> -> memref<10000x128xf32, #tpu.memory_space<hbm>>
      tpu.enqueue_indirect_dma source(%dma_start3A_93 : memref<10000x128xf32, #tpu.memory_space<hbm>>) target(%dma_start3A_88 : memref<96x128xf32, #tpu.memory_space<vmem>>) offsets(%dma_start3A_90 : memref<96xi32, #tpu.memory_space<vmem>>) semaphore(%arg14 : memref<!tpu.dma_semaphore, #tpu.memory_space<semaphore_mem>>)
      %scan3A_94 = arith.constant 0 : i32
      %scan3A_95 = arith.constant 0 : i32
      %scan3A_96 = arith.constant 105 : i32
      %scan3A_97 = arith.addi %scan3A_95, %scan3A_96 : i32
      %scan3A_98 = arith.constant 1 : i32
      scf.for %scan3A_100 = %scan3A_95 to %scan3A_97 step %scan3A_98  : i32 {
        %mul3A_101 = arith.constant 96 : i32
        %mul3A_102 = arith.muli %scan3A_100, %mul3A_101 : i32
        %jit3A = arith.constant 2 : i32
        %eq3A_103 = arith.constant 0 : i32
        %eq3A_104 = arith.cmpi eq, %jit3A, %eq3A_103 : i32
        %jit3A_105 = arith.constant 1 : i32
        %select_n3A = arith.select %eq3A_104, %jit3A_105, %jit3A : i32
        %rem3A = arith.remsi %scan3A_100, %select_n3A : i32
        %ne3A = arith.constant 0 : i32
        %ne3A_106 = arith.cmpi ne, %rem3A, %ne3A : i32
        %lt3A_107 = arith.constant 0 : i32
        %lt3A_108 = arith.cmpi slt, %rem3A, %lt3A_107 : i32
        %lt3A_109 = arith.constant 0 : i32
        %lt3A_110 = arith.cmpi slt, %select_n3A, %lt3A_109 : i32
        %ne3A_111 = arith.xori %lt3A_108, %lt3A_110 : i1
        %and3A = arith.andi %ne3A_111, %ne3A_106 : i1
        %add3A_112 = arith.addi %rem3A, %select_n3A : i32
        %select_n3A_113 = arith.select %and3A, %add3A_112, %rem3A : i32
        %mul3A_114 = arith.constant 96 : i32
        %mul3A_115 = arith.muli %select_n3A_113, %mul3A_114 : i32
        %dma_wait3A = arith.constant 0 : i32
        %dma_wait3A_116 = tpu.memref_slice %arg13[%mul3A_115, %dma_wait3A] : memref<192x128xf32, #tpu.memory_space<vmem>> -> memref<96x128xf32, #tpu.memory_space<vmem>>
        %dma_wait3A_117 = tpu.memref_slice %arg11[%mul3A_102] : memref<10080xi32, #tpu.memory_space<vmem>> -> memref<96xi32, #tpu.memory_space<vmem>>
        %dma_wait3A_118 = arith.constant 0 : i32
        %dma_wait3A_119 = arith.constant 0 : i32
        %dma_wait3A_120 = tpu.memref_slice %arg3[%dma_wait3A_118, %dma_wait3A_119] : memref<10000x128xf32, #tpu.memory_space<hbm>> -> memref<10000x128xf32, #tpu.memory_space<hbm>>
        tpu.wait_indirect_dma semaphore(%arg14 : memref<!tpu.dma_semaphore, #tpu.memory_space<semaphore_mem>>) src(%dma_wait3A_120 : memref<10000x128xf32, #tpu.memory_space<hbm>>) dst(%dma_wait3A_116 : memref<96x128xf32, #tpu.memory_space<vmem>>)
        %add3A_121 = arith.constant 1 : i32
        %add3A_122 = arith.addi %scan3A_100, %add3A_121 : i32
        %lt3A_123 = arith.constant 105 : i32
        %lt3A_124 = arith.cmpi slt, %add3A_122, %lt3A_123 : i32
        %convert_element_type3A_125 = arith.extui %lt3A_124 : i1 to i32
        %cond3A_126 = arith.constant 0 : i32
        %cond3A_127 = arith.cmpi ne, %convert_element_type3A_125, %cond3A_126 : i32
        scf.if %cond3A_127 {
          %add3A_149 = arith.constant 1 : i32
          %add3A_150 = arith.addi %scan3A_100, %add3A_149 : i32
          %min3A = arith.constant 104 : i32
          %min3A_151 = arith.minsi %add3A_150, %min3A : i32
          %mul3A_152 = arith.constant 96 : i32
          %mul3A_153 = arith.muli %min3A_151, %mul3A_152 : i32
          %jit3A_154 = arith.constant 2 : i32
          %eq3A_155 = arith.constant 0 : i32
          %eq3A_156 = arith.cmpi eq, %jit3A_154, %eq3A_155 : i32
          %jit3A_157 = arith.constant 1 : i32
          %select_n3A_158 = arith.select %eq3A_156, %jit3A_157, %jit3A_154 : i32
          %rem3A_159 = arith.remsi %min3A_151, %select_n3A_158 : i32
          %ne3A_160 = arith.constant 0 : i32
          %ne3A_161 = arith.cmpi ne, %rem3A_159, %ne3A_160 : i32
          %lt3A_162 = arith.constant 0 : i32
          %lt3A_163 = arith.cmpi slt, %rem3A_159, %lt3A_162 : i32
          %lt3A_164 = arith.constant 0 : i32
          %lt3A_165 = arith.cmpi slt, %select_n3A_158, %lt3A_164 : i32
          %ne3A_166 = arith.xori %lt3A_163, %lt3A_165 : i1
          %and3A_167 = arith.andi %ne3A_166, %ne3A_161 : i1
          %add3A_168 = arith.addi %rem3A_159, %select_n3A_158 : i32
          %select_n3A_169 = arith.select %and3A_167, %add3A_168, %rem3A_159 : i32
          %mul3A_170 = arith.constant 96 : i32
          %mul3A_171 = arith.muli %select_n3A_169, %mul3A_170 : i32
          %dma_start3A_172 = arith.constant 0 : i32
          %dma_start3A_173 = tpu.memref_slice %arg13[%mul3A_171, %dma_start3A_172] : memref<192x128xf32, #tpu.memory_space<vmem>> -> memref<96x128xf32, #tpu.memory_space<vmem>>
          %dma_start3A_174 = tpu.memref_slice %arg11[%mul3A_153] : memref<10080xi32, #tpu.memory_space<vmem>> -> memref<96xi32, #tpu.memory_space<vmem>>
          %dma_start3A_175 = arith.constant 0 : i32
          %dma_start3A_176 = arith.constant 0 : i32
          %dma_start3A_177 = tpu.memref_slice %arg3[%dma_start3A_175, %dma_start3A_176] : memref<10000x128xf32, #tpu.memory_space<hbm>> -> memref<10000x128xf32, #tpu.memory_space<hbm>>
          tpu.enqueue_indirect_dma source(%dma_start3A_177 : memref<10000x128xf32, #tpu.memory_space<hbm>>) target(%dma_start3A_173 : memref<96x128xf32, #tpu.memory_space<vmem>>) offsets(%dma_start3A_174 : memref<96xi32, #tpu.memory_space<vmem>>) semaphore(%arg14 : memref<!tpu.dma_semaphore, #tpu.memory_space<semaphore_mem>>)
        } else {
        }
        %jit3A_128 = arith.constant 2 : i32
        %eq3A_129 = arith.constant 0 : i32
        %eq3A_130 = arith.cmpi eq, %jit3A_128, %eq3A_129 : i32
        %jit3A_131 = arith.constant 1 : i32
        %select_n3A_132 = arith.select %eq3A_130, %jit3A_131, %jit3A_128 : i32
        %rem3A_133 = arith.remsi %scan3A_100, %select_n3A_132 : i32
        %ne3A_134 = arith.constant 0 : i32
        %ne3A_135 = arith.cmpi ne, %rem3A_133, %ne3A_134 : i32
        %lt3A_136 = arith.constant 0 : i32
        %lt3A_137 = arith.cmpi slt, %rem3A_133, %lt3A_136 : i32
        %lt3A_138 = arith.constant 0 : i32
        %lt3A_139 = arith.cmpi slt, %select_n3A_132, %lt3A_138 : i32
        %ne3A_140 = arith.xori %lt3A_137, %lt3A_139 : i1
        %and3A_141 = arith.andi %ne3A_140, %ne3A_135 : i1
        %add3A_142 = arith.addi %rem3A_133, %select_n3A_132 : i32
        %select_n3A_143 = arith.select %and3A_141, %add3A_142, %rem3A_133 : i32
        %mul3A_144 = arith.constant 96 : i32
        %mul3A_145 = arith.muli %select_n3A_143, %mul3A_144 : i32
        %run_scoped3A = arith.constant 0 : i32
        "tpu.region"() ({
          %run_scoped3A_149 = tpu.sem_alloc : memref<!tpu.dma_semaphore, #tpu.memory_space<semaphore_mem>>
          %dma_start3A_150 = arith.constant 0 : i32
          %dma_start3A_151 = tpu.memref_slice %arg13[%mul3A_145, %dma_start3A_150] : memref<192x128xf32, #tpu.memory_space<vmem>> -> memref<96x128xf32, #tpu.memory_space<vmem>>
          %dma_start3A_152 = arith.constant 0 : i32
          %dma_start3A_153 = tpu.memref_slice %arg12[%scan3A_100, %run_scoped3A, %dma_start3A_152] : memref<105x1x96xi32, #tpu.memory_space<vmem>> -> memref<1x1x96xi32, #tpu.memory_space<vmem>>
          %dma_start3A_154 = tpu.memref_squeeze %dma_start3A_153 : memref<1x1x96xi32, #tpu.memory_space<vmem>> -> memref<96xi32, #tpu.memory_space<vmem>>
          %dma_start3A_155 = arith.constant 0 : i32
          %dma_start3A_156 = arith.constant 0 : i32
          %dma_start3A_157 = tpu.memref_slice %arg10[%dma_start3A_155, %dma_start3A_156] : memref<10112x128xf32, #tpu.memory_space<vmem_shared>> -> memref<10112x128xf32, #tpu.memory_space<vmem_shared>>
          tpu.enqueue_indirect_dma source(%dma_start3A_151 : memref<96x128xf32, #tpu.memory_space<vmem>>) target(%dma_start3A_157 : memref<10112x128xf32, #tpu.memory_space<vmem_shared>>) offsets(%dma_start3A_154 : memref<96xi32, #tpu.memory_space<vmem>>) semaphore(%run_scoped3A_149 : memref<!tpu.dma_semaphore, #tpu.memory_space<semaphore_mem>>) {add = true}
          %dma_wait3A_158 = arith.constant 0 : i32
          %dma_wait3A_159 = tpu.memref_slice %arg13[%mul3A_145, %dma_wait3A_158] : memref<192x128xf32, #tpu.memory_space<vmem>> -> memref<96x128xf32, #tpu.memory_space<vmem>>
          %dma_wait3A_160 = arith.constant 0 : i32
          %dma_wait3A_161 = tpu.memref_slice %arg12[%scan3A_100, %run_scoped3A, %dma_wait3A_160] : memref<105x1x96xi32, #tpu.memory_space<vmem>> -> memref<1x1x96xi32, #tpu.memory_space<vmem>>
          %dma_wait3A_162 = tpu.memref_squeeze %dma_wait3A_161 : memref<1x1x96xi32, #tpu.memory_space<vmem>> -> memref<96xi32, #tpu.memory_space<vmem>>
          %dma_wait3A_163 = arith.constant 0 : i32
          %dma_wait3A_164 = arith.constant 0 : i32
          %dma_wait3A_165 = tpu.memref_slice %arg10[%dma_wait3A_163, %dma_wait3A_164] : memref<10112x128xf32, #tpu.memory_space<vmem_shared>> -> memref<10112x128xf32, #tpu.memory_space<vmem_shared>>
          tpu.wait_indirect_dma semaphore(%run_scoped3A_149 : memref<!tpu.dma_semaphore, #tpu.memory_space<semaphore_mem>>) src(%dma_wait3A_159 : memref<96x128xf32, #tpu.memory_space<vmem>>) dst(%dma_wait3A_165 : memref<10112x128xf32, #tpu.memory_space<vmem_shared>>)
          tpu.yield
        }) : () -> ()
        %convert_element_type3A_146 = arith.extui %eq3A_65 : i1 to i32
        %cond3A_147 = arith.constant 0 : i32
        %cond3A_148 = arith.cmpi ne, %convert_element_type3A_146, %cond3A_147 : i32
        scf.if %cond3A_148 {
          %run_scoped3A_149 = arith.constant 0 : i32
          "tpu.region"() ({
            %run_scoped3A_150 = tpu.sem_alloc : memref<!tpu.dma_semaphore, #tpu.memory_space<semaphore_mem>>
            %dma_start3A_151 = arith.constant 0 : i32
            %dma_start3A_152 = tpu.memref_slice %arg12[%scan3A_100, %run_scoped3A_149, %dma_start3A_151] : memref<105x1x96xi32, #tpu.memory_space<vmem>> -> memref<1x1x96xi32, #tpu.memory_space<vmem>>
            %dma_start3A_153 = tpu.memref_squeeze %dma_start3A_152 : memref<1x1x96xi32, #tpu.memory_space<vmem>> -> memref<96xi32, #tpu.memory_space<vmem>>
            %dma_start3A_154 = arith.constant 0 : i32
            %dma_start3A_155 = tpu.memref_slice %arg16[%dma_start3A_154] : memref<10112xf32, #tpu.memory_space<vmem_shared>> -> memref<10112xf32, #tpu.memory_space<vmem_shared>>
            tpu.enqueue_indirect_dma source(%arg18 : memref<96xf32, #tpu.memory_space<vmem>>) target(%dma_start3A_155 : memref<10112xf32, #tpu.memory_space<vmem_shared>>) offsets(%dma_start3A_153 : memref<96xi32, #tpu.memory_space<vmem>>) semaphore(%run_scoped3A_150 : memref<!tpu.dma_semaphore, #tpu.memory_space<semaphore_mem>>) {add = true}
            %dma_wait3A_156 = arith.constant 0 : i32
            %dma_wait3A_157 = tpu.memref_slice %arg12[%scan3A_100, %run_scoped3A_149, %dma_wait3A_156] : memref<105x1x96xi32, #tpu.memory_space<vmem>> -> memref<1x1x96xi32, #tpu.memory_space<vmem>>
            %dma_wait3A_158 = tpu.memref_squeeze %dma_wait3A_157 : memref<1x1x96xi32, #tpu.memory_space<vmem>> -> memref<96xi32, #tpu.memory_space<vmem>>
            %dma_wait3A_159 = arith.constant 0 : i32
            %dma_wait3A_160 = tpu.memref_slice %arg16[%dma_wait3A_159] : memref<10112xf32, #tpu.memory_space<vmem_shared>> -> memref<10112xf32, #tpu.memory_space<vmem_shared>>
            tpu.wait_indirect_dma semaphore(%run_scoped3A_150 : memref<!tpu.dma_semaphore, #tpu.memory_space<semaphore_mem>>) src(%arg18 : memref<96xf32, #tpu.memory_space<vmem>>) dst(%dma_wait3A_160 : memref<10112xf32, #tpu.memory_space<vmem_shared>>)
            tpu.yield
          }) : () -> ()
        } else {
        }
      }
      %scan3A_99 = arith.constant 105 : i32
    } else {
    }
    %barrier3A_76 = arith.constant 0 : index
    tpu.barrier barrier_id(%barrier3A_76)
    %eq3A_77 = arith.constant 0 : i32
    %eq3A_78 = arith.cmpi eq, %arg0, %eq3A_77 : i32
    %convert_element_type3A_79 = arith.extui %eq3A_78 : i1 to i32
    %cond3A_80 = arith.constant 0 : i32
    %cond3A_81 = arith.cmpi ne, %convert_element_type3A_79, %cond3A_80 : i32
    scf.if %cond3A_81 {
      %lt3A_87 = arith.constant 15 : i32
      %lt3A_88 = arith.cmpi slt, %arg1, %lt3A_87 : i32
      %convert_element_type3A_89 = arith.extui %lt3A_88 : i1 to i32
      %cond3A_90 = arith.constant 0 : i32
      %cond3A_91 = arith.cmpi ne, %convert_element_type3A_89, %cond3A_90 : i32
      scf.if %cond3A_91 {
        "tpu.region"() ({
          %run_scoped3A = tpu.sem_alloc : memref<!tpu.dma_semaphore, #tpu.memory_space<semaphore_mem>>
          %dma_start3A = arith.constant 0 : i32
          %dma_start3A_97 = tpu.memref_slice %arg6[%mul3A_5, %dma_start3A] : memref<10000x128xf32, #tpu.memory_space<hbm>> -> memref<632x128xf32, #tpu.memory_space<hbm>>
          %dma_start3A_98 = arith.constant 0 : i32
          %dma_start3A_99 = tpu.memref_slice %arg10[%mul3A_5, %dma_start3A_98] : memref<10112x128xf32, #tpu.memory_space<vmem_shared>> -> memref<632x128xf32, #tpu.memory_space<vmem_shared>>
          tpu.enqueue_dma source(%dma_start3A_99 : memref<632x128xf32, #tpu.memory_space<vmem_shared>>) target(%dma_start3A_97 : memref<632x128xf32, #tpu.memory_space<hbm>>) target_semaphore(%run_scoped3A : memref<!tpu.dma_semaphore, #tpu.memory_space<semaphore_mem>>)
          %dma_wait3A = arith.constant 0 : i32
          %dma_wait3A_100 = tpu.memref_slice %arg6[%mul3A_5, %dma_wait3A] : memref<10000x128xf32, #tpu.memory_space<hbm>> -> memref<632x128xf32, #tpu.memory_space<hbm>>
          %dma_wait3A_101 = arith.constant 0 : i32
          %dma_wait3A_102 = tpu.memref_slice %arg10[%mul3A_5, %dma_wait3A_101] : memref<10112x128xf32, #tpu.memory_space<vmem_shared>> -> memref<632x128xf32, #tpu.memory_space<vmem_shared>>
          tpu.wait_dma2 semaphore(%run_scoped3A : memref<!tpu.dma_semaphore, #tpu.memory_space<semaphore_mem>>) src(%dma_wait3A_102 : memref<632x128xf32, #tpu.memory_space<vmem_shared>>) dst(%dma_wait3A_100 : memref<632x128xf32, #tpu.memory_space<hbm>>)
          tpu.yield
        }) : () -> ()
        "tpu.region"() ({
          %run_scoped3A = tpu.sem_alloc : memref<!tpu.dma_semaphore, #tpu.memory_space<semaphore_mem>>
          %dma_start3A = arith.constant 0 : i32
          %dma_start3A_97 = tpu.memref_slice %arg17[%dma_start3A] : memref<640xf32, #tpu.memory_space<vmem>> -> memref<632xf32, #tpu.memory_space<vmem>>
          %dma_start3A_98 = tpu.memref_slice %arg16[%mul3A_5] : memref<10112xf32, #tpu.memory_space<vmem_shared>> -> memref<632xf32, #tpu.memory_space<vmem_shared>>
          %dma_start3A_99 = arith.constant 0 : i32
          %dma_start3A_100 = tpu.memref_slice %arg17[%dma_start3A_99] : memref<640xf32, #tpu.memory_space<vmem>> -> memref<632xf32, #tpu.memory_space<vmem>>
          %dma_start3A_101 = tpu.memref_slice %arg16[%mul3A_5] : memref<10112xf32, #tpu.memory_space<vmem_shared>> -> memref<632xf32, #tpu.memory_space<vmem_shared>>
          tpu.enqueue_dma source(%dma_start3A_101 : memref<632xf32, #tpu.memory_space<vmem_shared>>) target(%dma_start3A_100 : memref<632xf32, #tpu.memory_space<vmem>>) target_semaphore(%run_scoped3A : memref<!tpu.dma_semaphore, #tpu.memory_space<semaphore_mem>>)
          %dma_wait3A = arith.constant 0 : i32
          %dma_wait3A_102 = tpu.memref_slice %arg17[%dma_wait3A] : memref<640xf32, #tpu.memory_space<vmem>> -> memref<632xf32, #tpu.memory_space<vmem>>
          %dma_wait3A_103 = tpu.memref_slice %arg16[%mul3A_5] : memref<10112xf32, #tpu.memory_space<vmem_shared>> -> memref<632xf32, #tpu.memory_space<vmem_shared>>
          %dma_wait3A_104 = arith.constant 0 : i32
          %dma_wait3A_105 = tpu.memref_slice %arg17[%dma_wait3A_104] : memref<640xf32, #tpu.memory_space<vmem>> -> memref<632xf32, #tpu.memory_space<vmem>>
          %dma_wait3A_106 = tpu.memref_slice %arg16[%mul3A_5] : memref<10112xf32, #tpu.memory_space<vmem_shared>> -> memref<632xf32, #tpu.memory_space<vmem_shared>>
          tpu.wait_dma2 semaphore(%run_scoped3A : memref<!tpu.dma_semaphore, #tpu.memory_space<semaphore_mem>>) src(%dma_wait3A_106 : memref<632xf32, #tpu.memory_space<vmem_shared>>) dst(%dma_wait3A_105 : memref<632xf32, #tpu.memory_space<vmem>>)
          tpu.yield
        }) : () -> ()
        "tpu.region"() ({
          %run_scoped3A = tpu.sem_alloc : memref<!tpu.dma_semaphore, #tpu.memory_space<semaphore_mem>>
          %dma_start3A = arith.constant 0 : i32
          %dma_start3A_97 = tpu.memref_slice %arg17[%dma_start3A] : memref<640xf32, #tpu.memory_space<vmem>> -> memref<632xf32, #tpu.memory_space<vmem>>
          %dma_start3A_98 = tpu.memref_slice %arg8[%mul3A_5] : memref<10000xf32, #tpu.memory_space<hbm>> -> memref<632xf32, #tpu.memory_space<hbm>>
          %dma_start3A_99 = tpu.memref_slice %arg8[%mul3A_5] : memref<10000xf32, #tpu.memory_space<hbm>> -> memref<632xf32, #tpu.memory_space<hbm>>
          %dma_start3A_100 = arith.constant 0 : i32
          %dma_start3A_101 = tpu.memref_slice %arg17[%dma_start3A_100] : memref<640xf32, #tpu.memory_space<vmem>> -> memref<632xf32, #tpu.memory_space<vmem>>
          tpu.enqueue_dma source(%dma_start3A_101 : memref<632xf32, #tpu.memory_space<vmem>>) target(%dma_start3A_99 : memref<632xf32, #tpu.memory_space<hbm>>) target_semaphore(%run_scoped3A : memref<!tpu.dma_semaphore, #tpu.memory_space<semaphore_mem>>)
          %dma_wait3A = arith.constant 0 : i32
          %dma_wait3A_102 = tpu.memref_slice %arg17[%dma_wait3A] : memref<640xf32, #tpu.memory_space<vmem>> -> memref<632xf32, #tpu.memory_space<vmem>>
          %dma_wait3A_103 = tpu.memref_slice %arg8[%mul3A_5] : memref<10000xf32, #tpu.memory_space<hbm>> -> memref<632xf32, #tpu.memory_space<hbm>>
          %dma_wait3A_104 = tpu.memref_slice %arg8[%mul3A_5] : memref<10000xf32, #tpu.memory_space<hbm>> -> memref<632xf32, #tpu.memory_space<hbm>>
          %dma_wait3A_105 = arith.constant 0 : i32
          %dma_wait3A_106 = tpu.memref_slice %arg17[%dma_wait3A_105] : memref<640xf32, #tpu.memory_space<vmem>> -> memref<632xf32, #tpu.memory_space<vmem>>
          tpu.wait_dma2 semaphore(%run_scoped3A : memref<!tpu.dma_semaphore, #tpu.memory_space<semaphore_mem>>) src(%dma_wait3A_106 : memref<632xf32, #tpu.memory_space<vmem>>) dst(%dma_wait3A_104 : memref<632xf32, #tpu.memory_space<hbm>>)
          tpu.yield
        }) : () -> ()
      } else {
      }
      %eq3A_92 = arith.constant 15 : i32
      %eq3A_93 = arith.cmpi eq, %arg1, %eq3A_92 : i32
      %convert_element_type3A_94 = arith.extui %eq3A_93 : i1 to i32
      %cond3A_95 = arith.constant 0 : i32
      %cond3A_96 = arith.cmpi ne, %convert_element_type3A_94, %cond3A_95 : i32
      scf.if %cond3A_96 {
        "tpu.region"() ({
          %run_scoped3A = tpu.sem_alloc : memref<!tpu.dma_semaphore, #tpu.memory_space<semaphore_mem>>
          %dma_start3A = arith.constant 9480 : i32
          %dma_start3A_97 = arith.constant 0 : i32
          %dma_start3A_98 = tpu.memref_slice %arg6[%dma_start3A, %dma_start3A_97] : memref<10000x128xf32, #tpu.memory_space<hbm>> -> memref<520x128xf32, #tpu.memory_space<hbm>>
          %dma_start3A_99 = arith.constant 9480 : i32
          %dma_start3A_100 = arith.constant 0 : i32
          %dma_start3A_101 = tpu.memref_slice %arg10[%dma_start3A_99, %dma_start3A_100] : memref<10112x128xf32, #tpu.memory_space<vmem_shared>> -> memref<520x128xf32, #tpu.memory_space<vmem_shared>>
          tpu.enqueue_dma source(%dma_start3A_101 : memref<520x128xf32, #tpu.memory_space<vmem_shared>>) target(%dma_start3A_98 : memref<520x128xf32, #tpu.memory_space<hbm>>) target_semaphore(%run_scoped3A : memref<!tpu.dma_semaphore, #tpu.memory_space<semaphore_mem>>)
          %dma_wait3A = arith.constant 9480 : i32
          %dma_wait3A_102 = arith.constant 0 : i32
          %dma_wait3A_103 = tpu.memref_slice %arg6[%dma_wait3A, %dma_wait3A_102] : memref<10000x128xf32, #tpu.memory_space<hbm>> -> memref<520x128xf32, #tpu.memory_space<hbm>>
          %dma_wait3A_104 = arith.constant 9480 : i32
          %dma_wait3A_105 = arith.constant 0 : i32
          %dma_wait3A_106 = tpu.memref_slice %arg10[%dma_wait3A_104, %dma_wait3A_105] : memref<10112x128xf32, #tpu.memory_space<vmem_shared>> -> memref<520x128xf32, #tpu.memory_space<vmem_shared>>
          tpu.wait_dma2 semaphore(%run_scoped3A : memref<!tpu.dma_semaphore, #tpu.memory_space<semaphore_mem>>) src(%dma_wait3A_106 : memref<520x128xf32, #tpu.memory_space<vmem_shared>>) dst(%dma_wait3A_103 : memref<520x128xf32, #tpu.memory_space<hbm>>)
          tpu.yield
        }) : () -> ()
        "tpu.region"() ({
          %run_scoped3A = tpu.sem_alloc : memref<!tpu.dma_semaphore, #tpu.memory_space<semaphore_mem>>
          %dma_start3A = arith.constant 0 : i32
          %dma_start3A_97 = tpu.memref_slice %arg17[%dma_start3A] : memref<640xf32, #tpu.memory_space<vmem>> -> memref<520xf32, #tpu.memory_space<vmem>>
          %dma_start3A_98 = arith.constant 9480 : i32
          %dma_start3A_99 = tpu.memref_slice %arg16[%dma_start3A_98] : memref<10112xf32, #tpu.memory_space<vmem_shared>> -> memref<520xf32, #tpu.memory_space<vmem_shared>>
          %dma_start3A_100 = arith.constant 0 : i32
          %dma_start3A_101 = tpu.memref_slice %arg17[%dma_start3A_100] : memref<640xf32, #tpu.memory_space<vmem>> -> memref<520xf32, #tpu.memory_space<vmem>>
          %dma_start3A_102 = arith.constant 9480 : i32
          %dma_start3A_103 = tpu.memref_slice %arg16[%dma_start3A_102] : memref<10112xf32, #tpu.memory_space<vmem_shared>> -> memref<520xf32, #tpu.memory_space<vmem_shared>>
          tpu.enqueue_dma source(%dma_start3A_103 : memref<520xf32, #tpu.memory_space<vmem_shared>>) target(%dma_start3A_101 : memref<520xf32, #tpu.memory_space<vmem>>) target_semaphore(%run_scoped3A : memref<!tpu.dma_semaphore, #tpu.memory_space<semaphore_mem>>)
          %dma_wait3A = arith.constant 0 : i32
          %dma_wait3A_104 = tpu.memref_slice %arg17[%dma_wait3A] : memref<640xf32, #tpu.memory_space<vmem>> -> memref<520xf32, #tpu.memory_space<vmem>>
          %dma_wait3A_105 = arith.constant 9480 : i32
          %dma_wait3A_106 = tpu.memref_slice %arg16[%dma_wait3A_105] : memref<10112xf32, #tpu.memory_space<vmem_shared>> -> memref<520xf32, #tpu.memory_space<vmem_shared>>
          %dma_wait3A_107 = arith.constant 0 : i32
          %dma_wait3A_108 = tpu.memref_slice %arg17[%dma_wait3A_107] : memref<640xf32, #tpu.memory_space<vmem>> -> memref<520xf32, #tpu.memory_space<vmem>>
          %dma_wait3A_109 = arith.constant 9480 : i32
          %dma_wait3A_110 = tpu.memref_slice %arg16[%dma_wait3A_109] : memref<10112xf32, #tpu.memory_space<vmem_shared>> -> memref<520xf32, #tpu.memory_space<vmem_shared>>
          tpu.wait_dma2 semaphore(%run_scoped3A : memref<!tpu.dma_semaphore, #tpu.memory_space<semaphore_mem>>) src(%dma_wait3A_110 : memref<520xf32, #tpu.memory_space<vmem_shared>>) dst(%dma_wait3A_108 : memref<520xf32, #tpu.memory_space<vmem>>)
          tpu.yield
        }) : () -> ()
        "tpu.region"() ({
          %run_scoped3A = tpu.sem_alloc : memref<!tpu.dma_semaphore, #tpu.memory_space<semaphore_mem>>
          %dma_start3A = arith.constant 0 : i32
          %dma_start3A_97 = tpu.memref_slice %arg17[%dma_start3A] : memref<640xf32, #tpu.memory_space<vmem>> -> memref<520xf32, #tpu.memory_space<vmem>>
          %dma_start3A_98 = arith.constant 9480 : i32
          %dma_start3A_99 = tpu.memref_slice %arg8[%dma_start3A_98] : memref<10000xf32, #tpu.memory_space<hbm>> -> memref<520xf32, #tpu.memory_space<hbm>>
          %dma_start3A_100 = arith.constant 9480 : i32
          %dma_start3A_101 = tpu.memref_slice %arg8[%dma_start3A_100] : memref<10000xf32, #tpu.memory_space<hbm>> -> memref<520xf32, #tpu.memory_space<hbm>>
          %dma_start3A_102 = arith.constant 0 : i32
          %dma_start3A_103 = tpu.memref_slice %arg17[%dma_start3A_102] : memref<640xf32, #tpu.memory_space<vmem>> -> memref<520xf32, #tpu.memory_space<vmem>>
          tpu.enqueue_dma source(%dma_start3A_103 : memref<520xf32, #tpu.memory_space<vmem>>) target(%dma_start3A_101 : memref<520xf32, #tpu.memory_space<hbm>>) target_semaphore(%run_scoped3A : memref<!tpu.dma_semaphore, #tpu.memory_space<semaphore_mem>>)
          %dma_wait3A = arith.constant 0 : i32
          %dma_wait3A_104 = tpu.memref_slice %arg17[%dma_wait3A] : memref<640xf32, #tpu.memory_space<vmem>> -> memref<520xf32, #tpu.memory_space<vmem>>
          %dma_wait3A_105 = arith.constant 9480 : i32
          %dma_wait3A_106 = tpu.memref_slice %arg8[%dma_wait3A_105] : memref<10000xf32, #tpu.memory_space<hbm>> -> memref<520xf32, #tpu.memory_space<hbm>>
          %dma_wait3A_107 = arith.constant 9480 : i32
          %dma_wait3A_108 = tpu.memref_slice %arg8[%dma_wait3A_107] : memref<10000xf32, #tpu.memory_space<hbm>> -> memref<520xf32, #tpu.memory_space<hbm>>
          %dma_wait3A_109 = arith.constant 0 : i32
          %dma_wait3A_110 = tpu.memref_slice %arg17[%dma_wait3A_109] : memref<640xf32, #tpu.memory_space<vmem>> -> memref<520xf32, #tpu.memory_space<vmem>>
          tpu.wait_dma2 semaphore(%run_scoped3A : memref<!tpu.dma_semaphore, #tpu.memory_space<semaphore_mem>>) src(%dma_wait3A_110 : memref<520xf32, #tpu.memory_space<vmem>>) dst(%dma_wait3A_108 : memref<520xf32, #tpu.memory_space<hbm>>)
          tpu.yield
        }) : () -> ()
      } else {
      }
    } else {
    }
    %eq3A_82 = arith.constant 1 : i32
    %eq3A_83 = arith.cmpi eq, %arg0, %eq3A_82 : i32
    %convert_element_type3A_84 = arith.extui %eq3A_83 : i1 to i32
    %cond3A_85 = arith.constant 0 : i32
    %cond3A_86 = arith.cmpi ne, %convert_element_type3A_84, %cond3A_85 : i32
    scf.if %cond3A_86 {
      %lt3A_87 = arith.constant 15 : i32
      %lt3A_88 = arith.cmpi slt, %arg1, %lt3A_87 : i32
      %convert_element_type3A_89 = arith.extui %lt3A_88 : i1 to i32
      %cond3A_90 = arith.constant 0 : i32
      %cond3A_91 = arith.cmpi ne, %convert_element_type3A_89, %cond3A_90 : i32
      scf.if %cond3A_91 {
        "tpu.region"() ({
          %run_scoped3A = tpu.sem_alloc : memref<!tpu.dma_semaphore, #tpu.memory_space<semaphore_mem>>
          %dma_start3A = arith.constant 0 : i32
          %dma_start3A_97 = tpu.memref_slice %arg7[%mul3A_5, %dma_start3A] : memref<10000x128xf32, #tpu.memory_space<hbm>> -> memref<632x128xf32, #tpu.memory_space<hbm>>
          %dma_start3A_98 = arith.constant 0 : i32
          %dma_start3A_99 = tpu.memref_slice %arg10[%mul3A_5, %dma_start3A_98] : memref<10112x128xf32, #tpu.memory_space<vmem_shared>> -> memref<632x128xf32, #tpu.memory_space<vmem_shared>>
          tpu.enqueue_dma source(%dma_start3A_99 : memref<632x128xf32, #tpu.memory_space<vmem_shared>>) target(%dma_start3A_97 : memref<632x128xf32, #tpu.memory_space<hbm>>) target_semaphore(%run_scoped3A : memref<!tpu.dma_semaphore, #tpu.memory_space<semaphore_mem>>)
          %dma_wait3A = arith.constant 0 : i32
          %dma_wait3A_100 = tpu.memref_slice %arg7[%mul3A_5, %dma_wait3A] : memref<10000x128xf32, #tpu.memory_space<hbm>> -> memref<632x128xf32, #tpu.memory_space<hbm>>
          %dma_wait3A_101 = arith.constant 0 : i32
          %dma_wait3A_102 = tpu.memref_slice %arg10[%mul3A_5, %dma_wait3A_101] : memref<10112x128xf32, #tpu.memory_space<vmem_shared>> -> memref<632x128xf32, #tpu.memory_space<vmem_shared>>
          tpu.wait_dma2 semaphore(%run_scoped3A : memref<!tpu.dma_semaphore, #tpu.memory_space<semaphore_mem>>) src(%dma_wait3A_102 : memref<632x128xf32, #tpu.memory_space<vmem_shared>>) dst(%dma_wait3A_100 : memref<632x128xf32, #tpu.memory_space<hbm>>)
          tpu.yield
        }) : () -> ()
        "tpu.region"() ({
          %run_scoped3A = tpu.sem_alloc : memref<!tpu.dma_semaphore, #tpu.memory_space<semaphore_mem>>
          %dma_start3A = arith.constant 0 : i32
          %dma_start3A_97 = tpu.memref_slice %arg17[%dma_start3A] : memref<640xf32, #tpu.memory_space<vmem>> -> memref<632xf32, #tpu.memory_space<vmem>>
          %dma_start3A_98 = tpu.memref_slice %arg16[%mul3A_5] : memref<10112xf32, #tpu.memory_space<vmem_shared>> -> memref<632xf32, #tpu.memory_space<vmem_shared>>
          %dma_start3A_99 = arith.constant 0 : i32
          %dma_start3A_100 = tpu.memref_slice %arg17[%dma_start3A_99] : memref<640xf32, #tpu.memory_space<vmem>> -> memref<632xf32, #tpu.memory_space<vmem>>
          %dma_start3A_101 = tpu.memref_slice %arg16[%mul3A_5] : memref<10112xf32, #tpu.memory_space<vmem_shared>> -> memref<632xf32, #tpu.memory_space<vmem_shared>>
          tpu.enqueue_dma source(%dma_start3A_101 : memref<632xf32, #tpu.memory_space<vmem_shared>>) target(%dma_start3A_100 : memref<632xf32, #tpu.memory_space<vmem>>) target_semaphore(%run_scoped3A : memref<!tpu.dma_semaphore, #tpu.memory_space<semaphore_mem>>)
          %dma_wait3A = arith.constant 0 : i32
          %dma_wait3A_102 = tpu.memref_slice %arg17[%dma_wait3A] : memref<640xf32, #tpu.memory_space<vmem>> -> memref<632xf32, #tpu.memory_space<vmem>>
          %dma_wait3A_103 = tpu.memref_slice %arg16[%mul3A_5] : memref<10112xf32, #tpu.memory_space<vmem_shared>> -> memref<632xf32, #tpu.memory_space<vmem_shared>>
          %dma_wait3A_104 = arith.constant 0 : i32
          %dma_wait3A_105 = tpu.memref_slice %arg17[%dma_wait3A_104] : memref<640xf32, #tpu.memory_space<vmem>> -> memref<632xf32, #tpu.memory_space<vmem>>
          %dma_wait3A_106 = tpu.memref_slice %arg16[%mul3A_5] : memref<10112xf32, #tpu.memory_space<vmem_shared>> -> memref<632xf32, #tpu.memory_space<vmem_shared>>
          tpu.wait_dma2 semaphore(%run_scoped3A : memref<!tpu.dma_semaphore, #tpu.memory_space<semaphore_mem>>) src(%dma_wait3A_106 : memref<632xf32, #tpu.memory_space<vmem_shared>>) dst(%dma_wait3A_105 : memref<632xf32, #tpu.memory_space<vmem>>)
          tpu.yield
        }) : () -> ()
        "tpu.region"() ({
          %run_scoped3A = tpu.sem_alloc : memref<!tpu.dma_semaphore, #tpu.memory_space<semaphore_mem>>
          %dma_start3A = arith.constant 0 : i32
          %dma_start3A_97 = tpu.memref_slice %arg17[%dma_start3A] : memref<640xf32, #tpu.memory_space<vmem>> -> memref<632xf32, #tpu.memory_space<vmem>>
          %dma_start3A_98 = tpu.memref_slice %arg9[%mul3A_5] : memref<10000xf32, #tpu.memory_space<hbm>> -> memref<632xf32, #tpu.memory_space<hbm>>
          %dma_start3A_99 = tpu.memref_slice %arg9[%mul3A_5] : memref<10000xf32, #tpu.memory_space<hbm>> -> memref<632xf32, #tpu.memory_space<hbm>>
          %dma_start3A_100 = arith.constant 0 : i32
          %dma_start3A_101 = tpu.memref_slice %arg17[%dma_start3A_100] : memref<640xf32, #tpu.memory_space<vmem>> -> memref<632xf32, #tpu.memory_space<vmem>>
          tpu.enqueue_dma source(%dma_start3A_101 : memref<632xf32, #tpu.memory_space<vmem>>) target(%dma_start3A_99 : memref<632xf32, #tpu.memory_space<hbm>>) target_semaphore(%run_scoped3A : memref<!tpu.dma_semaphore, #tpu.memory_space<semaphore_mem>>)
          %dma_wait3A = arith.constant 0 : i32
          %dma_wait3A_102 = tpu.memref_slice %arg17[%dma_wait3A] : memref<640xf32, #tpu.memory_space<vmem>> -> memref<632xf32, #tpu.memory_space<vmem>>
          %dma_wait3A_103 = tpu.memref_slice %arg9[%mul3A_5] : memref<10000xf32, #tpu.memory_space<hbm>> -> memref<632xf32, #tpu.memory_space<hbm>>
          %dma_wait3A_104 = tpu.memref_slice %arg9[%mul3A_5] : memref<10000xf32, #tpu.memory_space<hbm>> -> memref<632xf32, #tpu.memory_space<hbm>>
          %dma_wait3A_105 = arith.constant 0 : i32
          %dma_wait3A_106 = tpu.memref_slice %arg17[%dma_wait3A_105] : memref<640xf32, #tpu.memory_space<vmem>> -> memref<632xf32, #tpu.memory_space<vmem>>
          tpu.wait_dma2 semaphore(%run_scoped3A : memref<!tpu.dma_semaphore, #tpu.memory_space<semaphore_mem>>) src(%dma_wait3A_106 : memref<632xf32, #tpu.memory_space<vmem>>) dst(%dma_wait3A_104 : memref<632xf32, #tpu.memory_space<hbm>>)
          tpu.yield
        }) : () -> ()
      } else {
      }
      %eq3A_92 = arith.constant 15 : i32
      %eq3A_93 = arith.cmpi eq, %arg1, %eq3A_92 : i32
      %convert_element_type3A_94 = arith.extui %eq3A_93 : i1 to i32
      %cond3A_95 = arith.constant 0 : i32
      %cond3A_96 = arith.cmpi ne, %convert_element_type3A_94, %cond3A_95 : i32
      scf.if %cond3A_96 {
        "tpu.region"() ({
          %run_scoped3A = tpu.sem_alloc : memref<!tpu.dma_semaphore, #tpu.memory_space<semaphore_mem>>
          %dma_start3A = arith.constant 9480 : i32
          %dma_start3A_97 = arith.constant 0 : i32
          %dma_start3A_98 = tpu.memref_slice %arg7[%dma_start3A, %dma_start3A_97] : memref<10000x128xf32, #tpu.memory_space<hbm>> -> memref<520x128xf32, #tpu.memory_space<hbm>>
          %dma_start3A_99 = arith.constant 9480 : i32
          %dma_start3A_100 = arith.constant 0 : i32
          %dma_start3A_101 = tpu.memref_slice %arg10[%dma_start3A_99, %dma_start3A_100] : memref<10112x128xf32, #tpu.memory_space<vmem_shared>> -> memref<520x128xf32, #tpu.memory_space<vmem_shared>>
          tpu.enqueue_dma source(%dma_start3A_101 : memref<520x128xf32, #tpu.memory_space<vmem_shared>>) target(%dma_start3A_98 : memref<520x128xf32, #tpu.memory_space<hbm>>) target_semaphore(%run_scoped3A : memref<!tpu.dma_semaphore, #tpu.memory_space<semaphore_mem>>)
          %dma_wait3A = arith.constant 9480 : i32
          %dma_wait3A_102 = arith.constant 0 : i32
          %dma_wait3A_103 = tpu.memref_slice %arg7[%dma_wait3A, %dma_wait3A_102] : memref<10000x128xf32, #tpu.memory_space<hbm>> -> memref<520x128xf32, #tpu.memory_space<hbm>>
          %dma_wait3A_104 = arith.constant 9480 : i32
          %dma_wait3A_105 = arith.constant 0 : i32
          %dma_wait3A_106 = tpu.memref_slice %arg10[%dma_wait3A_104, %dma_wait3A_105] : memref<10112x128xf32, #tpu.memory_space<vmem_shared>> -> memref<520x128xf32, #tpu.memory_space<vmem_shared>>
          tpu.wait_dma2 semaphore(%run_scoped3A : memref<!tpu.dma_semaphore, #tpu.memory_space<semaphore_mem>>) src(%dma_wait3A_106 : memref<520x128xf32, #tpu.memory_space<vmem_shared>>) dst(%dma_wait3A_103 : memref<520x128xf32, #tpu.memory_space<hbm>>)
          tpu.yield
        }) : () -> ()
        "tpu.region"() ({
          %run_scoped3A = tpu.sem_alloc : memref<!tpu.dma_semaphore, #tpu.memory_space<semaphore_mem>>
          %dma_start3A = arith.constant 0 : i32
          %dma_start3A_97 = tpu.memref_slice %arg17[%dma_start3A] : memref<640xf32, #tpu.memory_space<vmem>> -> memref<520xf32, #tpu.memory_space<vmem>>
          %dma_start3A_98 = arith.constant 9480 : i32
          %dma_start3A_99 = tpu.memref_slice %arg16[%dma_start3A_98] : memref<10112xf32, #tpu.memory_space<vmem_shared>> -> memref<520xf32, #tpu.memory_space<vmem_shared>>
          %dma_start3A_100 = arith.constant 0 : i32
          %dma_start3A_101 = tpu.memref_slice %arg17[%dma_start3A_100] : memref<640xf32, #tpu.memory_space<vmem>> -> memref<520xf32, #tpu.memory_space<vmem>>
          %dma_start3A_102 = arith.constant 9480 : i32
          %dma_start3A_103 = tpu.memref_slice %arg16[%dma_start3A_102] : memref<10112xf32, #tpu.memory_space<vmem_shared>> -> memref<520xf32, #tpu.memory_space<vmem_shared>>
          tpu.enqueue_dma source(%dma_start3A_103 : memref<520xf32, #tpu.memory_space<vmem_shared>>) target(%dma_start3A_101 : memref<520xf32, #tpu.memory_space<vmem>>) target_semaphore(%run_scoped3A : memref<!tpu.dma_semaphore, #tpu.memory_space<semaphore_mem>>)
          %dma_wait3A = arith.constant 0 : i32
          %dma_wait3A_104 = tpu.memref_slice %arg17[%dma_wait3A] : memref<640xf32, #tpu.memory_space<vmem>> -> memref<520xf32, #tpu.memory_space<vmem>>
          %dma_wait3A_105 = arith.constant 9480 : i32
          %dma_wait3A_106 = tpu.memref_slice %arg16[%dma_wait3A_105] : memref<10112xf32, #tpu.memory_space<vmem_shared>> -> memref<520xf32, #tpu.memory_space<vmem_shared>>
          %dma_wait3A_107 = arith.constant 0 : i32
          %dma_wait3A_108 = tpu.memref_slice %arg17[%dma_wait3A_107] : memref<640xf32, #tpu.memory_space<vmem>> -> memref<520xf32, #tpu.memory_space<vmem>>
          %dma_wait3A_109 = arith.constant 9480 : i32
          %dma_wait3A_110 = tpu.memref_slice %arg16[%dma_wait3A_109] : memref<10112xf32, #tpu.memory_space<vmem_shared>> -> memref<520xf32, #tpu.memory_space<vmem_shared>>
          tpu.wait_dma2 semaphore(%run_scoped3A : memref<!tpu.dma_semaphore, #tpu.memory_space<semaphore_mem>>) src(%dma_wait3A_110 : memref<520xf32, #tpu.memory_space<vmem_shared>>) dst(%dma_wait3A_108 : memref<520xf32, #tpu.memory_space<vmem>>)
          tpu.yield
        }) : () -> ()
        "tpu.region"() ({
          %run_scoped3A = tpu.sem_alloc : memref<!tpu.dma_semaphore, #tpu.memory_space<semaphore_mem>>
          %dma_start3A = arith.constant 0 : i32
          %dma_start3A_97 = tpu.memref_slice %arg17[%dma_start3A] : memref<640xf32, #tpu.memory_space<vmem>> -> memref<520xf32, #tpu.memory_space<vmem>>
          %dma_start3A_98 = arith.constant 9480 : i32
          %dma_start3A_99 = tpu.memref_slice %arg9[%dma_start3A_98] : memref<10000xf32, #tpu.memory_space<hbm>> -> memref<520xf32, #tpu.memory_space<hbm>>
          %dma_start3A_100 = arith.constant 9480 : i32
          %dma_start3A_101 = tpu.memref_slice %arg9[%dma_start3A_100] : memref<10000xf32, #tpu.memory_space<hbm>> -> memref<520xf32, #tpu.memory_space<hbm>>
          %dma_start3A_102 = arith.constant 0 : i32
          %dma_start3A_103 = tpu.memref_slice %arg17[%dma_start3A_102] : memref<640xf32, #tpu.memory_space<vmem>> -> memref<520xf32, #tpu.memory_space<vmem>>
          tpu.enqueue_dma source(%dma_start3A_103 : memref<520xf32, #tpu.memory_space<vmem>>) target(%dma_start3A_101 : memref<520xf32, #tpu.memory_space<hbm>>) target_semaphore(%run_scoped3A : memref<!tpu.dma_semaphore, #tpu.memory_space<semaphore_mem>>)
          %dma_wait3A = arith.constant 0 : i32
          %dma_wait3A_104 = tpu.memref_slice %arg17[%dma_wait3A] : memref<640xf32, #tpu.memory_space<vmem>> -> memref<520xf32, #tpu.memory_space<vmem>>
          %dma_wait3A_105 = arith.constant 9480 : i32
          %dma_wait3A_106 = tpu.memref_slice %arg9[%dma_wait3A_105] : memref<10000xf32, #tpu.memory_space<hbm>> -> memref<520xf32, #tpu.memory_space<hbm>>
          %dma_wait3A_107 = arith.constant 9480 : i32
          %dma_wait3A_108 = tpu.memref_slice %arg9[%dma_wait3A_107] : memref<10000xf32, #tpu.memory_space<hbm>> -> memref<520xf32, #tpu.memory_space<hbm>>
          %dma_wait3A_109 = arith.constant 0 : i32
          %dma_wait3A_110 = tpu.memref_slice %arg17[%dma_wait3A_109] : memref<640xf32, #tpu.memory_space<vmem>> -> memref<520xf32, #tpu.memory_space<vmem>>
          tpu.wait_dma2 semaphore(%run_scoped3A : memref<!tpu.dma_semaphore, #tpu.memory_space<semaphore_mem>>) src(%dma_wait3A_110 : memref<520xf32, #tpu.memory_space<vmem>>) dst(%dma_wait3A_108 : memref<520xf32, #tpu.memory_space<hbm>>)
          tpu.yield
        }) : () -> ()
      } else {
      }
    } else {
    }
    return
  }
}

module attributes {stable_mosaic.version = 14 : i64} {
  func.func @_k1_body(%arg0: i32, %arg1: memref<1000x1xf32, #tpu.memory_space<vmem>>, %arg2: memref<1000x128xf32, #tpu.memory_space<vmem>>, %arg3: memref<1000x128xf32, #tpu.memory_space<vmem>>, %arg4: memref<1000x128xf32, #tpu.memory_space<vmem>>, %arg5: memref<1000x128xf32, #tpu.memory_space<vmem>>, %arg6: memref<256x256xf32, #tpu.memory_space<vmem>>, %arg7: memref<256x256xf32, #tpu.memory_space<vmem>>, %arg8: memref<1x256xf32, #tpu.memory_space<vmem>>, %arg9: memref<1000x256xf32, #tpu.memory_space<vmem>>, %arg10: memref<8x256xf32, #tpu.memory_space<vmem>>) attributes {dimension_semantics = [#tpu.dimension_semantics<arbitrary>], iteration_bounds = array<i64: 10>, scalar_prefetch = 0 : i64, scratch_operands = 0 : i64, tpu.core_type = #tpu.core_type<tc>, window_params = [{transform_indices = @transform_0, window_bounds = array<i64: 1000, 1>}, {transform_indices = @transform_1, window_bounds = array<i64: 1000, 128>}, {transform_indices = @transform_2, window_bounds = array<i64: 1000, 128>}, {transform_indices = @transform_3, window_bounds = array<i64: 1000, 128>}, {transform_indices = @transform_4, window_bounds = array<i64: 1000, 128>}, {pipeline_mode = #tpu.pipeline_mode<synchronous>, transform_indices = @transform_5, window_bounds = array<i64: 256, 256>}, {pipeline_mode = #tpu.pipeline_mode<synchronous>, transform_indices = @transform_6, window_bounds = array<i64: 256, 256>}, {pipeline_mode = #tpu.pipeline_mode<synchronous>, transform_indices = @transform_7, window_bounds = array<i64: 1, 256>}, {transform_indices = @transform_8, window_bounds = array<i64: 1000, 256>}, {pipeline_mode = #tpu.pipeline_mode<synchronous>, transform_indices = @transform_9, window_bounds = array<i64: 8, 256>}]} {
    %get3A = arith.constant 0 : index
    %get3A_0 = arith.constant 0 : index
    %get3A_1 = vector.load %arg1[%get3A, %get3A_0] : memref<1000x1xf32, #tpu.memory_space<vmem>>, vector<1000x1xf32>
    %get3A_2 = arith.constant 0 : index
    %get3A_3 = arith.constant 0 : index
    %get3A_4 = vector.load %arg2[%get3A_2, %get3A_3] : memref<1000x128xf32, #tpu.memory_space<vmem>>, vector<1000x128xf32>
    %mul3A = vector.broadcast %get3A_1 : vector<1000x1xf32> to vector<1000x128xf32>
    %mul3A_5 = arith.mulf %get3A_4, %mul3A : vector<1000x128xf32>
    %get3A_6 = arith.constant 0 : index
    %get3A_7 = arith.constant 0 : index
    %get3A_8 = vector.load %arg3[%get3A_6, %get3A_7] : memref<1000x128xf32, #tpu.memory_space<vmem>>, vector<1000x128xf32>
    %mul3A_9 = vector.broadcast %get3A_1 : vector<1000x1xf32> to vector<1000x128xf32>
    %mul3A_10 = arith.mulf %get3A_8, %mul3A_9 : vector<1000x128xf32>
    %get3A_11 = arith.constant 0 : index
    %get3A_12 = arith.constant 0 : index
    %get3A_13 = vector.load %arg6[%get3A_11, %get3A_12] : memref<256x256xf32, #tpu.memory_space<vmem>>, vector<128x256xf32>
    %dot_general3A = arith.constant dense<0.000000e+00> : vector<1000x256xf32>
    %dot_general3A_14 = tpu.matmul %mul3A_5, %get3A_13, %dot_general3A {dimension_numbers = #tpu.dot_dimension_numbers<[1], [0], [0], [1], [0, 0, 1, 1], [], []>, transpose_lhs_hint = false} : vector<1000x128xf32>, vector<128x256xf32>, vector<1000x256xf32> -> vector<1000x256xf32>
    %get3A_15 = arith.constant 128 : index
    %get3A_16 = arith.constant 0 : index
    %get3A_17 = vector.load %arg6[%get3A_15, %get3A_16] : memref<256x256xf32, #tpu.memory_space<vmem>>, vector<128x256xf32>
    %dot_general3A_18 = arith.constant dense<0.000000e+00> : vector<1000x256xf32>
    %dot_general3A_19 = tpu.matmul %mul3A_10, %get3A_17, %dot_general3A_18 {dimension_numbers = #tpu.dot_dimension_numbers<[1], [0], [0], [1], [0, 0, 1, 1], [], []>, transpose_lhs_hint = false} : vector<1000x128xf32>, vector<128x256xf32>, vector<1000x256xf32> -> vector<1000x256xf32>
    %add3A = arith.addf %dot_general3A_14, %dot_general3A_19 : vector<1000x256xf32>
    %get3A_20 = arith.constant 0 : index
    %get3A_21 = arith.constant 0 : index
    %get3A_22 = vector.load %arg4[%get3A_20, %get3A_21] : memref<1000x128xf32, #tpu.memory_space<vmem>>, vector<1000x128xf32>
    %get3A_23 = arith.constant 0 : index
    %get3A_24 = arith.constant 0 : index
    %get3A_25 = vector.load %arg7[%get3A_23, %get3A_24] : memref<256x256xf32, #tpu.memory_space<vmem>>, vector<128x256xf32>
    %dot_general3A_26 = arith.constant dense<0.000000e+00> : vector<1000x256xf32>
    %dot_general3A_27 = tpu.matmul %get3A_22, %get3A_25, %dot_general3A_26 {dimension_numbers = #tpu.dot_dimension_numbers<[1], [0], [0], [1], [0, 0, 1, 1], [], []>, transpose_lhs_hint = false} : vector<1000x128xf32>, vector<128x256xf32>, vector<1000x256xf32> -> vector<1000x256xf32>
    %add3A_28 = arith.addf %add3A, %dot_general3A_27 : vector<1000x256xf32>
    %get3A_29 = arith.constant 0 : index
    %get3A_30 = arith.constant 0 : index
    %get3A_31 = vector.load %arg5[%get3A_29, %get3A_30] : memref<1000x128xf32, #tpu.memory_space<vmem>>, vector<1000x128xf32>
    %get3A_32 = arith.constant 128 : index
    %get3A_33 = arith.constant 0 : index
    %get3A_34 = vector.load %arg7[%get3A_32, %get3A_33] : memref<256x256xf32, #tpu.memory_space<vmem>>, vector<128x256xf32>
    %dot_general3A_35 = arith.constant dense<0.000000e+00> : vector<1000x256xf32>
    %dot_general3A_36 = tpu.matmul %get3A_31, %get3A_34, %dot_general3A_35 {dimension_numbers = #tpu.dot_dimension_numbers<[1], [0], [0], [1], [0, 0, 1, 1], [], []>, transpose_lhs_hint = false} : vector<1000x128xf32>, vector<128x256xf32>, vector<1000x256xf32> -> vector<1000x256xf32>
    %add3A_37 = arith.addf %add3A_28, %dot_general3A_36 : vector<1000x256xf32>
    %get3A_38 = arith.constant 0 : index
    %get3A_39 = arith.constant 0 : index
    %get3A_40 = vector.load %arg8[%get3A_38, %get3A_39] : memref<1x256xf32, #tpu.memory_space<vmem>>, vector<1x256xf32>
    %add3A_41 = vector.broadcast %get3A_40 : vector<1x256xf32> to vector<1000x256xf32>
    %add3A_42 = arith.addf %add3A_37, %add3A_41 : vector<1000x256xf32>
    %swap3A = arith.constant 0 : index
    %swap3A_43 = arith.constant 0 : index
    %swap3A_44 = vector.load %arg9[%swap3A, %swap3A_43] : memref<1000x256xf32, #tpu.memory_space<vmem>>, vector<1000x256xf32>
    tpu.vector_store %arg9[%swap3A, %swap3A_43], %add3A_42 {strides = array<i32>} : memref<1000x256xf32, #tpu.memory_space<vmem>>, vector<1000x256xf32>,
    %reduce_sum3A = arith.constant dense<0.000000e+00> : vector<256xf32>
    %reduce_sum3A_45 = vector.multi_reduction <add>, %add3A_42, %reduce_sum3A [0] : vector<1000x256xf32> to vector<256xf32>
    %broadcast_in_dim3A = vector.shape_cast %reduce_sum3A_45 : vector<256xf32> to vector<1x256xf32>
    %mul3A_46 = arith.mulf %add3A_42, %add3A_42 : vector<1000x256xf32>
    %reduce_sum3A_47 = arith.constant dense<0.000000e+00> : vector<256xf32>
    %reduce_sum3A_48 = vector.multi_reduction <add>, %mul3A_46, %reduce_sum3A_47 [0] : vector<1000x256xf32> to vector<256xf32>
    %broadcast_in_dim3A_49 = vector.shape_cast %reduce_sum3A_48 : vector<256xf32> to vector<1x256xf32>
    %broadcast_in_dim3A_50 = arith.constant 0.000000e+00 : f32
    %broadcast_in_dim3A_51 = vector.broadcast %broadcast_in_dim3A_50 : f32 to vector<6x256xf32>
    %concatenate3A = tpu.concatenate %broadcast_in_dim3A, %broadcast_in_dim3A_49, %broadcast_in_dim3A_51 in 0 : vector<1x256xf32>, vector<1x256xf32>, vector<6x256xf32> -> vector<8x256xf32>
    %eq3A = arith.constant 0 : i32
    %eq3A_52 = arith.cmpi eq, %arg0, %eq3A : i32
    %convert_element_type3A = arith.extui %eq3A_52 : i1 to i32
    %cond3A = arith.constant 0 : i32
    %cond3A_53 = arith.cmpi ne, %convert_element_type3A, %cond3A : i32
    scf.if %cond3A_53 {
      %swap3A_58 = arith.constant 0 : index
      %swap3A_59 = arith.constant 0 : index
      %swap3A_60 = vector.load %arg10[%swap3A_58, %swap3A_59] : memref<8x256xf32, #tpu.memory_space<vmem>>, vector<8x256xf32>
      tpu.vector_store %arg10[%swap3A_58, %swap3A_59], %concatenate3A {strides = array<i32>} : memref<8x256xf32, #tpu.memory_space<vmem>>, vector<8x256xf32>,
    } else {
    }
    %gt3A = arith.constant 0 : i32
    %gt3A_54 = arith.cmpi sgt, %arg0, %gt3A : i32
    %convert_element_type3A_55 = arith.extui %gt3A_54 : i1 to i32
    %cond3A_56 = arith.constant 0 : i32
    %cond3A_57 = arith.cmpi ne, %convert_element_type3A_55, %cond3A_56 : i32
    scf.if %cond3A_57 {
      %get3A_58 = arith.constant 0 : index
      %get3A_59 = arith.constant 0 : index
      %get3A_60 = vector.load %arg10[%get3A_58, %get3A_59] : memref<8x256xf32, #tpu.memory_space<vmem>>, vector<8x256xf32>
      %add3A_61 = arith.addf %get3A_60, %concatenate3A : vector<8x256xf32>
      %swap3A_62 = arith.constant 0 : index
      %swap3A_63 = arith.constant 0 : index
      %swap3A_64 = vector.load %arg10[%swap3A_62, %swap3A_63] : memref<8x256xf32, #tpu.memory_space<vmem>>, vector<8x256xf32>
      tpu.vector_store %arg10[%swap3A_62, %swap3A_63], %add3A_61 {strides = array<i32>} : memref<8x256xf32, #tpu.memory_space<vmem>>, vector<8x256xf32>,
    } else {
    }
    return
  }
  func.func @transform_0(%arg0: i32) -> (i32, i32) {
    %c0_i32 = arith.constant 0 : i32
    %c0_i32_0 = arith.constant 0 : i32
    return %arg0, %c0_i32 : i32, i32
  }
  func.func @transform_1(%arg0: i32) -> (i32, i32) {
    %c0_i32 = arith.constant 0 : i32
    %c0_i32_0 = arith.constant 0 : i32
    return %arg0, %c0_i32 : i32, i32
  }
  func.func @transform_2(%arg0: i32) -> (i32, i32) {
    %c0_i32 = arith.constant 0 : i32
    %c0_i32_0 = arith.constant 0 : i32
    return %arg0, %c0_i32 : i32, i32
  }
  func.func @transform_3(%arg0: i32) -> (i32, i32) {
    %c0_i32 = arith.constant 0 : i32
    %c0_i32_0 = arith.constant 0 : i32
    return %arg0, %c0_i32 : i32, i32
  }
  func.func @transform_4(%arg0: i32) -> (i32, i32) {
    %c0_i32 = arith.constant 0 : i32
    %c0_i32_0 = arith.constant 0 : i32
    return %arg0, %c0_i32 : i32, i32
  }
  func.func @transform_5(%arg0: i32) -> (i32, i32) {
    %c0_i32 = arith.constant 0 : i32
    %c0_i32_0 = arith.constant 0 : i32
    %c0_i32_1 = arith.constant 0 : i32
    return %c0_i32, %c0_i32_0 : i32, i32
  }
  func.func @transform_6(%arg0: i32) -> (i32, i32) {
    %c0_i32 = arith.constant 0 : i32
    %c0_i32_0 = arith.constant 0 : i32
    %c0_i32_1 = arith.constant 0 : i32
    return %c0_i32, %c0_i32_0 : i32, i32
  }
  func.func @transform_7(%arg0: i32) -> (i32, i32) {
    %c0_i32 = arith.constant 0 : i32
    %c0_i32_0 = arith.constant 0 : i32
    %c0_i32_1 = arith.constant 0 : i32
    return %c0_i32, %c0_i32_0 : i32, i32
  }
  func.func @transform_8(%arg0: i32) -> (i32, i32) {
    %c0_i32 = arith.constant 0 : i32
    %c0_i32_0 = arith.constant 0 : i32
    return %arg0, %c0_i32 : i32, i32
  }
  func.func @transform_9(%arg0: i32) -> (i32, i32) {
    %c0_i32 = arith.constant 0 : i32
    %c0_i32_0 = arith.constant 0 : i32
    %c0_i32_1 = arith.constant 0 : i32
    return %c0_i32, %c0_i32_0 : i32, i32
  }
}

module attributes {stable_mosaic.version = 14 : i64} {
  func.func @_k2_body(%arg0: i32, %arg1: memref<1000x256xf32, #tpu.memory_space<vmem>>, %arg2: memref<1x256xf32, #tpu.memory_space<vmem>>, %arg3: memref<1x256xf32, #tpu.memory_space<vmem>>, %arg4: memref<1000x128xf32, #tpu.memory_space<vmem>>, %arg5: memref<1000x128xf32, #tpu.memory_space<vmem>>) attributes {dimension_semantics = [#tpu.dimension_semantics<arbitrary>], iteration_bounds = array<i64: 10>, scalar_prefetch = 0 : i64, scratch_operands = 0 : i64, tpu.core_type = #tpu.core_type<tc>, window_params = [{transform_indices = @transform_0, window_bounds = array<i64: 1000, 256>}, {pipeline_mode = #tpu.pipeline_mode<synchronous>, transform_indices = @transform_1, window_bounds = array<i64: 1, 256>}, {pipeline_mode = #tpu.pipeline_mode<synchronous>, transform_indices = @transform_2, window_bounds = array<i64: 1, 256>}, {transform_indices = @transform_3, window_bounds = array<i64: 1000, 128>}, {transform_indices = @transform_4, window_bounds = array<i64: 1000, 128>}]} {
    %get3A = arith.constant 0 : index
    %get3A_0 = arith.constant 0 : index
    %get3A_1 = vector.load %arg1[%get3A, %get3A_0] : memref<1000x256xf32, #tpu.memory_space<vmem>>, vector<1000x256xf32>
    %get3A_2 = arith.constant 0 : index
    %get3A_3 = arith.constant 0 : index
    %get3A_4 = vector.load %arg2[%get3A_2, %get3A_3] : memref<1x256xf32, #tpu.memory_space<vmem>>, vector<1x256xf32>
    %mul3A = vector.broadcast %get3A_4 : vector<1x256xf32> to vector<1000x256xf32>
    %mul3A_5 = arith.mulf %get3A_1, %mul3A : vector<1000x256xf32>
    %get3A_6 = arith.constant 0 : index
    %get3A_7 = arith.constant 0 : index
    %get3A_8 = vector.load %arg3[%get3A_6, %get3A_7] : memref<1x256xf32, #tpu.memory_space<vmem>>, vector<1x256xf32>
    %add3A = vector.broadcast %get3A_8 : vector<1x256xf32> to vector<1000x256xf32>
    %add3A_9 = arith.addf %mul3A_5, %add3A : vector<1000x256xf32>
    %max3A = arith.constant 0.000000e+00 : f32
    %max3A_10 = vector.broadcast %max3A : f32 to vector<1000x256xf32>
    %max3A_11 = arith.maximumf %add3A_9, %max3A_10 : vector<1000x256xf32>
    %slice3A = vector.extract_strided_slice %max3A_11 {offsets = [0, 0], sizes = [1000, 128], strides = [1, 1]} : vector<1000x256xf32> to vector<1000x128xf32>
    %swap3A = arith.constant 0 : index
    %swap3A_12 = arith.constant 0 : index
    %swap3A_13 = vector.load %arg4[%swap3A, %swap3A_12] : memref<1000x128xf32, #tpu.memory_space<vmem>>, vector<1000x128xf32>
    tpu.vector_store %arg4[%swap3A, %swap3A_12], %slice3A {strides = array<i32>} : memref<1000x128xf32, #tpu.memory_space<vmem>>, vector<1000x128xf32>,
    %slice3A_14 = vector.extract_strided_slice %max3A_11 {offsets = [0, 128], sizes = [1000, 128], strides = [1, 1]} : vector<1000x256xf32> to vector<1000x128xf32>
    %swap3A_15 = arith.constant 0 : index
    %swap3A_16 = arith.constant 0 : index
    %swap3A_17 = vector.load %arg5[%swap3A_15, %swap3A_16] : memref<1000x128xf32, #tpu.memory_space<vmem>>, vector<1000x128xf32>
    tpu.vector_store %arg5[%swap3A_15, %swap3A_16], %slice3A_14 {strides = array<i32>} : memref<1000x128xf32, #tpu.memory_space<vmem>>, vector<1000x128xf32>,
    return
  }
  func.func @transform_0(%arg0: i32) -> (i32, i32) {
    %c0_i32 = arith.constant 0 : i32
    %c0_i32_0 = arith.constant 0 : i32
    return %arg0, %c0_i32 : i32, i32
  }
  func.func @transform_1(%arg0: i32) -> (i32, i32) {
    %c0_i32 = arith.constant 0 : i32
    %c0_i32_0 = arith.constant 0 : i32
    %c0_i32_1 = arith.constant 0 : i32
    return %c0_i32, %c0_i32_0 : i32, i32
  }
  func.func @transform_2(%arg0: i32) -> (i32, i32) {
    %c0_i32 = arith.constant 0 : i32
    %c0_i32_0 = arith.constant 0 : i32
    %c0_i32_1 = arith.constant 0 : i32
    return %c0_i32, %c0_i32_0 : i32, i32
  }
  func.func @transform_3(%arg0: i32) -> (i32, i32) {
    %c0_i32 = arith.constant 0 : i32
    %c0_i32_0 = arith.constant 0 : i32
    return %arg0, %c0_i32 : i32, i32
  }
  func.func @transform_4(%arg0: i32) -> (i32, i32) {
    %c0_i32 = arith.constant 0 : i32
    %c0_i32_0 = arith.constant 0 : i32
    return %arg0, %c0_i32 : i32, i32
  }
}

module attributes {stable_mosaic.version = 14 : i64} {
  func.func @_k1_body(%arg0: i32, %arg1: memref<1000x1xf32, #tpu.memory_space<vmem>>, %arg2: memref<1000x128xf32, #tpu.memory_space<vmem>>, %arg3: memref<1000x128xf32, #tpu.memory_space<vmem>>, %arg4: memref<1000x128xf32, #tpu.memory_space<vmem>>, %arg5: memref<1000x128xf32, #tpu.memory_space<vmem>>, %arg6: memref<256x256xf32, #tpu.memory_space<vmem>>, %arg7: memref<256x256xf32, #tpu.memory_space<vmem>>, %arg8: memref<1x256xf32, #tpu.memory_space<vmem>>, %arg9: memref<1000x256xf32, #tpu.memory_space<vmem>>, %arg10: memref<8x256xf32, #tpu.memory_space<vmem>>) attributes {dimension_semantics = [#tpu.dimension_semantics<arbitrary>], iteration_bounds = array<i64: 10>, scalar_prefetch = 0 : i64, scratch_operands = 0 : i64, tpu.core_type = #tpu.core_type<tc>, window_params = [{transform_indices = @transform_0, window_bounds = array<i64: 1000, 1>}, {transform_indices = @transform_1, window_bounds = array<i64: 1000, 128>}, {transform_indices = @transform_2, window_bounds = array<i64: 1000, 128>}, {transform_indices = @transform_3, window_bounds = array<i64: 1000, 128>}, {transform_indices = @transform_4, window_bounds = array<i64: 1000, 128>}, {pipeline_mode = #tpu.pipeline_mode<synchronous>, transform_indices = @transform_5, window_bounds = array<i64: 256, 256>}, {pipeline_mode = #tpu.pipeline_mode<synchronous>, transform_indices = @transform_6, window_bounds = array<i64: 256, 256>}, {pipeline_mode = #tpu.pipeline_mode<synchronous>, transform_indices = @transform_7, window_bounds = array<i64: 1, 256>}, {transform_indices = @transform_8, window_bounds = array<i64: 1000, 256>}, {pipeline_mode = #tpu.pipeline_mode<synchronous>, transform_indices = @transform_9, window_bounds = array<i64: 8, 256>}]} {
    %get3A = arith.constant 0 : index
    %get3A_0 = arith.constant 0 : index
    %get3A_1 = vector.load %arg1[%get3A, %get3A_0] : memref<1000x1xf32, #tpu.memory_space<vmem>>, vector<1000x1xf32>
    %get3A_2 = arith.constant 0 : index
    %get3A_3 = arith.constant 0 : index
    %get3A_4 = vector.load %arg2[%get3A_2, %get3A_3] : memref<1000x128xf32, #tpu.memory_space<vmem>>, vector<1000x128xf32>
    %mul3A = vector.broadcast %get3A_1 : vector<1000x1xf32> to vector<1000x128xf32>
    %mul3A_5 = arith.mulf %get3A_4, %mul3A : vector<1000x128xf32>
    %get3A_6 = arith.constant 0 : index
    %get3A_7 = arith.constant 0 : index
    %get3A_8 = vector.load %arg3[%get3A_6, %get3A_7] : memref<1000x128xf32, #tpu.memory_space<vmem>>, vector<1000x128xf32>
    %mul3A_9 = vector.broadcast %get3A_1 : vector<1000x1xf32> to vector<1000x128xf32>
    %mul3A_10 = arith.mulf %get3A_8, %mul3A_9 : vector<1000x128xf32>
    %get3A_11 = arith.constant 0 : index
    %get3A_12 = arith.constant 0 : index
    %get3A_13 = vector.load %arg6[%get3A_11, %get3A_12] : memref<256x256xf32, #tpu.memory_space<vmem>>, vector<128x256xf32>
    %dot_general3A = arith.constant dense<0.000000e+00> : vector<1000x256xf32>
    %dot_general3A_14 = tpu.matmul %mul3A_5, %get3A_13, %dot_general3A {dimension_numbers = #tpu.dot_dimension_numbers<[1], [0], [0], [1], [0, 0, 1, 1], [], []>, transpose_lhs_hint = false} : vector<1000x128xf32>, vector<128x256xf32>, vector<1000x256xf32> -> vector<1000x256xf32>
    %get3A_15 = arith.constant 128 : index
    %get3A_16 = arith.constant 0 : index
    %get3A_17 = vector.load %arg6[%get3A_15, %get3A_16] : memref<256x256xf32, #tpu.memory_space<vmem>>, vector<128x256xf32>
    %dot_general3A_18 = arith.constant dense<0.000000e+00> : vector<1000x256xf32>
    %dot_general3A_19 = tpu.matmul %mul3A_10, %get3A_17, %dot_general3A_18 {dimension_numbers = #tpu.dot_dimension_numbers<[1], [0], [0], [1], [0, 0, 1, 1], [], []>, transpose_lhs_hint = false} : vector<1000x128xf32>, vector<128x256xf32>, vector<1000x256xf32> -> vector<1000x256xf32>
    %add3A = arith.addf %dot_general3A_14, %dot_general3A_19 : vector<1000x256xf32>
    %get3A_20 = arith.constant 0 : index
    %get3A_21 = arith.constant 0 : index
    %get3A_22 = vector.load %arg4[%get3A_20, %get3A_21] : memref<1000x128xf32, #tpu.memory_space<vmem>>, vector<1000x128xf32>
    %get3A_23 = arith.constant 0 : index
    %get3A_24 = arith.constant 0 : index
    %get3A_25 = vector.load %arg7[%get3A_23, %get3A_24] : memref<256x256xf32, #tpu.memory_space<vmem>>, vector<128x256xf32>
    %dot_general3A_26 = arith.constant dense<0.000000e+00> : vector<1000x256xf32>
    %dot_general3A_27 = tpu.matmul %get3A_22, %get3A_25, %dot_general3A_26 {dimension_numbers = #tpu.dot_dimension_numbers<[1], [0], [0], [1], [0, 0, 1, 1], [], []>, transpose_lhs_hint = false} : vector<1000x128xf32>, vector<128x256xf32>, vector<1000x256xf32> -> vector<1000x256xf32>
    %add3A_28 = arith.addf %add3A, %dot_general3A_27 : vector<1000x256xf32>
    %get3A_29 = arith.constant 0 : index
    %get3A_30 = arith.constant 0 : index
    %get3A_31 = vector.load %arg5[%get3A_29, %get3A_30] : memref<1000x128xf32, #tpu.memory_space<vmem>>, vector<1000x128xf32>
    %get3A_32 = arith.constant 128 : index
    %get3A_33 = arith.constant 0 : index
    %get3A_34 = vector.load %arg7[%get3A_32, %get3A_33] : memref<256x256xf32, #tpu.memory_space<vmem>>, vector<128x256xf32>
    %dot_general3A_35 = arith.constant dense<0.000000e+00> : vector<1000x256xf32>
    %dot_general3A_36 = tpu.matmul %get3A_31, %get3A_34, %dot_general3A_35 {dimension_numbers = #tpu.dot_dimension_numbers<[1], [0], [0], [1], [0, 0, 1, 1], [], []>, transpose_lhs_hint = false} : vector<1000x128xf32>, vector<128x256xf32>, vector<1000x256xf32> -> vector<1000x256xf32>
    %add3A_37 = arith.addf %add3A_28, %dot_general3A_36 : vector<1000x256xf32>
    %get3A_38 = arith.constant 0 : index
    %get3A_39 = arith.constant 0 : index
    %get3A_40 = vector.load %arg8[%get3A_38, %get3A_39] : memref<1x256xf32, #tpu.memory_space<vmem>>, vector<1x256xf32>
    %add3A_41 = vector.broadcast %get3A_40 : vector<1x256xf32> to vector<1000x256xf32>
    %add3A_42 = arith.addf %add3A_37, %add3A_41 : vector<1000x256xf32>
    %swap3A = arith.constant 0 : index
    %swap3A_43 = arith.constant 0 : index
    %swap3A_44 = vector.load %arg9[%swap3A, %swap3A_43] : memref<1000x256xf32, #tpu.memory_space<vmem>>, vector<1000x256xf32>
    tpu.vector_store %arg9[%swap3A, %swap3A_43], %add3A_42 {strides = array<i32>} : memref<1000x256xf32, #tpu.memory_space<vmem>>, vector<1000x256xf32>,
    %reduce_sum3A = arith.constant dense<0.000000e+00> : vector<256xf32>
    %reduce_sum3A_45 = vector.multi_reduction <add>, %add3A_42, %reduce_sum3A [0] : vector<1000x256xf32> to vector<256xf32>
    %broadcast_in_dim3A = vector.shape_cast %reduce_sum3A_45 : vector<256xf32> to vector<1x256xf32>
    %mul3A_46 = arith.mulf %add3A_42, %add3A_42 : vector<1000x256xf32>
    %reduce_sum3A_47 = arith.constant dense<0.000000e+00> : vector<256xf32>
    %reduce_sum3A_48 = vector.multi_reduction <add>, %mul3A_46, %reduce_sum3A_47 [0] : vector<1000x256xf32> to vector<256xf32>
    %broadcast_in_dim3A_49 = vector.shape_cast %reduce_sum3A_48 : vector<256xf32> to vector<1x256xf32>
    %broadcast_in_dim3A_50 = arith.constant 0.000000e+00 : f32
    %broadcast_in_dim3A_51 = vector.broadcast %broadcast_in_dim3A_50 : f32 to vector<6x256xf32>
    %concatenate3A = tpu.concatenate %broadcast_in_dim3A, %broadcast_in_dim3A_49, %broadcast_in_dim3A_51 in 0 : vector<1x256xf32>, vector<1x256xf32>, vector<6x256xf32> -> vector<8x256xf32>
    %eq3A = arith.constant 0 : i32
    %eq3A_52 = arith.cmpi eq, %arg0, %eq3A : i32
    %convert_element_type3A = arith.extui %eq3A_52 : i1 to i32
    %cond3A = arith.constant 0 : i32
    %cond3A_53 = arith.cmpi ne, %convert_element_type3A, %cond3A : i32
    scf.if %cond3A_53 {
      %swap3A_58 = arith.constant 0 : index
      %swap3A_59 = arith.constant 0 : index
      %swap3A_60 = vector.load %arg10[%swap3A_58, %swap3A_59] : memref<8x256xf32, #tpu.memory_space<vmem>>, vector<8x256xf32>
      tpu.vector_store %arg10[%swap3A_58, %swap3A_59], %concatenate3A {strides = array<i32>} : memref<8x256xf32, #tpu.memory_space<vmem>>, vector<8x256xf32>,
    } else {
    }
    %gt3A = arith.constant 0 : i32
    %gt3A_54 = arith.cmpi sgt, %arg0, %gt3A : i32
    %convert_element_type3A_55 = arith.extui %gt3A_54 : i1 to i32
    %cond3A_56 = arith.constant 0 : i32
    %cond3A_57 = arith.cmpi ne, %convert_element_type3A_55, %cond3A_56 : i32
    scf.if %cond3A_57 {
      %get3A_58 = arith.constant 0 : index
      %get3A_59 = arith.constant 0 : index
      %get3A_60 = vector.load %arg10[%get3A_58, %get3A_59] : memref<8x256xf32, #tpu.memory_space<vmem>>, vector<8x256xf32>
      %add3A_61 = arith.addf %get3A_60, %concatenate3A : vector<8x256xf32>
      %swap3A_62 = arith.constant 0 : index
      %swap3A_63 = arith.constant 0 : index
      %swap3A_64 = vector.load %arg10[%swap3A_62, %swap3A_63] : memref<8x256xf32, #tpu.memory_space<vmem>>, vector<8x256xf32>
      tpu.vector_store %arg10[%swap3A_62, %swap3A_63], %add3A_61 {strides = array<i32>} : memref<8x256xf32, #tpu.memory_space<vmem>>, vector<8x256xf32>,
    } else {
    }
    return
  }
  func.func @transform_0(%arg0: i32) -> (i32, i32) {
    %c0_i32 = arith.constant 0 : i32
    %c0_i32_0 = arith.constant 0 : i32
    return %arg0, %c0_i32 : i32, i32
  }
  func.func @transform_1(%arg0: i32) -> (i32, i32) {
    %c0_i32 = arith.constant 0 : i32
    %c0_i32_0 = arith.constant 0 : i32
    return %arg0, %c0_i32 : i32, i32
  }
  func.func @transform_2(%arg0: i32) -> (i32, i32) {
    %c0_i32 = arith.constant 0 : i32
    %c0_i32_0 = arith.constant 0 : i32
    return %arg0, %c0_i32 : i32, i32
  }
  func.func @transform_3(%arg0: i32) -> (i32, i32) {
    %c0_i32 = arith.constant 0 : i32
    %c0_i32_0 = arith.constant 0 : i32
    return %arg0, %c0_i32 : i32, i32
  }
  func.func @transform_4(%arg0: i32) -> (i32, i32) {
    %c0_i32 = arith.constant 0 : i32
    %c0_i32_0 = arith.constant 0 : i32
    return %arg0, %c0_i32 : i32, i32
  }
  func.func @transform_5(%arg0: i32) -> (i32, i32) {
    %c0_i32 = arith.constant 0 : i32
    %c0_i32_0 = arith.constant 0 : i32
    %c0_i32_1 = arith.constant 0 : i32
    return %c0_i32, %c0_i32_0 : i32, i32
  }
  func.func @transform_6(%arg0: i32) -> (i32, i32) {
    %c0_i32 = arith.constant 0 : i32
    %c0_i32_0 = arith.constant 0 : i32
    %c0_i32_1 = arith.constant 0 : i32
    return %c0_i32, %c0_i32_0 : i32, i32
  }
  func.func @transform_7(%arg0: i32) -> (i32, i32) {
    %c0_i32 = arith.constant 0 : i32
    %c0_i32_0 = arith.constant 0 : i32
    %c0_i32_1 = arith.constant 0 : i32
    return %c0_i32, %c0_i32_0 : i32, i32
  }
  func.func @transform_8(%arg0: i32) -> (i32, i32) {
    %c0_i32 = arith.constant 0 : i32
    %c0_i32_0 = arith.constant 0 : i32
    return %arg0, %c0_i32 : i32, i32
  }
  func.func @transform_9(%arg0: i32) -> (i32, i32) {
    %c0_i32 = arith.constant 0 : i32
    %c0_i32_0 = arith.constant 0 : i32
    %c0_i32_1 = arith.constant 0 : i32
    return %c0_i32, %c0_i32_0 : i32, i32
  }
}

</mosaic_0001>

<sc_bundles>
// kernel: kernel.10.cloned.1.call-start
scs
__scs_entry_jumppad:
0x0: {  	(pc) =	sbr.rel $0x88, $3  }
0x1: {  	(tag) =	ssettag $0x0;
	lr =	simm.s32 $0x1  }
0x2: {  	[smem:$0x3F92] =	sst lr;
	_ =	strace $0xD0000000  }
0x3: {  	_ = 	snop  }
0x4: {  	_ = 	snop  }
0x5: {  	_ = 	snop  }
0x6: {  	_ = 	snop  }
0x7: {  	_ = 	snop  }
__scs_overlays_trampoline_lowered:
0x8: {  	[smem:$0x3FA1] =	sst s0  }
0x9: {  	[smem:$0x3FA2] =	sst s1  }
0xa: {  	[smem:$0x3FA3] =	sst s2  }
0xb: {  	[smem:$0x3FA4] =	sst s3  }
0xc: {  	[smem:$0x3FA5] =	sst s4  }
0xd: {  	[smem:$0x3FA6] =	sst s5  }
0xe: {  	[smem:$0x3FA7] =	sst s6  }
0xf: {  	[smem:$0x3FA8] =	sst s7  }
0x10: {  	[smem:$0x3FA9] =	sst s8  }
0x11: {  	[smem:$0x3FAA] =	sst s9;
	s0 =	simm.s32 @!p0 $0x0  }
0x12: {  	s1 =	sld [smem:$0x3F90];
	s0 =	simm.s32 @p0 $0x1  }
0x13: {  	[smem:$0x3FAB] =	sst s0;
	s0 =	simm.s32 @!p1 $0x0  }
0x14: {  	s2 =	sld [smem:$0x3F8F];
	s0 =	simm.s32 @p1 $0x1  }
0x15: {  	[smem:$0x3FAC] =	sst s0;
	s0 =	simm.s32 @!p2 $0x0  }
0x16: {  	s3 =	sld [smem:$0x3FDB];
	s0 =	simm.s32 @p2 $0x1  }
0x17: {  	s4 =	simm.s32 $0x1BF5;
	[smem:$0x3FAE] =	sst s0  }
0x18: {  	s0 =	sld [smem:$0x3F91];
	_ =	swait.ge [sflag:s4], $0x0  }
0x19: {  	s7 =	sld [smem:$0x3F92]  }
0x1a: {  	s8 =	sadd.s32 $0xFFFFE003, lr  }
0x1b: {  	s9 =	sadd.s32 $0xFFFFFEF7, lr;
	s5 =	simm.s32 $0xFFFFFFFF;
	p2 =	slt.u32 s8, $0xFFFFF086  }
0x1c: {  	p1 =	slt.u32 s9, $0xF7A;
	s5 =	simm.s32 @!p2 $0x0  }
0x1d: {  	s5 =	simm.s32 @p1 $0x1;
	p0 =	seq.s32 s7, s2  }
0x1e: {  	s7 =	smul.u32 @!p0 $0xF7A, s2;
	p2 =	seq.s32 @!p0 s5, $0x0  }
0x1f: {  	s9 =	smul.u32 $0xF7A, s1;
	s8 =	simm.s32 @!p0 $0x1BF5;
	p2 =	por !p2, p0  }
0x20: {  	[sflag:s8] =	ssyncset.s32 @!p0 $0xFFFFF086;
	s6 =	sadd.s32 @!p0 s3, s7;
	s7 =	simm.s32 @!p0 $0x108  }
0x21: {  	s3 =	sadd.s32 s3, s9;
	s6 =	sadd.s32 @!p0 $0x88, s6;
	s7 =	simm.s32 @p2 $0x1082  }
0x22: {  	[simem:s7], [sflag:s8] =	dma.local @!p0 [hbm:s6], $0xF7A  }
0x23: {  	s9 =	sor.u32 $0xD0000000, s2;
	s6 =	simm.s32 $0x108;
	_ =	swait.ge @!p0 [sflag:s8], $0x0  }
0x24: {  	s3 =	sadd.s32 $0x88, s3;
	s6 =	simm.s32 @!p1 $0x1082;
	[sflag:s4] =	ssyncset.s32 $0xFFFFF086  }
0x25: {  	[simem:s6], [sflag:s4] =	dma.local [hbm:s3], $0xF7A  }
0x26: {  	[smem:$0x3F92] =	sst s1;
	(tag) =	ssettag s2;
	_ =	strace s9  }
0x27: {  	s1 =	sld [smem:$0x3FA2]  }
0x28: {  	s2 =	sld [smem:$0x3FA3]  }
0x29: {  	s4 =	sld [smem:$0x3FA5]  }
0x2a: {  	p0 =	seq.s32 s5, $0x0;
	s5 =	sld [smem:$0x3FA6]  }
0x2b: {  	s6 =	sld [smem:$0x3FA7]  }
0x2c: {  	s7 =	sld [smem:$0x3FA8]  }
0x2d: {  	s3 =	simm.s32 $0x108;
	s8 =	sld [smem:$0x3FA9]  }
0x2e: {  	s3 =	simm.s32 @!p0 $0x1082;
	s9 =	sld [smem:$0x3FAA]  }
0x2f: {  	lr =	sadd.s32 s0, s3;
	s0 =	sld [smem:$0x3FA1]  }
0x30: {  	s3 =	sld [smem:$0x3FA4]  }
0x31: {  	[smem:$0x3FAD] =	sst s10  }
0x32: {  	s10 =	sld [smem:$0x3FAB];
	_ =	sdelay $0x3  }
0x33: {  	p0 =	seq.s32 s10, $0x1;
	s10 =	sld [smem:$0x3FAD];
	_ =	sdelay $0x3  }
0x34: {  	[smem:$0x3FAD] =	sst s10  }
0x35: {  	s10 =	sld [smem:$0x3FAC];
	_ =	sdelay $0x3  }
0x36: {  	p1 =	seq.s32 s10, $0x1;
	s10 =	sld [smem:$0x3FAD];
	_ =	sdelay $0x3  }
0x37: {  	[smem:$0x3FAD] =	sst s10  }
0x38: {  	s10 =	sld [smem:$0x3FAE]  }
0x39: {  	_ = 	snop;
	(pc) =	sbr.ind lr, $3  }
0x3a: {  	_ = 	snop  }
0x3b: {  	_ = 	snop  }
0x3c: {  	p2 =	seq.s32 s10, $0x1;
	s10 =	sld [smem:$0x3FAD]  }
0x3d: {  	_ =	shalt  }
0x3e: {  	_ =	shalt  }
0x3f: {  	_ =	shalt  }
0x40: {  	_ =	shalt  }
0x41: {  	_ =	shalt  }
0x42: {  	_ =	shalt  }
0x43: {  	_ =	shalt  }
0x44: {  	_ =	shalt  }
0x45: {  	_ =	shalt  }
0x46: {  	_ =	shalt  }
0x47: {  	_ =	shalt  }
0x48: {  	_ =	shalt  }
0x49: {  	_ =	shalt  }
0x4a: {  	_ =	shalt  }
0x4b: {  	_ =	shalt  }
0x4c: {  	_ =	shalt  }
0x4d: {  	_ =	shalt  }
0x4e: {  	_ =	shalt  }
0x4f: {  	_ =	shalt  }
0x50: {  	_ =	shalt  }
0x51: {  	_ =	shalt  }
0x52: {  	_ =	shalt  }
0x53: {  	_ =	shalt  }
0x54: {  	_ =	shalt  }
0x55: {  	_ =	shalt  }
0x56: {  	_ =	shalt  }
0x57: {  	_ =	shalt  }
0x58: {  	_ =	shalt  }
0x59: {  	_ =	shalt  }
0x5a: {  	_ =	shalt  }
0x5b: {  	_ =	shalt  }
0x5c: {  	_ =	shalt  }
0x5d: {  	_ =	shalt  }
0x5e: {  	_ =	shalt  }
0x5f: {  	_ =	shalt  }
0x60: {  	_ =	shalt  }
0x61: {  	_ =	shalt  }
0x62: {  	_ =	shalt  }
0x63: {  	_ =	shalt  }
0x64: {  	_ =	shalt  }
0x65: {  	_ =	shalt  }
0x66: {  	_ =	shalt  }
0x67: {  	_ =	shalt  }
0x68: {  	_ =	shalt  }
0x69: {  	_ =	shalt  }
0x6a: {  	_ =	shalt  }
0x6b: {  	_ =	shalt  }
0x6c: {  	_ =	shalt  }
0x6d: {  	_ =	shalt  }
0x6e: {  	_ =	shalt  }
0x6f: {  	_ =	shalt  }
0x70: {  	_ =	shalt  }
0x71: {  	_ =	shalt  }
0x72: {  	_ =	shalt  }
0x73: {  	_ =	shalt  }
0x74: {  	_ =	shalt  }
0x75: {  	_ =	shalt  }
0x76: {  	_ =	shalt  }
0x77: {  	_ =	shalt  }
0x78: {  	_ =	shalt  }
0x79: {  	_ =	shalt  }
0x7a: {  	_ =	shalt  }
0x7b: {  	_ =	shalt  }
0x7c: {  	_ =	shalt  }
0x7d: {  	_ =	shalt  }
0x7e: {  	_ =	shalt  }
0x7f: {  	_ =	shalt  }
0x80: {  	_ =	shalt  }
0x81: {  	_ =	shalt  }
0x82: {  	_ =	shalt  }
0x83: {  	_ =	shalt  }
0x84: {  	_ =	shalt  }
0x85: {  	_ =	shalt  }
0x86: {  	_ =	shalt  }
0x87: {  	_ =	shalt  }
.Lfunc_end0:
.L_simem_size_0:
called_computation_lowered:
.L_overlay_start_0:
0x88: {  	s2 =	sld [smem:$0x3FD9]  }
0x89: {  	s3 =	sld [smem:$0x3FFE];
	_ =	sdelay $0x1  }
0x8a: {  	s1 =	srdreg.scid  }
0x8b: {  	s0 =	sand.u32 $0x1, s1  }
0x8c: {  	s17 =	sshll.u32 s0, $0xA;
	s2 =	sadd.s32 s3, s2  }
0x8d: {  	s2 =	sadd.s32 s2, s17  }
0x8e: {  	[smem:$0x3FB9] =	sst s2  }
0x8f: {  	_ = 	snop  }
0x90: {  	s2 =	sld [smem:$0x3FD0];
	(tm) =	ssettm $0x1  }
0x91: {  	s18 =	sld [smem:$0x3FFB];
	_ =	sdelay $0x3  }
0x92: {  	_ =	strace s18  }
0x93: {  	s3 =	sld [smem:$0x3FFC];
	_ =	sdelay $0x3  }
0x94: {  	_ =	strace s3  }
0x95: {  	s3 =	sld [smem:$0x3FFD];
	_ =	sdelay $0x3  }
0x96: {  	_ =	strace s3  }
0x97: {  	_ =	strace $0x8FFFFFFF  }
0x98: {  	s19 =	sld [smem:$0x3FDB];
	_ =	sdelay $0x1  }
0x99: {  	s4 =	simm.s32 $_scs_section_size  }
0x9a: {  	s5 =	simm.s32 $_size__tile_overlayer_lowered;
	s6 =	simm.s32 $_tile_overlayer_lowered  }
0x9b: {  	s22 =	simm.s32 $0x1BFF;
	s21 =	sshll.u32 s6, $0x1;
	s3 =	sadd.s32 s4, s19  }
0x9c: {  	s7 =	simm.s32 $0x0;
	s20 =	sshll.u32 s5, $0x1;
	s5 =	sadd.s32 s21, s3  }
0x9d: {  	[timem:s7], [sflag:s22] =	dma.local [hbm:s5], s20  }
0x9e: {  	_ =	swait.ge [sflag:s22], s20  }
0x9f: {  	s4 =	ssub.s32 $0x0, s20;
	[sflag:s22] =	ssyncset.done $0x0  }
0xa0: {  	[sflag:s22] =	ssyncadd.s32 s4;
	_ =	sdelay $0x1  }
0xa1: {  	s23 =	simm.s32 $0x1B8B  }
0xa2: {  	_ =	swait.ge [sflag:s23], $0x1  }
0xa3: {  	[sflag:s23] =	ssyncset.done $0x0  }
0xa4: {  	s25 =	simm.s32 $0x1B8E;
	s24 =	sld [smem:$0x3FFE];
	[sflag:s23] =	ssyncadd.s32 $0xFFFFFFFF  }
0xa5: {  	s26 =	simm.s32 $execute0_lowered;
	[smem:$0x3FD2] =	sst s25  }
0xa6: {  	s5 =	sshll.u32 s26, $0x1;
	_ =	strace $0x80000046;
	[dreg:$0x1] =	wrdreg $0xFFFFFFFF  }
0xa7: {  	s28 =	simm.s32 $_size_execute0_lowered;
	s3 =	sadd.s32 s3, s5;
	[dreg:$0x0] =	wrdreg $0x0  }
0xa8: {  	s5 =	sshll.u32 s28, $0x1;
	[dreg:$0x2] =	wrdreg s3  }
0xa9: {  	[dreg:$0x3] =	wrdreg s5  }
0xaa: {  	[dreg:$0x4] =	wrdreg $0xC0  }
0xab: {  	_ =	task [dreg:s7], $0x5FFFF  }
0xac: {  	[dreg:$0x1] =	wrdreg $0xFFFFFFFF  }
0xad: {  	[dreg:$0x0] =	wrdreg $0x60  }
0xae: {  	[dreg:$0x2] =	wrdreg s2  }
0xaf: {  	[dreg:$0x3] =	wrdreg s24  }
0xb0: {  	[dreg:$0x4] =	wrdreg $0x0  }
0xb1: {  	[dreg:$0x5] =	wrdreg $0x1F8000  }
0xb2: {  	[dreg:$0x6] =	wrdreg $0x9  }
0xb3: {  	_ =	task.clear_ibuf [dreg:s7], $0x7FFFF;
	_ =	strace $0x90000046  }
0xb4: {  	s29 =	simm.s32 $0x9;
	_ =	strace $0x80000048  }
0xb5: {  	_ =	swait.ge [sflag:s29], $0x1  }
0xb6: {  	[sflag:s29] =	ssyncadd.s32 $0xFFFFFFFF  }
0xb7: {  	_ =	strace $0x90000048  }
0xb8: {  	_ =	sfence  }
0xb9: {  	s30 =	sld [smem:$0x0];
	_ =	sdelay $0x2  }
0xba: {  	s31 =	sshll.u32 s1, $0xD;
	s1 =	sshrl.u32 s1, $0x2  }
0xbb: {  	s3 =	sand.u32 $0x4000, s31;
	s1 =	sadd.s32 s1, s30  }
0xbc: {  	s0 =	sor.u32 s3, s0;
	s1 =	sshll.u32 s1, $0x11  }
0xbd: {  	s0 =	sor.u32 s1, s0  }
0xbe: {  	s0 =	sadd.s32 $0x8F2B, s0  }
0xbf: {  	[sflag:s0] =	ssyncadd.remote.s32 $0x1  }
0xc0: {  	_ =	sfence.sel $0xFFFF  }
0xc1: {  	[dreg:$0x0] =	wrdreg $0xFFFFFFFF;
	(pc) =	sbr.abs _section_cstart, $3  }
0xc2: {  	[dreg:$0x1] =	wrdreg $0xFFFFFFFF  }
0xc3: {  	_ =	task.clear_ibuf [dreg:s7], $0x2FFFF;
	_ =	strace $0x9FFFFFFF  }
0xc4: {  	(tm) =	ssettm $0x7FFFFFFF  }
0xc5: {  	_ =	shalt  }
tec
execute0_lowered:
.L_overlay_start_1:
0x0: {  	(tag) =	ssettag $0x1  }
0x1: {  	s2 =	rddreg [dreg:$0x0]  }
0x2: {  	s0 =	rddreg [dreg:$0x1]  }
0x3: {  	s3 =	rddreg [dreg:$0x2];
	s19 =	stileid.u32  }
0x4: {  	s4 =	rddreg [dreg:$0x3];
	s1 =	smul.u32 $0x4EC, s19  }
0x5: {  	s5 =	simm.s32 $0x0;
	s10 =	srdreg.scid;
	s7 =	smul.u32 $0x690, s19  }
0x6: {  	s29 =	simm.s32 $0x19800;
	s30 =	simm.s32 $0x2;
	s8 =	smul.u32 $0x2780, s19  }
0x7: {  	[smem:$0x7FF] =	sst s5;
	s6 =	sadd.s32 $0xCC00, s0;
	s9 =	smul.u32 $0x278, s19  }
0x8: {  	s10 =	sand.u32 $0x1, s10;
	s11 =	smul.u32 $0x4F000, s19;
	p2 =	sgt.u32 s19, $0x7  }
0x9: {  	s23 =	sadd.s32 $0x85C80, s0;
	s24 =	sadd.s32 $0x398A1, s0;
	s28 =	sadd.s32 $0x2508, s4  }
0xa: {  	_ =	strace $0x80000047;
	s31 =	ssub.s32 $0x2, s10;
	[dreg:$0xb] =	wrdreg s23  }
0xb: {  	p1 =	seq.s32 s10, $0x0;
	[dreg:$0xc] =	wrdreg s24;
	s1 =	sadd.s32 s1, s0  }
0xc: {  	s16 =	sadd.s32 s7, s0;
	s8 =	sadd.s32 s8, s0;
	s12 =	sshrl.u32 s9, $0x3  }
0xd: {  	s13 =	sshrl.u32 s31, $0x1;
	s11 =	sshrl.u32 s11, $0x2;
	p0 =	por !p1, !p1  }
0xe: {  	s17 =	sadd.s32 s12, s0;
	s18 =	ssub.s32 s31, s13;
	s7 =	sadd.s32 s11, s3  }
0xf: {  	p0 =	por @!p2 p1, p1;
	s16 =	sadd.s32 $0x6200, s16;
	s21 =	sadd.s32 $0x60C00, s8  }
0x10: {  	s25 =	sadd.s32 $0x39A00, s8;
	p1 =	sne.s32 s10, $0x0;
	s31 =	sadd.s32 $0x5EA80, s0  }
0x11: {  	s0 =	sadd.s32 $0x392A1, s0;
	p2 =	seq.s32 s19, $0xF;
	[dreg:$0x9] =	wrdreg s21  }
0x12: {  	s19 =	simm.s32 $0x1;
	s11 =	sadd.s32 $0x3000, s7;
	[dreg:$0xd] =	wrdreg s25  }
0x13: {  	s14 =	sadd.s32 $0x6000, s7;
	s15 =	sadd.s32 $0x9000, s7;
	[dreg:$0xf] =	wrdreg s31  }
0x14: {  	s20 =	sadd.s32 $0xC000, s7;
	s12 =	sadd.s32 $0xF000, s7;
	[dreg:$0x10] =	wrdreg s0  }
0x15: {  	s13 =	sadd.s32 $0x12000, s7;
	s22 =	sadd.s32 $0x39400, s17;
	[dreg:$0x5] =	wrdreg s11  }
.Ltmp0:
0x16: {  	s26 =	sadd.s32 $0x38E00, s17;
	[dreg:$0x6] =	wrdreg s14;
	(pc) =	sbr.rel .LBB2_1-.Ltmp0, $4  }
0x17: {  	s25 =	smax.u32 s18, $0x1;
	s0 =	simm.s32 $0x13C00;
	[dreg:$0x7] =	wrdreg s15  }
0x18: {  	s18 =	simm.s32 $0x60;
	s21 =	simm.s32 $0x0;
	[dreg:$0x8] =	wrdreg s20  }
0x19: {  	s14 =	sadd.s32 s9, s4;
	s15 =	sadd.s32 $0x33E00, s1;
	[dreg:$0xa] =	wrdreg s22  }
0x1a: {  	v0 =	vimm.f32 $0.0e+00;
	v1 =	vimm.f32 $1.000000000e+00;
	[dreg:$0xe] =	wrdreg s26;
	s26 =	sadd.s32 $0x128400, s3;
	s20 =	simm.s32 $0x3  }
.LBB2_9:
0x1b: {  	[sflag:s24] =	ssyncadd.s32 @p0 $0xFFFFFFA0  }
0x1c: {  	_ =	swait.ge [sflag:s19], $0x3000  }
0x1d: {  	[sflag:s19] =	ssyncset.done $0x0  }
0x1e: {  	s8 =	simm.s32 $0x19780;
	[sflag:s19] =	ssyncadd.s32 $0xFFFFD000  }
0x1f: {  	[spmem:s3] =	stream.indirect.scatter.add.f32 [tilespmem:s29], [sflag:$0x3], $0x80, s8, s18, $0xb8;
	[tilespmem:$0x1FD78] =	vst v63  }
0x20: {  	_ =	swait.ge [sflag:s20], $0x3000  }
0x21: {  	[sflag:s20] =	ssyncset.done $0x0  }
0x22: {  	s8 =	simm.s32 @p0 $0x19780;
	[sflag:s20] =	ssyncadd.s32 $0xFFFFD000  }
0x23: {  	[spmem:s4] =	stream.indirect.scatter.add.f32 @p0 [tilespmem:s1], [sflag:$0x2], $0x1, s8, s31, $0xb8;
	[tilespmem:$0x1FD78] =	vst v63  }
0x24: {  	_ =	swait.ge @p0 [sflag:s24], $0x60  }
0x25: {  	[sflag:s24] =	ssyncset.done @p0 $0x0  }
0x26: {  	[sflag:s24] =	ssyncadd.s32 @p0 $0xFFFFFFA0  }
0x27: {  	[bflag:$0x0] =	sbarrier.arrive $0xFFFF  }
0x28: {  	s1 =	simm.s32 @p2 $0x1FC2;
	s8 =	rddreg [dreg:$0xb]  }
0x29: {  	[hbm:s8], [sflag:s1] =	dma.local @p2 [spmem:s23], $0x2080  }
0x2a: {  	s1 =	simm.s32 @p2 $0x2  }
0x2b: {  	_ =	swait.ge @p2 [sflag:s1], $0x2080  }
0x2c: {  	[sflag:s1] =	ssyncset.done @p2 $0x0  }
0x2d: {  	s8 =	simm.s32 @p2 $0x1FA78;
	[sflag:s1] =	ssyncadd.s32 @p2 $0xFFFFDF80  }
0x2e: {  	[tilespmem:s8], [sflag:$0x2] =	stream.linear.gather @p2 [spmem:s28], $0x208, $0x38;
	[tilespmem:$0x1FD78] =	vst v63  }
0x2f: {  	_ =	swait.ge @p2 [sflag:s1], $0x208  }
0x30: {  	[sflag:s1] =	ssyncset.done @p2 $0x0  }
0x31: {  	s9 =	simm.s32 @p2 $0x0;
	s10 =	rddreg [dreg:$0xc];
	[sflag:s1] =	ssyncadd.s32 @p2 $0xFFFFFDF8  }
0x32: {  	[hbm4b:s10+s9] =	stream.linear.scatter @p2 [tilespmem:s8], [sflag:$0x2], $0x208, $0x38;
	[tilespmem:$0x1FD78] =	vst v63  }
0x33: {  	_ =	swait.ge @p2 [sflag:s1], $0x208  }
0x34: {  	[sflag:s1] =	ssyncset.done @p2 $0x0  }
0x35: {  	[sflag:s1] =	ssyncadd.s32 @p2 $0xFFFFFDF8;
	s1 =	rddreg [dreg:$0x9]  }
0x36: {  	[hbm:s1], [sflag:s17] =	dma.local @!p2 [spmem:s22], $0x2780  }
0x37: {  	s1 =	simm.s32 @!p2 $0x2  }
0x38: {  	_ =	swait.ge @!p2 [sflag:s1], $0x2780  }
0x39: {  	[sflag:s1] =	ssyncset.done @!p2 $0x0  }
0x3a: {  	s8 =	simm.s32 @!p2 $0x1FA78;
	[sflag:s1] =	ssyncadd.s32 @!p2 $0xFFFFD880  }
0x3b: {  	[tilespmem:s8], [sflag:$0x2] =	stream.linear.gather @!p2 [spmem:s14], $0x278, $0x38;
	[tilespmem:$0x1FD78] =	vst v63  }
0x3c: {  	_ =	swait.ge @!p2 [sflag:s1], $0x278  }
0x3d: {  	[sflag:s1] =	ssyncset.done @!p2 $0x0  }
0x3e: {  	s9 =	simm.s32 @!p2 $0x0;
	s10 =	rddreg [dreg:$0xa];
	[sflag:s1] =	ssyncadd.s32 @!p2 $0xFFFFFD88  }
0x3f: {  	[hbm4b:s10+s9] =	stream.linear.scatter @!p2 [tilespmem:s8], [sflag:$0x2], $0x278, $0x38;
	[tilespmem:$0x1FD78] =	vst v63  }
0x40: {  	_ =	swait.ge @!p2 [sflag:s1], $0x278  }
0x41: {  	[sflag:s1] =	ssyncset.done @!p2 $0x0  }
0x42: {  	[sflag:s1] =	ssyncadd.s32 @!p2 $0xFFFFFD88  }
.LBB2_10:
0x43: {  	s21 =	sadd.s32 $0x1, s21  }
0x44: {  	p3 =	sne.s32 s21, s25  }
.Ltmp1:
0x45: {  	_ = 	snop;
	(pc) =	sbr.rel @!p3 .LBB2_11-.Ltmp1, $1  }
0x46: {  	_ =	sdelay $0x3  }
.LBB2_1:
0x47: {  	s1 =	sand.u32 $0xFE00, s5  }
0x48: {  	s8 =	sand.u32 $0x70, s5;
	s9 =	sshrl.u32 s1, $0x2  }
0x49: {  	s1 =	simm.s32 $0x40;
	s9 =	sor.u32 s8, s9;
	s8 =	simm.s32 $0x0  }
.LBB2_2:
0x4a: {  	p3 =	sne.s32 s1, $0xBFC0  }
0x4b: {  	[tilespmem:s9+$0x19800] =	vst v0;
	s8 =	sadd.s32 $0x10, s8;
	s9 =	smov.u32 s1;
	s1 =	sadd.s32 $0x40, s1  }
.Ltmp2:
0x4c: {  	(pc) =	sbr.rel @p3 .LBB2_2-.Ltmp2, $4  }
0x4d: {  	_ = 	snop  }
0x4e: {  	s9 =	sand.u32 $0xFE00, s9  }
0x4f: {  	s10 =	sand.u32 $0x70, s8;
	s9 =	sshrl.u32 s9, $0x2  }
0x50: {  	s9 =	sor.u32 s10, s9  }
0x51: {  	[tilespmem:s9+$0x19800] =	vst v0  }
0x52: {  	[spmem:s7] =	stream.linear.scatter [tilespmem:s29], [sflag:$0x2], $0x3000, $0x38;
	[tilespmem:$0x1FD78] =	vst v63  }
0x53: {  	_ =	swait.ge [sflag:s30], $0x3000  }
0x54: {  	[sflag:s30] =	ssyncset.done $0x0  }
0x55: {  	s1 =	rddreg [dreg:$0x5];
	[sflag:s30] =	ssyncadd.s32 $0xFFFFD000  }
0x56: {  	[spmem:s1] =	stream.linear.scatter [tilespmem:s29], [sflag:$0x2], $0x3000, $0x38;
	[tilespmem:$0x1FD78] =	vst v63  }
0x57: {  	_ =	swait.ge [sflag:s30], $0x3000  }
0x58: {  	[sflag:s30] =	ssyncset.done $0x0  }
0x59: {  	s17 =	rddreg [dreg:$0x6];
	[sflag:s30] =	ssyncadd.s32 $0xFFFFD000  }
0x5a: {  	[spmem:s17] =	stream.linear.scatter [tilespmem:s29], [sflag:$0x2], $0x3000, $0x38;
	[tilespmem:$0x1FD78] =	vst v63  }
0x5b: {  	_ =	swait.ge [sflag:s30], $0x3000  }
0x5c: {  	[sflag:s30] =	ssyncset.done $0x0  }
0x5d: {  	s22 =	rddreg [dreg:$0x7];
	[sflag:s30] =	ssyncadd.s32 $0xFFFFD000  }
0x5e: {  	[spmem:s22] =	stream.linear.scatter [tilespmem:s29], [sflag:$0x2], $0x3000, $0x38;
	[tilespmem:$0x1FD78] =	vst v63  }
0x5f: {  	_ =	swait.ge [sflag:s30], $0x3000  }
0x60: {  	[sflag:s30] =	ssyncset.done $0x0  }
0x61: {  	s23 =	rddreg [dreg:$0x8];
	[sflag:s30] =	ssyncadd.s32 $0xFFFFD000  }
0x62: {  	[spmem:s23] =	stream.linear.scatter [tilespmem:s29], [sflag:$0x2], $0x3000, $0x38;
	[tilespmem:$0x1FD78] =	vst v63  }
0x63: {  	_ =	swait.ge [sflag:s30], $0x3000  }
0x64: {  	[sflag:s30] =	ssyncset.done $0x0  }
0x65: {  	[sflag:s30] =	ssyncadd.s32 $0xFFFFD000  }
0x66: {  	[spmem:s12] =	stream.linear.scatter [tilespmem:s29], [sflag:$0x2], $0x3000, $0x38;
	[tilespmem:$0x1FD78] =	vst v63  }
0x67: {  	_ =	swait.ge [sflag:s30], $0x3000  }
0x68: {  	[sflag:s30] =	ssyncset.done $0x0  }
0x69: {  	[sflag:s30] =	ssyncadd.s32 $0xFFFFD000  }
0x6a: {  	[spmem:s13] =	stream.linear.scatter [tilespmem:s29], [sflag:$0x2], $0x1C00, $0x38;
	[tilespmem:$0x1FD78] =	vst v63  }
0x6b: {  	_ =	swait.ge [sflag:s30], $0x1C00  }
0x6c: {  	[sflag:s30] =	ssyncset.done $0x0  }
0x6d: {  	[sflag:s30] =	ssyncadd.s32 $0xFFFFE400  }
0x6e: {  	[tilespmem:$0x1FA78] =	vst v0  }
0x6f: {  	[tilespmem:$0x1FA88] =	vst v0  }
0x70: {  	[tilespmem:$0x1FA98] =	vst v0  }
0x71: {  	[tilespmem:$0x1FAA8] =	vst v0  }
0x72: {  	[tilespmem:$0x1FAB8] =	vst v0  }
0x73: {  	[tilespmem:$0x1FAC8] =	vst v0  }
0x74: {  	[tilespmem:$0x1FAD8] =	vst v0  }
0x75: {  	[tilespmem:$0x1FAE8] =	vst v0  }
0x76: {  	[tilespmem:$0x1FAF8] =	vst v0  }
0x77: {  	[tilespmem:$0x1FB08] =	vst v0  }
0x78: {  	[tilespmem:$0x1FB18] =	vst v0  }
0x79: {  	[tilespmem:$0x1FB28] =	vst v0  }
0x7a: {  	[tilespmem:$0x1FB38] =	vst v0  }
0x7b: {  	[tilespmem:$0x1FB48] =	vst v0  }
0x7c: {  	[tilespmem:$0x1FB58] =	vst v0  }
0x7d: {  	[tilespmem:$0x1FB68] =	vst v0  }
0x7e: {  	[tilespmem:$0x1FB78] =	vst v0  }
0x7f: {  	[tilespmem:$0x1FB88] =	vst v0  }
0x80: {  	[tilespmem:$0x1FB98] =	vst v0  }
0x81: {  	[tilespmem:$0x1FBA8] =	vst v0  }
0x82: {  	[tilespmem:$0x1FBB8] =	vst v0  }
0x83: {  	[tilespmem:$0x1FBC8] =	vst v0  }
0x84: {  	[tilespmem:$0x1FBD8] =	vst v0  }
0x85: {  	[tilespmem:$0x1FBE8] =	vst v0  }
0x86: {  	[tilespmem:$0x1FBF8] =	vst v0  }
0x87: {  	[tilespmem:$0x1FC08] =	vst v0  }
0x88: {  	[tilespmem:$0x1FC18] =	vst v0  }
0x89: {  	[tilespmem:$0x1FC28] =	vst v0  }
0x8a: {  	[tilespmem:$0x1FC38] =	vst v0  }
0x8b: {  	[tilespmem:$0x1FC48] =	vst v0  }
0x8c: {  	[tilespmem:$0x1FC58] =	vst v0  }
0x8d: {  	[tilespmem:$0x1FC68] =	vst v0  }
0x8e: {  	[tilespmem:$0x1FC78] =	vst v0  }
0x8f: {  	[tilespmem:$0x1FC88] =	vst v0  }
0x90: {  	[tilespmem:$0x1FC98] =	vst v0  }
0x91: {  	[tilespmem:$0x1FCA8] =	vst v0  }
0x92: {  	[tilespmem:$0x1FCB8] =	vst v0  }
0x93: {  	[tilespmem:$0x1FCC8] =	vst v0  }
0x94: {  	[tilespmem:$0x1FCD8] =	vst v0  }
0x95: {  	[tilespmem:$0x1FCE8] =	vst v0  }
0x96: {  	[tilespmem:$0x1FCF8] =	vst v1  }
0x97: {  	[tilespmem:$0x1FD08] =	vst v1  }
0x98: {  	[tilespmem:$0x1FD18] =	vst v1  }
0x99: {  	[tilespmem:$0x1FD28] =	vst v1  }
0x9a: {  	[tilespmem:$0x1FD38] =	vst v1  }
0x9b: {  	s24 =	simm.s32 $0x1FA78;
	[tilespmem:$0x1FD48] =	vst v1  }
0x9c: {  	[spmem:s14] =	stream.linear.scatter [tilespmem:s24], [sflag:$0x2], $0x278, $0x38;
	[tilespmem:$0x1FD78] =	vst v63  }
0x9d: {  	_ =	swait.ge [sflag:s30], $0x278  }
0x9e: {  	[sflag:s30] =	ssyncset.done $0x0  }
0x9f: {  	[sflag:s30] =	ssyncadd.s32 $0xFFFFFD88  }
0xa0: {  	[bflag:$0x0] =	sbarrier.arrive $0xFFFF  }
0xa1: {  	[tilespmem:s0], [sflag:$0x2] =	stream.linear.gather [hbm4b:s15+s5], $0x2760, $0x38;
	[tilespmem:$0x1FD78] =	vst v63  }
0xa2: {  	_ =	swait.ge [sflag:s30], $0x2760  }
0xa3: {  	s31 =	simm.s32 $0x16380;
	[sflag:s30] =	ssyncset.done $0x0  }
.Ltmp3:
0xa4: {  	s1 =	stileid.u32;
	[sflag:s30] =	ssyncadd.s32 $0xFFFFD8A0;
	(pc) =	sbr.rel @p1 .LBB2_7-.Ltmp3, $4  }
0xa5: {  	[tilespmem:s31], [sflag:$0x2] =	stream.linear.gather [hbm4b:s16+s5], $0x3480, $0x38;
	[tilespmem:$0x1FD78] =	vst v63  }
0xa6: {  	s1 =	sshll.u32 @!p2 s1, $0x6;
	_ =	swait.ge [sflag:s30], $0x3480  }
0xa7: {  	s17 =	sor.u32 @!p2 $0x1C02, s1;
	[sflag:s30] =	ssyncset.done $0x0  }
0xa8: {  	s22 =	sshrl.u32 @!p2 s7, $0x3;
	s23 =	sshrl.u32 @p2 s26, $0x3;
	[sflag:s30] =	ssyncadd.s32 $0xFFFFCB80  }
0xa9: {  	[tilespmem:s29], [sflag:$0x1] =	stream.indirect.gather [hbm4b:s2+s18], $0x80, s0, s18, $0xb8;
	[tilespmem:$0x1FD78] =	vst v63  }
0xaa: {  	s1 =	simm.s32 $0x1  }
0xab: {  	s1 =	sand.u32 $0x1, s1;
	_ =	swait.ge [sflag:s19], $0x3000  }
0xac: {  	p3 =	seq.s32 s1, $0x1;
	[sflag:s19] =	ssyncset.done $0x0;
	s1 =	simm.s32 $0x1C800  }
0xad: {  	s8 =	simm.s32 $0x13C60;
	[sflag:s19] =	ssyncadd.s32 $0xFFFFD000;
	s1 =	simm.s32 @!p3 $0x19800  }
0xae: {  	[tilespmem:s1], [sflag:$0x1] =	stream.indirect.gather [hbm4b:s2+s18], $0x80, s8, s18, $0xb8;
	[tilespmem:$0x1FD78] =	vst v63  }
0xaf: {  	s1 =	simm.s32 $0x19800  }
0xb0: {  	s8 =	simm.s32 $0x16380;
	s1 =	simm.s32 @!p3 $0x1C800  }
0xb1: {  	[spmem:s3] =	stream.indirect.scatter.add.f32 [tilespmem:s1], [sflag:$0x3], $0x80, s8, s18, $0xb8;
	[tilespmem:$0x1FD78] =	vst v63  }
0xb2: {  	_ =	swait.ge [sflag:s20], $0x3000  }
0xb3: {  	s24 =	simm.s32 @p0 $0x2;
	[sflag:s20] =	ssyncset.done $0x0  }
0xb4: {  	s31 =	simm.s32 @p0 $0x60;
	s1 =	simm.s32 @p0 $0x1FCF8;
	[sflag:s20] =	ssyncadd.s32 $0xFFFFD000  }
0xb5: {  	[spmem:s4] =	stream.indirect.scatter.add.f32 @p0 [tilespmem:s1], [sflag:$0x2], $0x1, s8, s31, $0xb8;
	[tilespmem:$0x1FD78] =	vst v63  }
0xb6: {  	_ =	swait.ge @p0 [sflag:s24], $0x60  }
0xb7: {  	s9 =	simm.s32 $0x2;
	s10 =	simm.s32 $0x13CC0;
	[sflag:s24] =	ssyncset.done @p0 $0x0  }
.LBB2_5:
0xb8: {  	[sflag:s24] =	ssyncadd.s32 @p0 $0xFFFFFFA0  }
0xb9: {  	s8 =	sadd.s32 $0x80, s8;
	s11 =	smov.u32 s9;
	s9 =	sadd.s32 $0x1, s9  }
0xba: {  	s11 =	sand.u32 $0x1, s11;
	_ =	swait.ge [sflag:s19], $0x3000;
	p3 =	sne.s32 s9, $0x69  }
0xbb: {  	p4 =	seq.s32 s11, $0x1;
	[sflag:s19] =	ssyncset.done $0x0;
	s11 =	simm.s32 $0x1C800  }
0xbc: {  	[sflag:s19] =	ssyncadd.s32 $0xFFFFD000;
	s11 =	simm.s32 @!p4 $0x19800  }
0xbd: {  	[tilespmem:s11], [sflag:$0x1] =	stream.indirect.gather [hbm4b:s2+s18], $0x80, s10, s18, $0xb8;
	[tilespmem:$0x1FD78] =	vst v63  }
0xbe: {  	s11 =	simm.s32 $0x19800  }
0xbf: {  	s11 =	simm.s32 @!p4 $0x1C800  }
0xc0: {  	[spmem:s3] =	stream.indirect.scatter.add.f32 [tilespmem:s11], [sflag:$0x3], $0x80, s8, s18, $0xb8;
	[tilespmem:$0x1FD78] =	vst v63  }
0xc1: {  	_ =	swait.ge [sflag:s20], $0x3000  }
.Ltmp4:
0xc2: {  	[sflag:s20] =	ssyncset.done $0x0;
	(pc) =	sbr.rel @p3 .LBB2_5-.Ltmp4, $4  }
0xc3: {  	[sflag:s20] =	ssyncadd.s32 $0xFFFFD000  }
0xc4: {  	[spmem:s4] =	stream.indirect.scatter.add.f32 @p0 [tilespmem:s1], [sflag:$0x2], $0x1, s8, s31, $0xb8;
	[tilespmem:$0x1FD78] =	vst v63  }
0xc5: {  	_ =	swait.ge @p0 [sflag:s24], $0x60  }
0xc6: {  	s10 =	sadd.s32 $0x60, s10;
	[sflag:s24] =	ssyncset.done @p0 $0x0  }
0xc7: {  	[sflag:s24] =	ssyncadd.s32 @p0 $0xFFFFFFA0  }
0xc8: {  	_ =	swait.ge [sflag:s19], $0x3000  }
0xc9: {  	[sflag:s19] =	ssyncset.done $0x0  }
0xca: {  	s8 =	simm.s32 $0x19780;
	[sflag:s19] =	ssyncadd.s32 $0xFFFFD000  }
0xcb: {  	[spmem:s3] =	stream.indirect.scatter.add.f32 [tilespmem:s29], [sflag:$0x3], $0x80, s8, s18, $0xb8;
	[tilespmem:$0x1FD78] =	vst v63  }
0xcc: {  	_ =	swait.ge [sflag:s20], $0x3000  }
0xcd: {  	[sflag:s20] =	ssyncset.done $0x0  }
0xce: {  	s8 =	simm.s32 @p0 $0x19780;
	[sflag:s20] =	ssyncadd.s32 $0xFFFFD000  }
0xcf: {  	[spmem:s4] =	stream.indirect.scatter.add.f32 @p0 [tilespmem:s1], [sflag:$0x2], $0x1, s8, s31, $0xb8;
	[tilespmem:$0x1FD78] =	vst v63  }
0xd0: {  	_ =	swait.ge @p0 [sflag:s24], $0x60  }
0xd1: {  	[sflag:s24] =	ssyncset.done @p0 $0x0  }
0xd2: {  	[sflag:s24] =	ssyncadd.s32 @p0 $0xFFFFFFA0  }
0xd3: {  	[bflag:$0x0] =	sbarrier.arrive $0xFFFF  }
0xd4: {  	s1 =	simm.s32 @p2 $0x1FC2;
	s8 =	rddreg [dreg:$0xf]  }
0xd5: {  	[hbm:s8], [sflag:s1] =	dma.local @p2 [spmem:s23], $0x2080  }
0xd6: {  	s1 =	simm.s32 @p2 $0x2  }
0xd7: {  	_ =	swait.ge @p2 [sflag:s1], $0x2080  }
0xd8: {  	[sflag:s1] =	ssyncset.done @p2 $0x0  }
0xd9: {  	s8 =	simm.s32 @p2 $0x1FA78;
	[sflag:s1] =	ssyncadd.s32 @p2 $0xFFFFDF80  }
0xda: {  	[tilespmem:s8], [sflag:$0x2] =	stream.linear.gather @p2 [spmem:s28], $0x208, $0x38;
	[tilespmem:$0x1FD78] =	vst v63  }
0xdb: {  	_ =	swait.ge @p2 [sflag:s1], $0x208  }
0xdc: {  	[sflag:s1] =	ssyncset.done @p2 $0x0  }
0xdd: {  	s9 =	simm.s32 @p2 $0x0;
	s10 =	rddreg [dreg:$0x10];
	[sflag:s1] =	ssyncadd.s32 @p2 $0xFFFFFDF8  }
0xde: {  	[hbm4b:s10+s9] =	stream.linear.scatter @p2 [tilespmem:s8], [sflag:$0x2], $0x208, $0x38;
	[tilespmem:$0x1FD78] =	vst v63  }
0xdf: {  	_ =	swait.ge @p2 [sflag:s1], $0x208  }
0xe0: {  	[sflag:s1] =	ssyncset.done @p2 $0x0  }
0xe1: {  	[sflag:s1] =	ssyncadd.s32 @p2 $0xFFFFFDF8;
	s1 =	rddreg [dreg:$0xd]  }
0xe2: {  	[hbm:s1], [sflag:s17] =	dma.local @!p2 [spmem:s22], $0x2780  }
0xe3: {  	s1 =	simm.s32 @!p2 $0x2  }
0xe4: {  	_ =	swait.ge @!p2 [sflag:s1], $0x2780  }
0xe5: {  	[sflag:s1] =	ssyncset.done @!p2 $0x0  }
0xe6: {  	s8 =	simm.s32 @!p2 $0x1FA78;
	[sflag:s1] =	ssyncadd.s32 @!p2 $0xFFFFD880  }
0xe7: {  	[tilespmem:s8], [sflag:$0x2] =	stream.linear.gather @!p2 [spmem:s14], $0x278, $0x38;
	[tilespmem:$0x1FD78] =	vst v63  }
0xe8: {  	_ =	swait.ge @!p2 [sflag:s1], $0x278  }
0xe9: {  	s9 =	simm.s32 @!p2 $0x0;
	[sflag:s1] =	ssyncset.done @!p2 $0x0  }
.Ltmp5:
0xea: {  	s10 =	rddreg [dreg:$0xe];
	[sflag:s1] =	ssyncadd.s32 @!p2 $0xFFFFFD88;
	(pc) =	sbr.rel .LBB2_10-.Ltmp5, $4  }
0xeb: {  	[hbm4b:s10+s9] =	stream.linear.scatter @!p2 [tilespmem:s8], [sflag:$0x2], $0x278, $0x38;
	[tilespmem:$0x1FD78] =	vst v63  }
0xec: {  	_ =	swait.ge @!p2 [sflag:s1], $0x278  }
0xed: {  	[sflag:s1] =	ssyncset.done @!p2 $0x0  }
0xee: {  	[sflag:s1] =	ssyncadd.s32 @!p2 $0xFFFFFD88  }
.LBB2_7:
0xef: {  	[tilespmem:s29], [sflag:$0x1] =	stream.indirect.gather [hbm4b:s6+s18], $0x80, s0, s18, $0xb8;
	[tilespmem:$0x1FD78] =	vst v63  }
0xf0: {  	s1 =	simm.s32 $0x1  }
0xf1: {  	s1 =	sand.u32 $0x1, s1;
	_ =	swait.ge [sflag:s19], $0x3000  }
0xf2: {  	p3 =	seq.s32 s1, $0x1;
	[sflag:s19] =	ssyncset.done $0x0;
	s1 =	simm.s32 $0x1C800  }
0xf3: {  	s8 =	simm.s32 $0x13C60;
	[sflag:s19] =	ssyncadd.s32 $0xFFFFD000;
	s1 =	simm.s32 @!p3 $0x19800  }
0xf4: {  	[tilespmem:s1], [sflag:$0x1] =	stream.indirect.gather [hbm4b:s6+s18], $0x80, s8, s18, $0xb8;
	[tilespmem:$0x1FD78] =	vst v63  }
0xf5: {  	s1 =	simm.s32 $0x19800  }
0xf6: {  	s8 =	simm.s32 $0x16380;
	s1 =	simm.s32 @!p3 $0x1C800  }
0xf7: {  	[spmem:s3] =	stream.indirect.scatter.add.f32 [tilespmem:s1], [sflag:$0x3], $0x80, s8, s18, $0xb8;
	[tilespmem:$0x1FD78] =	vst v63  }
0xf8: {  	_ =	swait.ge [sflag:s20], $0x3000  }
0xf9: {  	s24 =	simm.s32 @p0 $0x2;
	[sflag:s20] =	ssyncset.done $0x0  }
0xfa: {  	s31 =	simm.s32 @p0 $0x60;
	s1 =	simm.s32 @p0 $0x1FCF8;
	[sflag:s20] =	ssyncadd.s32 $0xFFFFD000  }
0xfb: {  	[spmem:s4] =	stream.indirect.scatter.add.f32 @p0 [tilespmem:s1], [sflag:$0x2], $0x1, s8, s31, $0xb8;
	[tilespmem:$0x1FD78] =	vst v63  }
0xfc: {  	_ =	swait.ge @p0 [sflag:s24], $0x60  }
0xfd: {  	s9 =	simm.s32 $0x2;
	s10 =	simm.s32 $0x13CC0;
	[sflag:s24] =	ssyncset.done @p0 $0x0  }
.LBB2_8:
0xfe: {  	[sflag:s24] =	ssyncadd.s32 @p0 $0xFFFFFFA0  }
0xff: {  	s8 =	sadd.s32 $0x80, s8;
	s11 =	smov.u32 s9;
	s9 =	sadd.s32 $0x1, s9  }
0x100: {  	s11 =	sand.u32 $0x1, s11;
	_ =	swait.ge [sflag:s19], $0x3000;
	p3 =	sne.s32 s9, $0x69  }
0x101: {  	p4 =	seq.s32 s11, $0x1;
	[sflag:s19] =	ssyncset.done $0x0;
	s11 =	simm.s32 $0x1C800  }
0x102: {  	[sflag:s19] =	ssyncadd.s32 $0xFFFFD000;
	s11 =	simm.s32 @!p4 $0x19800  }
0x103: {  	[tilespmem:s11], [sflag:$0x1] =	stream.indirect.gather [hbm4b:s6+s18], $0x80, s10, s18, $0xb8;
	[tilespmem:$0x1FD78] =	vst v63  }
0x104: {  	s11 =	simm.s32 $0x19800  }
0x105: {  	s11 =	simm.s32 @!p4 $0x1C800  }
0x106: {  	[spmem:s3] =	stream.indirect.scatter.add.f32 [tilespmem:s11], [sflag:$0x3], $0x80, s8, s18, $0xb8;
	[tilespmem:$0x1FD78] =	vst v63  }
0x107: {  	_ =	swait.ge [sflag:s20], $0x3000  }
.Ltmp6:
0x108: {  	[sflag:s20] =	ssyncset.done $0x0;
	(pc) =	sbr.rel @p3 .LBB2_8-.Ltmp6, $4  }
0x109: {  	[sflag:s20] =	ssyncadd.s32 $0xFFFFD000  }
0x10a: {  	[spmem:s4] =	stream.indirect.scatter.add.f32 @p0 [tilespmem:s1], [sflag:$0x2], $0x1, s8, s31, $0xb8;
	[tilespmem:$0x1FD78] =	vst v63  }
0x10b: {  	_ =	swait.ge @p0 [sflag:s24], $0x60  }
0x10c: {  	s10 =	sadd.s32 $0x60, s10;
	[sflag:s24] =	ssyncset.done @p0 $0x0  }
.Ltmp7:
0x10d: {  	_ = 	snop;
	(pc) =	sbr.rel .LBB2_9-.Ltmp7, $1  }
0x10e: {  	_ =	sdelay $0x3  }
.LBB2_11:
0x10f: {  	_ =	sfence.sel $0x180000  }
0x110: {  	[bflag:$0x0] =	sbarrier.arrive $0xFFFF  }
0x111: {  	_ =	strace $0x90000047  }
0x112: {  	s0 =	stileid.u32;
	[bflag:$0x2] =	sbarrier.arrive $0xFFFF  }
0x113: {  	p0 =	sne.s32 s0, $0x0;
	s0 =	rddreg [dreg:$0x4]  }
0x114: {  	s0 =	sadd.s32 @!p0 $0x100000, s0  }
0x115: {  	[sflag:s0] =	ssyncadd.tile.s32 @!p0 $0x1;
	_ =	shalt  }
.Lfunc_end2:
_tile_overlayer_lowered:
.L_overlay_start_2:
0x116: {  	(tag) =	ssettag $0x2  }
0x117: {  	s0 =	rddreg [dreg:$0x0];
	s2 =	stileid.u32  }
0x118: {  	s1 =	rddreg [dreg:$0x1];
	p0 =	sne.s32 s2, $0x0  }
0x119: {  	s3 =	rddreg [dreg:$0x2];
	[bflag:$0x3] =	sbarrier.arrive $0xFFFF;
	s2 =	simm.s32 @!p0 $0x1C02  }
0x11a: {  	[timem:s3], [sflag:s2] =	dma.local @!p0 [hbm:s0], s1  }
0x11b: {  	s0 =	simm.s32 @!p0 $0x2  }
0x11c: {  	_ =	swait.ge @!p0 [sflag:s0], s1  }
0x11d: {  	s1 =	ssub.s32 @!p0 $0x0, s1;
	[sflag:s0] =	ssyncset.done @!p0 $0x0  }
0x11e: {  	[sflag:s0] =	ssyncadd.s32 @!p0 s1  }
0x11f: {  	[bflag:$0x3] =	sbarrier.arrive $0xFFFF  }
0x120: {  	_ =	shalt  }

// kernel: kernel.13.cloned.1.call-start
scs
__scs_entry_jumppad:
0x0: {  	(pc) =	sbr.rel $0x88, $3  }
0x1: {  	(tag) =	ssettag $0x0;
	lr =	simm.s32 $0x1  }
0x2: {  	[smem:$0x3F92] =	sst lr;
	_ =	strace $0xD0000000  }
0x3: {  	_ = 	snop  }
0x4: {  	_ = 	snop  }
0x5: {  	_ = 	snop  }
0x6: {  	_ = 	snop  }
0x7: {  	_ = 	snop  }
__scs_overlays_trampoline_lowered:
0x8: {  	[smem:$0x3FA1] =	sst s0  }
0x9: {  	[smem:$0x3FA2] =	sst s1  }
0xa: {  	[smem:$0x3FA3] =	sst s2  }
0xb: {  	[smem:$0x3FA4] =	sst s3  }
0xc: {  	[smem:$0x3FA5] =	sst s4  }
0xd: {  	[smem:$0x3FA6] =	sst s5  }
0xe: {  	[smem:$0x3FA7] =	sst s6  }
0xf: {  	[smem:$0x3FA8] =	sst s7  }
0x10: {  	[smem:$0x3FA9] =	sst s8  }
0x11: {  	[smem:$0x3FAA] =	sst s9;
	s0 =	simm.s32 @!p0 $0x0  }
0x12: {  	s1 =	sld [smem:$0x3F90];
	s0 =	simm.s32 @p0 $0x1  }
0x13: {  	[smem:$0x3FAB] =	sst s0;
	s0 =	simm.s32 @!p1 $0x0  }
0x14: {  	s2 =	sld [smem:$0x3F8F];
	s0 =	simm.s32 @p1 $0x1  }
0x15: {  	[smem:$0x3FAC] =	sst s0;
	s0 =	simm.s32 @!p2 $0x0  }
0x16: {  	s3 =	sld [smem:$0x3FDB];
	s0 =	simm.s32 @p2 $0x1  }
0x17: {  	s4 =	simm.s32 $0x1BF5;
	[smem:$0x3FAE] =	sst s0  }
0x18: {  	s0 =	sld [smem:$0x3F91];
	_ =	swait.ge [sflag:s4], $0x0  }
0x19: {  	s7 =	sld [smem:$0x3F92]  }
0x1a: {  	s8 =	sadd.s32 $0xFFFFE003, lr  }
0x1b: {  	s9 =	sadd.s32 $0xFFFFFEF7, lr;
	s5 =	simm.s32 $0xFFFFFFFF;
	p2 =	slt.u32 s8, $0xFFFFF086  }
0x1c: {  	p1 =	slt.u32 s9, $0xF7A;
	s5 =	simm.s32 @!p2 $0x0  }
0x1d: {  	s5 =	simm.s32 @p1 $0x1;
	p0 =	seq.s32 s7, s2  }
0x1e: {  	s7 =	smul.u32 @!p0 $0xF7A, s2;
	p2 =	seq.s32 @!p0 s5, $0x0  }
0x1f: {  	s9 =	smul.u32 $0xF7A, s1;
	s8 =	simm.s32 @!p0 $0x1BF5;
	p2 =	por !p2, p0  }
0x20: {  	[sflag:s8] =	ssyncset.s32 @!p0 $0xFFFFF086;
	s6 =	sadd.s32 @!p0 s3, s7;
	s7 =	simm.s32 @!p0 $0x108  }
0x21: {  	s3 =	sadd.s32 s3, s9;
	s6 =	sadd.s32 @!p0 $0x88, s6;
	s7 =	simm.s32 @p2 $0x1082  }
0x22: {  	[simem:s7], [sflag:s8] =	dma.local @!p0 [hbm:s6], $0xF7A  }
0x23: {  	s9 =	sor.u32 $0xD0000000, s2;
	s6 =	simm.s32 $0x108;
	_ =	swait.ge @!p0 [sflag:s8], $0x0  }
0x24: {  	s3 =	sadd.s32 $0x88, s3;
	s6 =	simm.s32 @!p1 $0x1082;
	[sflag:s4] =	ssyncset.s32 $0xFFFFF086  }
0x25: {  	[simem:s6], [sflag:s4] =	dma.local [hbm:s3], $0xF7A  }
0x26: {  	[smem:$0x3F92] =	sst s1;
	(tag) =	ssettag s2;
	_ =	strace s9  }
0x27: {  	s1 =	sld [smem:$0x3FA2]  }
0x28: {  	s2 =	sld [smem:$0x3FA3]  }
0x29: {  	s4 =	sld [smem:$0x3FA5]  }
0x2a: {  	p0 =	seq.s32 s5, $0x0;
	s5 =	sld [smem:$0x3FA6]  }
0x2b: {  	s6 =	sld [smem:$0x3FA7]  }
0x2c: {  	s7 =	sld [smem:$0x3FA8]  }
0x2d: {  	s3 =	simm.s32 $0x108;
	s8 =	sld [smem:$0x3FA9]  }
0x2e: {  	s3 =	simm.s32 @!p0 $0x1082;
	s9 =	sld [smem:$0x3FAA]  }
0x2f: {  	lr =	sadd.s32 s0, s3;
	s0 =	sld [smem:$0x3FA1]  }
0x30: {  	s3 =	sld [smem:$0x3FA4]  }
0x31: {  	[smem:$0x3FAD] =	sst s10  }
0x32: {  	s10 =	sld [smem:$0x3FAB];
	_ =	sdelay $0x3  }
0x33: {  	p0 =	seq.s32 s10, $0x1;
	s10 =	sld [smem:$0x3FAD];
	_ =	sdelay $0x3  }
0x34: {  	[smem:$0x3FAD] =	sst s10  }
0x35: {  	s10 =	sld [smem:$0x3FAC];
	_ =	sdelay $0x3  }
0x36: {  	p1 =	seq.s32 s10, $0x1;
	s10 =	sld [smem:$0x3FAD];
	_ =	sdelay $0x3  }
0x37: {  	[smem:$0x3FAD] =	sst s10  }
0x38: {  	s10 =	sld [smem:$0x3FAE]  }
0x39: {  	_ = 	snop;
	(pc) =	sbr.ind lr, $3  }
0x3a: {  	_ = 	snop  }
0x3b: {  	_ = 	snop  }
0x3c: {  	p2 =	seq.s32 s10, $0x1;
	s10 =	sld [smem:$0x3FAD]  }
0x3d: {  	_ =	shalt  }
0x3e: {  	_ =	shalt  }
0x3f: {  	_ =	shalt  }
0x40: {  	_ =	shalt  }
0x41: {  	_ =	shalt  }
0x42: {  	_ =	shalt  }
0x43: {  	_ =	shalt  }
0x44: {  	_ =	shalt  }
0x45: {  	_ =	shalt  }
0x46: {  	_ =	shalt  }
0x47: {  	_ =	shalt  }
0x48: {  	_ =	shalt  }
0x49: {  	_ =	shalt  }
0x4a: {  	_ =	shalt  }
0x4b: {  	_ =	shalt  }
0x4c: {  	_ =	shalt  }
0x4d: {  	_ =	shalt  }
0x4e: {  	_ =	shalt  }
0x4f: {  	_ =	shalt  }
0x50: {  	_ =	shalt  }
0x51: {  	_ =	shalt  }
0x52: {  	_ =	shalt  }
0x53: {  	_ =	shalt  }
0x54: {  	_ =	shalt  }
0x55: {  	_ =	shalt  }
0x56: {  	_ =	shalt  }
0x57: {  	_ =	shalt  }
0x58: {  	_ =	shalt  }
0x59: {  	_ =	shalt  }
0x5a: {  	_ =	shalt  }
0x5b: {  	_ =	shalt  }
0x5c: {  	_ =	shalt  }
0x5d: {  	_ =	shalt  }
0x5e: {  	_ =	shalt  }
0x5f: {  	_ =	shalt  }
0x60: {  	_ =	shalt  }
0x61: {  	_ =	shalt  }
0x62: {  	_ =	shalt  }
0x63: {  	_ =	shalt  }
0x64: {  	_ =	shalt  }
0x65: {  	_ =	shalt  }
0x66: {  	_ =	shalt  }
0x67: {  	_ =	shalt  }
0x68: {  	_ =	shalt  }
0x69: {  	_ =	shalt  }
0x6a: {  	_ =	shalt  }
0x6b: {  	_ =	shalt  }
0x6c: {  	_ =	shalt  }
0x6d: {  	_ =	shalt  }
0x6e: {  	_ =	shalt  }
0x6f: {  	_ =	shalt  }
0x70: {  	_ =	shalt  }
0x71: {  	_ =	shalt  }
0x72: {  	_ =	shalt  }
0x73: {  	_ =	shalt  }
0x74: {  	_ =	shalt  }
0x75: {  	_ =	shalt  }
0x76: {  	_ =	shalt  }
0x77: {  	_ =	shalt  }
0x78: {  	_ =	shalt  }
0x79: {  	_ =	shalt  }
0x7a: {  	_ =	shalt  }
0x7b: {  	_ =	shalt  }
0x7c: {  	_ =	shalt  }
0x7d: {  	_ =	shalt  }
0x7e: {  	_ =	shalt  }
0x7f: {  	_ =	shalt  }
0x80: {  	_ =	shalt  }
0x81: {  	_ =	shalt  }
0x82: {  	_ =	shalt  }
0x83: {  	_ =	shalt  }
0x84: {  	_ =	shalt  }
0x85: {  	_ =	shalt  }
0x86: {  	_ =	shalt  }
0x87: {  	_ =	shalt  }
.Lfunc_end0:
.L_simem_size_0:
called_computation.1_lowered:
.L_overlay_start_0:
0x88: {  	s2 =	sld [smem:$0x3FD9]  }
0x89: {  	s3 =	sld [smem:$0x3FFE];
	_ =	sdelay $0x1  }
0x8a: {  	s1 =	srdreg.scid  }
0x8b: {  	s0 =	sand.u32 $0x1, s1  }
0x8c: {  	s17 =	sshll.u32 s0, $0xA;
	s2 =	sadd.s32 s3, s2  }
0x8d: {  	s2 =	sadd.s32 s2, s17  }
0x8e: {  	[smem:$0x3FB9] =	sst s2  }
0x8f: {  	_ = 	snop  }
0x90: {  	s2 =	sld [smem:$0x3FD0];
	(tm) =	ssettm $0x1  }
0x91: {  	s18 =	sld [smem:$0x3FFB];
	_ =	sdelay $0x3  }
0x92: {  	_ =	strace s18  }
0x93: {  	s3 =	sld [smem:$0x3FFC];
	_ =	sdelay $0x3  }
0x94: {  	_ =	strace s3  }
0x95: {  	s3 =	sld [smem:$0x3FFD];
	_ =	sdelay $0x3  }
0x96: {  	_ =	strace s3  }
0x97: {  	_ =	strace $0x8FFFFFFF  }
0x98: {  	s19 =	sld [smem:$0x3FDB];
	_ =	sdelay $0x1  }
0x99: {  	s4 =	simm.s32 $_scs_section_size  }
0x9a: {  	s5 =	simm.s32 $_size__tile_overlayer_lowered;
	s6 =	simm.s32 $_tile_overlayer_lowered  }
0x9b: {  	s22 =	simm.s32 $0x1BFF;
	s21 =	sshll.u32 s6, $0x1;
	s3 =	sadd.s32 s4, s19  }
0x9c: {  	s7 =	simm.s32 $0x0;
	s20 =	sshll.u32 s5, $0x1;
	s5 =	sadd.s32 s21, s3  }
0x9d: {  	[timem:s7], [sflag:s22] =	dma.local [hbm:s5], s20  }
0x9e: {  	_ =	swait.ge [sflag:s22], s20  }
0x9f: {  	s4 =	ssub.s32 $0x0, s20;
	[sflag:s22] =	ssyncset.done $0x0  }
0xa0: {  	[sflag:s22] =	ssyncadd.s32 s4;
	_ =	sdelay $0x1  }
0xa1: {  	s23 =	simm.s32 $0x1B8B  }
0xa2: {  	_ =	swait.ge [sflag:s23], $0x1  }
0xa3: {  	[sflag:s23] =	ssyncset.done $0x0  }
0xa4: {  	s25 =	simm.s32 $0x1B8E;
	s24 =	sld [smem:$0x3FFE];
	[sflag:s23] =	ssyncadd.s32 $0xFFFFFFFF  }
0xa5: {  	s26 =	simm.s32 $execute0_lowered;
	[smem:$0x3FD2] =	sst s25  }
0xa6: {  	s5 =	sshll.u32 s26, $0x1;
	_ =	strace $0x80000049;
	[dreg:$0x1] =	wrdreg $0xFFFFFFFF  }
0xa7: {  	s28 =	simm.s32 $_size_execute0_lowered;
	s3 =	sadd.s32 s3, s5;
	[dreg:$0x0] =	wrdreg $0x0  }
0xa8: {  	s5 =	sshll.u32 s28, $0x1;
	[dreg:$0x2] =	wrdreg s3  }
0xa9: {  	[dreg:$0x3] =	wrdreg s5  }
0xaa: {  	[dreg:$0x4] =	wrdreg $0xC0  }
0xab: {  	_ =	task [dreg:s7], $0x5FFFF  }
0xac: {  	[dreg:$0x1] =	wrdreg $0xFFFFFFFF  }
0xad: {  	[dreg:$0x0] =	wrdreg $0x60  }
0xae: {  	[dreg:$0x2] =	wrdreg s2  }
0xaf: {  	[dreg:$0x3] =	wrdreg s24  }
0xb0: {  	[dreg:$0x4] =	wrdreg $0x0  }
0xb1: {  	[dreg:$0x5] =	wrdreg $0x9  }
0xb2: {  	_ =	task.clear_ibuf [dreg:s7], $0x6FFFF;
	_ =	strace $0x90000049  }
0xb3: {  	s29 =	simm.s32 $0x9;
	_ =	strace $0x8000004B  }
0xb4: {  	_ =	swait.ge [sflag:s29], $0x1  }
0xb5: {  	[sflag:s29] =	ssyncadd.s32 $0xFFFFFFFF  }
0xb6: {  	_ =	strace $0x9000004B  }
0xb7: {  	_ =	sfence  }
0xb8: {  	s30 =	sld [smem:$0x0];
	_ =	sdelay $0x2  }
0xb9: {  	s31 =	sshll.u32 s1, $0xD;
	s1 =	sshrl.u32 s1, $0x2  }
0xba: {  	s3 =	sand.u32 $0x4000, s31;
	s1 =	sadd.s32 s1, s30  }
0xbb: {  	s0 =	sor.u32 s3, s0;
	s1 =	sshll.u32 s1, $0x11  }
0xbc: {  	s0 =	sor.u32 s1, s0  }
0xbd: {  	s0 =	sadd.s32 $0x8F2B, s0  }
0xbe: {  	[sflag:s0] =	ssyncadd.remote.s32 $0x1  }
0xbf: {  	_ =	sfence.sel $0xFFFF  }
0xc0: {  	[dreg:$0x0] =	wrdreg $0xFFFFFFFF;
	(pc) =	sbr.abs _section_cstart, $3  }
0xc1: {  	[dreg:$0x1] =	wrdreg $0xFFFFFFFF  }
0xc2: {  	_ =	task.clear_ibuf [dreg:s7], $0x2FFFF;
	_ =	strace $0x9FFFFFFF  }
0xc3: {  	(tm) =	ssettm $0x7FFFFFFF  }
tec
execute0_lowered:
.L_overlay_start_1:
0x0: {  	(tag) =	ssettag $0x1  }
0x1: {  	s1 =	rddreg [dreg:$0x0]  }
0x2: {  	s0 =	rddreg [dreg:$0x1]  }
0x3: {  	s3 =	rddreg [dreg:$0x2];
	s4 =	simm.s32 $0x0  }
0x4: {  	s2 =	stileid.u32;
	s8 =	srdreg.scid;
	s21 =	simm.s32 $0x19800  }
0x5: {  	s22 =	simm.s32 $0x2;
	s23 =	simm.s32 $0x13C00;
	s6 =	smul.u32 $0x4EC, s2  }
0x6: {  	s25 =	simm.s32 $0x60;
	s28 =	simm.s32 $0x19780;
	s7 =	smul.u32 $0x690, s2  }
0x7: {  	s29 =	simm.s32 $0x0;
	[smem:$0x7FF] =	sst s4;
	s26 =	smul.u32 $0x4F000, s2  }
0x8: {  	s5 =	sadd.s32 $0xCC00, s0;
	s15 =	sand.u32 $0x1, s8;
	s30 =	smul.u32 $0x2780, s2  }
0x9: {  	s18 =	sadd.s32 $0x85080, s0;
	s19 =	sadd.s32 $0x5DE80, s0;
	p1 =	seq.s32 s2, $0xF  }
0xa: {  	_ =	strace $0x8000004A;
	s9 =	ssub.s32 $0x2, s15;
	[dreg:$0x5] =	wrdreg s18  }
0xb: {  	p0 =	sne.s32 s15, $0x0;
	s13 =	sadd.s32 s6, s0;
	s14 =	sadd.s32 s7, s0  }
0xc: {  	s31 =	sshrl.u32 s9, $0x1;
	s8 =	sshrl.u32 s26, $0x2;
	s17 =	sadd.s32 s30, s0  }
0xd: {  	s26 =	simm.s32 $0x1;
	s20 =	ssub.s32 s9, s31;
	s6 =	sadd.s32 s8, s3  }
.Ltmp0:
0xe: {  	s13 =	sadd.s32 $0x33E00, s13;
	s14 =	sadd.s32 $0x6200, s14;
	(pc) =	sbr.rel .LBB2_1-.Ltmp0, $4  }
0xf: {  	s16 =	sadd.s32 $0x60000, s17;
	s17 =	sadd.s32 $0x38E00, s17;
	s7 =	sadd.s32 $0x3000, s6  }
0x10: {  	s8 =	sadd.s32 $0x6000, s6;
	s9 =	sadd.s32 $0x9000, s6;
	s10 =	sadd.s32 $0xC000, s6  }
0x11: {  	s11 =	sadd.s32 $0xF000, s6;
	s12 =	sadd.s32 $0x12000, s6;
	[dreg:$0x4] =	wrdreg s16  }
0x12: {  	v0 =	vimm.f32 $0.0e+00;
	s16 =	sadd.s32 $0x128400, s3;
	[dreg:$0x6] =	wrdreg s17;
	s20 =	smax.u32 s20, $0x1  }
.LBB2_9:
0x13: {  	[sflag:s22] =	ssyncadd.s32 $0xFFFFD000  }
0x14: {  	_ =	swait.ge [sflag:s26], $0x3000  }
0x15: {  	[sflag:s26] =	ssyncset.done $0x0  }
0x16: {  	[sflag:s26] =	ssyncadd.s32 $0xFFFFD000  }
0x17: {  	[spmem:s3] =	stream.indirect.scatter.add.f32 [tilespmem:s21], [sflag:$0x2], $0x80, s28, s25, $0xb8;
	[tilespmem:$0x1F800] =	vst v63  }
0x18: {  	_ =	swait.ge [sflag:s22], $0x3000  }
0x19: {  	[sflag:s22] =	ssyncset.done $0x0  }
0x1a: {  	[sflag:s22] =	ssyncadd.s32 $0xFFFFD000  }
0x1b: {  	[bflag:$0x0] =	sbarrier.arrive $0xFFFF  }
0x1c: {  	s15 =	simm.s32 @p1 $0x1FC2;
	s17 =	rddreg [dreg:$0x5]  }
0x1d: {  	[hbm:s17], [sflag:s15] =	dma.local @p1 [spmem:s0], $0x2080  }
0x1e: {  	s0 =	simm.s32 @p1 $0x2  }
0x1f: {  	_ =	swait.ge @p1 [sflag:s0], $0x2080  }
0x20: {  	[sflag:s0] =	ssyncset.done @p1 $0x0  }
0x21: {  	[sflag:s0] =	ssyncadd.s32 @p1 $0xFFFFDF80;
	s0 =	rddreg [dreg:$0x4]  }
0x22: {  	[hbm:s0], [sflag:s31] =	dma.local @!p1 [spmem:s30], $0x2780  }
0x23: {  	s0 =	simm.s32 @!p1 $0x2  }
0x24: {  	_ =	swait.ge @!p1 [sflag:s0], $0x2780  }
0x25: {  	[sflag:s0] =	ssyncset.done @!p1 $0x0  }
0x26: {  	[sflag:s0] =	ssyncadd.s32 @!p1 $0xFFFFD880  }
.LBB2_10:
0x27: {  	s29 =	sadd.s32 $0x1, s29  }
0x28: {  	p2 =	sne.s32 s29, s20  }
.Ltmp1:
0x29: {  	_ = 	snop;
	(pc) =	sbr.rel @!p2 .LBB2_11-.Ltmp1, $1  }
0x2a: {  	_ =	sdelay $0x3  }
.LBB2_1:
0x2b: {  	s0 =	sand.u32 $0xFE00, s4  }
0x2c: {  	s15 =	sand.u32 $0x70, s4;
	s17 =	sshrl.u32 s0, $0x2  }
0x2d: {  	s0 =	simm.s32 $0x40;
	s17 =	sor.u32 s15, s17;
	s15 =	simm.s32 $0x0  }
.LBB2_2:
0x2e: {  	p2 =	sne.s32 s0, $0xBFC0  }
0x2f: {  	[tilespmem:s17+$0x19800] =	vst v0;
	s15 =	sadd.s32 $0x10, s15;
	s17 =	smov.u32 s0;
	s0 =	sadd.s32 $0x40, s0  }
.Ltmp2:
0x30: {  	(pc) =	sbr.rel @p2 .LBB2_2-.Ltmp2, $4  }
0x31: {  	_ = 	snop  }
0x32: {  	s17 =	sand.u32 $0xFE00, s17  }
0x33: {  	s24 =	sand.u32 $0x70, s15;
	s17 =	sshrl.u32 s17, $0x2  }
0x34: {  	s17 =	sor.u32 s24, s17  }
0x35: {  	[tilespmem:s17+$0x19800] =	vst v0  }
0x36: {  	[spmem:s6] =	stream.linear.scatter [tilespmem:s21], [sflag:$0x2], $0x3000, $0x38;
	[tilespmem:$0x1F800] =	vst v63  }
0x37: {  	_ =	swait.ge [sflag:s22], $0x3000  }
0x38: {  	[sflag:s22] =	ssyncset.done $0x0  }
0x39: {  	[sflag:s22] =	ssyncadd.s32 $0xFFFFD000  }
0x3a: {  	[spmem:s7] =	stream.linear.scatter [tilespmem:s21], [sflag:$0x2], $0x3000, $0x38;
	[tilespmem:$0x1F800] =	vst v63  }
0x3b: {  	_ =	swait.ge [sflag:s22], $0x3000  }
0x3c: {  	[sflag:s22] =	ssyncset.done $0x0  }
0x3d: {  	[sflag:s22] =	ssyncadd.s32 $0xFFFFD000  }
0x3e: {  	[spmem:s8] =	stream.linear.scatter [tilespmem:s21], [sflag:$0x2], $0x3000, $0x38;
	[tilespmem:$0x1F800] =	vst v63  }
0x3f: {  	_ =	swait.ge [sflag:s22], $0x3000  }
0x40: {  	[sflag:s22] =	ssyncset.done $0x0  }
0x41: {  	[sflag:s22] =	ssyncadd.s32 $0xFFFFD000  }
0x42: {  	[spmem:s9] =	stream.linear.scatter [tilespmem:s21], [sflag:$0x2], $0x3000, $0x38;
	[tilespmem:$0x1F800] =	vst v63  }
0x43: {  	_ =	swait.ge [sflag:s22], $0x3000  }
0x44: {  	[sflag:s22] =	ssyncset.done $0x0  }
0x45: {  	[sflag:s22] =	ssyncadd.s32 $0xFFFFD000  }
0x46: {  	[spmem:s10] =	stream.linear.scatter [tilespmem:s21], [sflag:$0x2], $0x3000, $0x38;
	[tilespmem:$0x1F800] =	vst v63  }
0x47: {  	_ =	swait.ge [sflag:s22], $0x3000  }
0x48: {  	[sflag:s22] =	ssyncset.done $0x0  }
0x49: {  	[sflag:s22] =	ssyncadd.s32 $0xFFFFD000  }
0x4a: {  	[spmem:s11] =	stream.linear.scatter [tilespmem:s21], [sflag:$0x2], $0x3000, $0x38;
	[tilespmem:$0x1F800] =	vst v63  }
0x4b: {  	_ =	swait.ge [sflag:s22], $0x3000  }
0x4c: {  	[sflag:s22] =	ssyncset.done $0x0  }
0x4d: {  	[sflag:s22] =	ssyncadd.s32 $0xFFFFD000  }
0x4e: {  	[spmem:s12] =	stream.linear.scatter [tilespmem:s21], [sflag:$0x2], $0x1C00, $0x38;
	[tilespmem:$0x1F800] =	vst v63  }
0x4f: {  	_ =	swait.ge [sflag:s22], $0x1C00  }
0x50: {  	[sflag:s22] =	ssyncset.done $0x0  }
0x51: {  	[sflag:s22] =	ssyncadd.s32 $0xFFFFE400  }
0x52: {  	[bflag:$0x0] =	sbarrier.arrive $0xFFFF  }
0x53: {  	[tilespmem:s23], [sflag:$0x2] =	stream.linear.gather [hbm4b:s13+s4], $0x2760, $0x38;
	[tilespmem:$0x1F800] =	vst v63  }
0x54: {  	_ =	swait.ge [sflag:s22], $0x2760  }
0x55: {  	[sflag:s22] =	ssyncset.done $0x0  }
.Ltmp3:
0x56: {  	s0 =	simm.s32 $0x16380;
	[sflag:s22] =	ssyncadd.s32 $0xFFFFD8A0;
	(pc) =	sbr.rel @p0 .LBB2_7-.Ltmp3, $4  }
0x57: {  	[tilespmem:s0], [sflag:$0x2] =	stream.linear.gather [hbm4b:s14+s4], $0x3480, $0x38;
	[tilespmem:$0x1F800] =	vst v63  }
0x58: {  	_ =	swait.ge [sflag:s22], $0x3480  }
0x59: {  	s15 =	sshll.u32 @!p1 s2, $0x6;
	s30 =	sshrl.u32 @!p1 s6, $0x3;
	[sflag:s22] =	ssyncset.done $0x0  }
0x5a: {  	s31 =	sor.u32 @!p1 $0x1C02, s15;
	s0 =	sshrl.u32 @p1 s16, $0x3;
	[sflag:s22] =	ssyncadd.s32 $0xFFFFCB80  }
0x5b: {  	[tilespmem:s21], [sflag:$0x1] =	stream.indirect.gather [hbm4b:s1+s25], $0x80, s23, s25, $0xb8;
	[tilespmem:$0x1F800] =	vst v63  }
0x5c: {  	s15 =	simm.s32 $0x1  }
0x5d: {  	s17 =	simm.s32 $0x1C800;
	s15 =	sand.u32 $0x1, s15;
	_ =	swait.ge [sflag:s26], $0x3000  }
0x5e: {  	s24 =	simm.s32 $0x19800;
	p2 =	seq.s32 s15, $0x1;
	[sflag:s26] =	ssyncset.done $0x0  }
0x5f: {  	s15 =	simm.s32 $0x13C60;
	[sflag:s26] =	ssyncadd.s32 $0xFFFFD000;
	s17 =	simm.s32 @!p2 $0x19800  }
0x60: {  	[tilespmem:s17], [sflag:$0x1] =	stream.indirect.gather [hbm4b:s1+s25], $0x80, s15, s25, $0xb8;
	[tilespmem:$0x1F800] =	vst v63  }
0x61: {  	s24 =	simm.s32 @!p2 $0x1C800;
	s17 =	simm.s32 $0x16380  }
0x62: {  	[spmem:s3] =	stream.indirect.scatter.add.f32 [tilespmem:s24], [sflag:$0x2], $0x80, s17, s25, $0xb8;
	[tilespmem:$0x1F800] =	vst v63  }
0x63: {  	_ =	swait.ge [sflag:s22], $0x3000  }
0x64: {  	s24 =	simm.s32 $0x2;
	[sflag:s22] =	ssyncset.done $0x0  }
.LBB2_5:
0x65: {  	[sflag:s22] =	ssyncadd.s32 $0xFFFFD000;
	s17 =	sadd.s32 $0x80, s17;
	s15 =	sadd.s32 $0x60, s15  }
0x66: {  	p2 =	sne.s32 s24, $0x68;
	s18 =	smov.u32 s24;
	s24 =	sadd.s32 $0x1, s24  }
0x67: {  	s18 =	sand.u32 $0x1, s18;
	_ =	swait.ge [sflag:s26], $0x3000  }
0x68: {  	p3 =	seq.s32 s18, $0x1;
	s18 =	simm.s32 $0x1C800;
	[sflag:s26] =	ssyncset.done $0x0  }
0x69: {  	s18 =	simm.s32 @!p3 $0x19800;
	[sflag:s26] =	ssyncadd.s32 $0xFFFFD000  }
0x6a: {  	[tilespmem:s18], [sflag:$0x1] =	stream.indirect.gather [hbm4b:s1+s25], $0x80, s15, s25, $0xb8;
	[tilespmem:$0x1F800] =	vst v63  }
.Ltmp4:
0x6b: {  	s18 =	simm.s32 $0x19800;
	(pc) =	sbr.rel @p2 .LBB2_5-.Ltmp4, $4  }
0x6c: {  	s18 =	simm.s32 @!p3 $0x1C800  }
0x6d: {  	[spmem:s3] =	stream.indirect.scatter.add.f32 [tilespmem:s18], [sflag:$0x2], $0x80, s17, s25, $0xb8;
	[tilespmem:$0x1F800] =	vst v63  }
0x6e: {  	_ =	swait.ge [sflag:s22], $0x3000  }
0x6f: {  	[sflag:s22] =	ssyncset.done $0x0  }
0x70: {  	[sflag:s22] =	ssyncadd.s32 $0xFFFFD000  }
0x71: {  	_ =	swait.ge [sflag:s26], $0x3000  }
0x72: {  	[sflag:s26] =	ssyncset.done $0x0  }
0x73: {  	[sflag:s26] =	ssyncadd.s32 $0xFFFFD000  }
0x74: {  	[spmem:s3] =	stream.indirect.scatter.add.f32 [tilespmem:s21], [sflag:$0x2], $0x80, s28, s25, $0xb8;
	[tilespmem:$0x1F800] =	vst v63  }
0x75: {  	_ =	swait.ge [sflag:s22], $0x3000  }
0x76: {  	[sflag:s22] =	ssyncset.done $0x0  }
0x77: {  	[sflag:s22] =	ssyncadd.s32 $0xFFFFD000  }
0x78: {  	s15 =	simm.s32 @p1 $0x1FC2;
	[bflag:$0x0] =	sbarrier.arrive $0xFFFF  }
0x79: {  	[hbm:s19], [sflag:s15] =	dma.local @p1 [spmem:s0], $0x2080  }
0x7a: {  	s0 =	simm.s32 @p1 $0x2  }
0x7b: {  	_ =	swait.ge @p1 [sflag:s0], $0x2080  }
0x7c: {  	[sflag:s0] =	ssyncset.done @p1 $0x0  }
0x7d: {  	[sflag:s0] =	ssyncadd.s32 @p1 $0xFFFFDF80;
	s0 =	rddreg [dreg:$0x6]  }
0x7e: {  	[hbm:s0], [sflag:s31] =	dma.local @!p1 [spmem:s30], $0x2780  }
.Ltmp5:
0x7f: {  	_ = 	snop;
	(pc) =	sbr.rel .LBB2_10-.Ltmp5, $4  }
0x80: {  	s0 =	simm.s32 @!p1 $0x2  }
0x81: {  	_ =	swait.ge @!p1 [sflag:s0], $0x2780  }
0x82: {  	[sflag:s0] =	ssyncset.done @!p1 $0x0  }
0x83: {  	[sflag:s0] =	ssyncadd.s32 @!p1 $0xFFFFD880  }
.LBB2_7:
0x84: {  	[tilespmem:s21], [sflag:$0x1] =	stream.indirect.gather [hbm4b:s5+s25], $0x80, s23, s25, $0xb8;
	[tilespmem:$0x1F800] =	vst v63  }
0x85: {  	s15 =	simm.s32 $0x1  }
0x86: {  	s17 =	simm.s32 $0x1C800;
	s15 =	sand.u32 $0x1, s15;
	_ =	swait.ge [sflag:s26], $0x3000  }
0x87: {  	s18 =	simm.s32 $0x19800;
	p2 =	seq.s32 s15, $0x1;
	[sflag:s26] =	ssyncset.done $0x0  }
0x88: {  	s15 =	simm.s32 $0x13C60;
	[sflag:s26] =	ssyncadd.s32 $0xFFFFD000;
	s17 =	simm.s32 @!p2 $0x19800  }
0x89: {  	[tilespmem:s17], [sflag:$0x1] =	stream.indirect.gather [hbm4b:s5+s25], $0x80, s15, s25, $0xb8;
	[tilespmem:$0x1F800] =	vst v63  }
0x8a: {  	s18 =	simm.s32 @!p2 $0x1C800;
	s17 =	simm.s32 $0x16380  }
0x8b: {  	[spmem:s3] =	stream.indirect.scatter.add.f32 [tilespmem:s18], [sflag:$0x2], $0x80, s17, s25, $0xb8;
	[tilespmem:$0x1F800] =	vst v63  }
0x8c: {  	_ =	swait.ge [sflag:s22], $0x3000  }
0x8d: {  	s24 =	simm.s32 $0x2;
	[sflag:s22] =	ssyncset.done $0x0  }
.LBB2_8:
0x8e: {  	[sflag:s22] =	ssyncadd.s32 $0xFFFFD000;
	s17 =	sadd.s32 $0x80, s17;
	s15 =	sadd.s32 $0x60, s15  }
0x8f: {  	p2 =	sne.s32 s24, $0x68;
	s18 =	smov.u32 s24;
	s24 =	sadd.s32 $0x1, s24  }
0x90: {  	s18 =	sand.u32 $0x1, s18;
	_ =	swait.ge [sflag:s26], $0x3000  }
0x91: {  	p3 =	seq.s32 s18, $0x1;
	s18 =	simm.s32 $0x1C800;
	[sflag:s26] =	ssyncset.done $0x0  }
0x92: {  	s18 =	simm.s32 @!p3 $0x19800;
	[sflag:s26] =	ssyncadd.s32 $0xFFFFD000  }
0x93: {  	[tilespmem:s18], [sflag:$0x1] =	stream.indirect.gather [hbm4b:s5+s25], $0x80, s15, s25, $0xb8;
	[tilespmem:$0x1F800] =	vst v63  }
.Ltmp6:
0x94: {  	s18 =	simm.s32 $0x19800;
	(pc) =	sbr.rel @p2 .LBB2_8-.Ltmp6, $4  }
0x95: {  	s18 =	simm.s32 @!p3 $0x1C800  }
0x96: {  	[spmem:s3] =	stream.indirect.scatter.add.f32 [tilespmem:s18], [sflag:$0x2], $0x80, s17, s25, $0xb8;
	[tilespmem:$0x1F800] =	vst v63  }
0x97: {  	_ =	swait.ge [sflag:s22], $0x3000  }
0x98: {  	[sflag:s22] =	ssyncset.done $0x0  }
.Ltmp7:
0x99: {  	_ = 	snop;
	(pc) =	sbr.rel .LBB2_9-.Ltmp7, $1  }
0x9a: {  	_ =	sdelay $0x3  }
.LBB2_11:
0x9b: {  	_ =	sfence.sel $0x180000  }
0x9c: {  	[bflag:$0x0] =	sbarrier.arrive $0xFFFF  }
0x9d: {  	_ =	strace $0x9000004A  }
0x9e: {  	[bflag:$0x2] =	sbarrier.arrive $0xFFFF  }
0x9f: {  	p0 =	sne.s32 s2, $0x0;
	s0 =	rddreg [dreg:$0x3]  }
0xa0: {  	s0 =	sadd.s32 @!p0 $0x100000, s0  }
0xa1: {  	[sflag:s0] =	ssyncadd.tile.s32 @!p0 $0x1;
	_ =	shalt  }
.Lfunc_end2:
_tile_overlayer_lowered:
.L_overlay_start_2:
0xa2: {  	(tag) =	ssettag $0x2  }
0xa3: {  	s0 =	rddreg [dreg:$0x0];
	s2 =	stileid.u32  }
0xa4: {  	s1 =	rddreg [dreg:$0x1];
	p0 =	sne.s32 s2, $0x0  }
0xa5: {  	s3 =	rddreg [dreg:$0x2];
	[bflag:$0x3] =	sbarrier.arrive $0xFFFF;
	s2 =	simm.s32 @!p0 $0x1C02  }
0xa6: {  	[timem:s3], [sflag:s2] =	dma.local @!p0 [hbm:s0], s1  }
0xa7: {  	s0 =	simm.s32 @!p0 $0x2  }
0xa8: {  	_ =	swait.ge @!p0 [sflag:s0], s1  }
0xa9: {  	s1 =	ssub.s32 @!p0 $0x0, s1;
	[sflag:s0] =	ssyncset.done @!p0 $0x0  }
0xaa: {  	[sflag:s0] =	ssyncadd.s32 @!p0 s1  }
0xab: {  	[bflag:$0x3] =	sbarrier.arrive $0xFFFF  }
0xac: {  	_ =	shalt  }

// kernel: kernel.16.cloned.1.call-start
scs
__scs_entry_jumppad:
0x0: {  	(pc) =	sbr.rel $0x88, $3  }
0x1: {  	(tag) =	ssettag $0x0;
	lr =	simm.s32 $0x1  }
0x2: {  	[smem:$0x3F92] =	sst lr;
	_ =	strace $0xD0000000  }
0x3: {  	_ = 	snop  }
0x4: {  	_ = 	snop  }
0x5: {  	_ = 	snop  }
0x6: {  	_ = 	snop  }
0x7: {  	_ = 	snop  }
__scs_overlays_trampoline_lowered:
0x8: {  	[smem:$0x3FA1] =	sst s0  }
0x9: {  	[smem:$0x3FA2] =	sst s1  }
0xa: {  	[smem:$0x3FA3] =	sst s2  }
0xb: {  	[smem:$0x3FA4] =	sst s3  }
0xc: {  	[smem:$0x3FA5] =	sst s4  }
0xd: {  	[smem:$0x3FA6] =	sst s5  }
0xe: {  	[smem:$0x3FA7] =	sst s6  }
0xf: {  	[smem:$0x3FA8] =	sst s7  }
0x10: {  	[smem:$0x3FA9] =	sst s8  }
0x11: {  	[smem:$0x3FAA] =	sst s9;
	s0 =	simm.s32 @!p0 $0x0  }
0x12: {  	s1 =	sld [smem:$0x3F90];
	s0 =	simm.s32 @p0 $0x1  }
0x13: {  	[smem:$0x3FAB] =	sst s0;
	s0 =	simm.s32 @!p1 $0x0  }
0x14: {  	s2 =	sld [smem:$0x3F8F];
	s0 =	simm.s32 @p1 $0x1  }
0x15: {  	[smem:$0x3FAC] =	sst s0;
	s0 =	simm.s32 @!p2 $0x0  }
0x16: {  	s3 =	sld [smem:$0x3FDB];
	s0 =	simm.s32 @p2 $0x1  }
0x17: {  	s4 =	simm.s32 $0x1BF5;
	[smem:$0x3FAE] =	sst s0  }
0x18: {  	s0 =	sld [smem:$0x3F91];
	_ =	swait.ge [sflag:s4], $0x0  }
0x19: {  	s7 =	sld [smem:$0x3F92]  }
0x1a: {  	s8 =	sadd.s32 $0xFFFFE003, lr  }
0x1b: {  	s9 =	sadd.s32 $0xFFFFFEF7, lr;
	s5 =	simm.s32 $0xFFFFFFFF;
	p2 =	slt.u32 s8, $0xFFFFF086  }
0x1c: {  	p1 =	slt.u32 s9, $0xF7A;
	s5 =	simm.s32 @!p2 $0x0  }
0x1d: {  	s5 =	simm.s32 @p1 $0x1;
	p0 =	seq.s32 s7, s2  }
0x1e: {  	s7 =	smul.u32 @!p0 $0xF7A, s2;
	p2 =	seq.s32 @!p0 s5, $0x0  }
0x1f: {  	s9 =	smul.u32 $0xF7A, s1;
	s8 =	simm.s32 @!p0 $0x1BF5;
	p2 =	por !p2, p0  }
0x20: {  	[sflag:s8] =	ssyncset.s32 @!p0 $0xFFFFF086;
	s6 =	sadd.s32 @!p0 s3, s7;
	s7 =	simm.s32 @!p0 $0x108  }
0x21: {  	s3 =	sadd.s32 s3, s9;
	s6 =	sadd.s32 @!p0 $0x88, s6;
	s7 =	simm.s32 @p2 $0x1082  }
0x22: {  	[simem:s7], [sflag:s8] =	dma.local @!p0 [hbm:s6], $0xF7A  }
0x23: {  	s9 =	sor.u32 $0xD0000000, s2;
	s6 =	simm.s32 $0x108;
	_ =	swait.ge @!p0 [sflag:s8], $0x0  }
0x24: {  	s3 =	sadd.s32 $0x88, s3;
	s6 =	simm.s32 @!p1 $0x1082;
	[sflag:s4] =	ssyncset.s32 $0xFFFFF086  }
0x25: {  	[simem:s6], [sflag:s4] =	dma.local [hbm:s3], $0xF7A  }
0x26: {  	[smem:$0x3F92] =	sst s1;
	(tag) =	ssettag s2;
	_ =	strace s9  }
0x27: {  	s1 =	sld [smem:$0x3FA2]  }
0x28: {  	s2 =	sld [smem:$0x3FA3]  }
0x29: {  	s4 =	sld [smem:$0x3FA5]  }
0x2a: {  	p0 =	seq.s32 s5, $0x0;
	s5 =	sld [smem:$0x3FA6]  }
0x2b: {  	s6 =	sld [smem:$0x3FA7]  }
0x2c: {  	s7 =	sld [smem:$0x3FA8]  }
0x2d: {  	s3 =	simm.s32 $0x108;
	s8 =	sld [smem:$0x3FA9]  }
0x2e: {  	s3 =	simm.s32 @!p0 $0x1082;
	s9 =	sld [smem:$0x3FAA]  }
0x2f: {  	lr =	sadd.s32 s0, s3;
	s0 =	sld [smem:$0x3FA1]  }
0x30: {  	s3 =	sld [smem:$0x3FA4]  }
0x31: {  	[smem:$0x3FAD] =	sst s10  }
0x32: {  	s10 =	sld [smem:$0x3FAB];
	_ =	sdelay $0x3  }
0x33: {  	p0 =	seq.s32 s10, $0x1;
	s10 =	sld [smem:$0x3FAD];
	_ =	sdelay $0x3  }
0x34: {  	[smem:$0x3FAD] =	sst s10  }
0x35: {  	s10 =	sld [smem:$0x3FAC];
	_ =	sdelay $0x3  }
0x36: {  	p1 =	seq.s32 s10, $0x1;
	s10 =	sld [smem:$0x3FAD];
	_ =	sdelay $0x3  }
0x37: {  	[smem:$0x3FAD] =	sst s10  }
0x38: {  	s10 =	sld [smem:$0x3FAE]  }
0x39: {  	_ = 	snop;
	(pc) =	sbr.ind lr, $3  }
0x3a: {  	_ = 	snop  }
0x3b: {  	_ = 	snop  }
0x3c: {  	p2 =	seq.s32 s10, $0x1;
	s10 =	sld [smem:$0x3FAD]  }
0x3d: {  	_ =	shalt  }
0x3e: {  	_ =	shalt  }
0x3f: {  	_ =	shalt  }
0x40: {  	_ =	shalt  }
0x41: {  	_ =	shalt  }
0x42: {  	_ =	shalt  }
0x43: {  	_ =	shalt  }
0x44: {  	_ =	shalt  }
0x45: {  	_ =	shalt  }
0x46: {  	_ =	shalt  }
0x47: {  	_ =	shalt  }
0x48: {  	_ =	shalt  }
0x49: {  	_ =	shalt  }
0x4a: {  	_ =	shalt  }
0x4b: {  	_ =	shalt  }
0x4c: {  	_ =	shalt  }
0x4d: {  	_ =	shalt  }
0x4e: {  	_ =	shalt  }
0x4f: {  	_ =	shalt  }
0x50: {  	_ =	shalt  }
0x51: {  	_ =	shalt  }
0x52: {  	_ =	shalt  }
0x53: {  	_ =	shalt  }
0x54: {  	_ =	shalt  }
0x55: {  	_ =	shalt  }
0x56: {  	_ =	shalt  }
0x57: {  	_ =	shalt  }
0x58: {  	_ =	shalt  }
0x59: {  	_ =	shalt  }
0x5a: {  	_ =	shalt  }
0x5b: {  	_ =	shalt  }
0x5c: {  	_ =	shalt  }
0x5d: {  	_ =	shalt  }
0x5e: {  	_ =	shalt  }
0x5f: {  	_ =	shalt  }
0x60: {  	_ =	shalt  }
0x61: {  	_ =	shalt  }
0x62: {  	_ =	shalt  }
0x63: {  	_ =	shalt  }
0x64: {  	_ =	shalt  }
0x65: {  	_ =	shalt  }
0x66: {  	_ =	shalt  }
0x67: {  	_ =	shalt  }
0x68: {  	_ =	shalt  }
0x69: {  	_ =	shalt  }
0x6a: {  	_ =	shalt  }
0x6b: {  	_ =	shalt  }
0x6c: {  	_ =	shalt  }
0x6d: {  	_ =	shalt  }
0x6e: {  	_ =	shalt  }
0x6f: {  	_ =	shalt  }
0x70: {  	_ =	shalt  }
0x71: {  	_ =	shalt  }
0x72: {  	_ =	shalt  }
0x73: {  	_ =	shalt  }
0x74: {  	_ =	shalt  }
0x75: {  	_ =	shalt  }
0x76: {  	_ =	shalt  }
0x77: {  	_ =	shalt  }
0x78: {  	_ =	shalt  }
0x79: {  	_ =	shalt  }
0x7a: {  	_ =	shalt  }
0x7b: {  	_ =	shalt  }
0x7c: {  	_ =	shalt  }
0x7d: {  	_ =	shalt  }
0x7e: {  	_ =	shalt  }
0x7f: {  	_ =	shalt  }
0x80: {  	_ =	shalt  }
0x81: {  	_ =	shalt  }
0x82: {  	_ =	shalt  }
0x83: {  	_ =	shalt  }
0x84: {  	_ =	shalt  }
0x85: {  	_ =	shalt  }
0x86: {  	_ =	shalt  }
0x87: {  	_ =	shalt  }
.Lfunc_end0:
.L_simem_size_0:
called_computation.2_lowered:
.L_overlay_start_0:
0x88: {  	s2 =	sld [smem:$0x3FD9]  }
0x89: {  	s3 =	sld [smem:$0x3FFE];
	_ =	sdelay $0x1  }
0x8a: {  	s1 =	srdreg.scid  }
0x8b: {  	s0 =	sand.u32 $0x1, s1  }
0x8c: {  	s17 =	sshll.u32 s0, $0xA;
	s2 =	sadd.s32 s3, s2  }
0x8d: {  	s2 =	sadd.s32 s2, s17  }
0x8e: {  	[smem:$0x3FB9] =	sst s2  }
0x8f: {  	_ = 	snop  }
0x90: {  	s2 =	sld [smem:$0x3FD0];
	(tm) =	ssettm $0x1  }
0x91: {  	s18 =	sld [smem:$0x3FFB];
	_ =	sdelay $0x3  }
0x92: {  	_ =	strace s18  }
0x93: {  	s3 =	sld [smem:$0x3FFC];
	_ =	sdelay $0x3  }
0x94: {  	_ =	strace s3  }
0x95: {  	s3 =	sld [smem:$0x3FFD];
	_ =	sdelay $0x3  }
0x96: {  	_ =	strace s3  }
0x97: {  	_ =	strace $0x8FFFFFFF  }
0x98: {  	s19 =	sld [smem:$0x3FDB];
	_ =	sdelay $0x1  }
0x99: {  	s4 =	simm.s32 $_scs_section_size  }
0x9a: {  	s5 =	simm.s32 $_size__tile_overlayer_lowered;
	s6 =	simm.s32 $_tile_overlayer_lowered  }
0x9b: {  	s22 =	simm.s32 $0x1BFF;
	s21 =	sshll.u32 s6, $0x1;
	s3 =	sadd.s32 s4, s19  }
0x9c: {  	s7 =	simm.s32 $0x0;
	s20 =	sshll.u32 s5, $0x1;
	s5 =	sadd.s32 s21, s3  }
0x9d: {  	[timem:s7], [sflag:s22] =	dma.local [hbm:s5], s20  }
0x9e: {  	_ =	swait.ge [sflag:s22], s20  }
0x9f: {  	s4 =	ssub.s32 $0x0, s20;
	[sflag:s22] =	ssyncset.done $0x0  }
0xa0: {  	[sflag:s22] =	ssyncadd.s32 s4;
	_ =	sdelay $0x1  }
0xa1: {  	s23 =	simm.s32 $0x1B8B  }
0xa2: {  	_ =	swait.ge [sflag:s23], $0x1  }
0xa3: {  	[sflag:s23] =	ssyncset.done $0x0  }
0xa4: {  	s25 =	simm.s32 $0x1B8E;
	s24 =	sld [smem:$0x3FFE];
	[sflag:s23] =	ssyncadd.s32 $0xFFFFFFFF  }
0xa5: {  	s26 =	simm.s32 $execute0_lowered;
	[smem:$0x3FD2] =	sst s25  }
0xa6: {  	s5 =	sshll.u32 s26, $0x1;
	_ =	strace $0x8000004C;
	[dreg:$0x1] =	wrdreg $0xFFFFFFFF  }
0xa7: {  	s28 =	simm.s32 $_size_execute0_lowered;
	s3 =	sadd.s32 s3, s5;
	[dreg:$0x0] =	wrdreg $0x0  }
0xa8: {  	s5 =	sshll.u32 s28, $0x1;
	[dreg:$0x2] =	wrdreg s3  }
0xa9: {  	[dreg:$0x3] =	wrdreg s5  }
0xaa: {  	[dreg:$0x4] =	wrdreg $0xC0  }
0xab: {  	_ =	task [dreg:s7], $0x5FFFF  }
0xac: {  	[dreg:$0x1] =	wrdreg $0xFFFFFFFF  }
0xad: {  	[dreg:$0x0] =	wrdreg $0x60  }
0xae: {  	[dreg:$0x2] =	wrdreg s2  }
0xaf: {  	[dreg:$0x3] =	wrdreg s24  }
0xb0: {  	[dreg:$0x4] =	wrdreg $0x0  }
0xb1: {  	[dreg:$0x5] =	wrdreg $0x9  }
0xb2: {  	_ =	task.clear_ibuf [dreg:s7], $0x6FFFF;
	_ =	strace $0x9000004C  }
0xb3: {  	s29 =	simm.s32 $0x9;
	_ =	strace $0x8000004E  }
0xb4: {  	_ =	swait.ge [sflag:s29], $0x1  }
0xb5: {  	[sflag:s29] =	ssyncadd.s32 $0xFFFFFFFF  }
0xb6: {  	_ =	strace $0x9000004E  }
0xb7: {  	_ =	sfence  }
0xb8: {  	s30 =	sld [smem:$0x0];
	_ =	sdelay $0x2  }
0xb9: {  	s31 =	sshll.u32 s1, $0xD;
	s1 =	sshrl.u32 s1, $0x2  }
0xba: {  	s3 =	sand.u32 $0x4000, s31;
	s1 =	sadd.s32 s1, s30  }
0xbb: {  	s0 =	sor.u32 s3, s0;
	s1 =	sshll.u32 s1, $0x11  }
0xbc: {  	s0 =	sor.u32 s1, s0  }
0xbd: {  	s0 =	sadd.s32 $0x8F2B, s0  }
0xbe: {  	[sflag:s0] =	ssyncadd.remote.s32 $0x1  }
0xbf: {  	_ =	sfence.sel $0xFFFF  }
0xc0: {  	[dreg:$0x0] =	wrdreg $0xFFFFFFFF;
	(pc) =	sbr.abs _section_cstart, $3  }
0xc1: {  	[dreg:$0x1] =	wrdreg $0xFFFFFFFF  }
0xc2: {  	_ =	task.clear_ibuf [dreg:s7], $0x2FFFF;
	_ =	strace $0x9FFFFFFF  }
0xc3: {  	(tm) =	ssettm $0x7FFFFFFF  }
tec
execute0_lowered:
.L_overlay_start_1:
0x0: {  	(tag) =	ssettag $0x1  }
0x1: {  	s1 =	rddreg [dreg:$0x0]  }
0x2: {  	s0 =	rddreg [dreg:$0x1]  }
0x3: {  	s3 =	rddreg [dreg:$0x2];
	s4 =	simm.s32 $0x0  }
0x4: {  	s2 =	stileid.u32;
	s8 =	srdreg.scid;
	s21 =	simm.s32 $0x19800  }
0x5: {  	s22 =	simm.s32 $0x2;
	s23 =	simm.s32 $0x13C00;
	s6 =	smul.u32 $0x4EC, s2  }
0x6: {  	s25 =	simm.s32 $0x60;
	s28 =	simm.s32 $0x19780;
	s7 =	smul.u32 $0x690, s2  }
0x7: {  	s29 =	simm.s32 $0x0;
	[smem:$0x7FF] =	sst s4;
	s26 =	smul.u32 $0x4F000, s2  }
0x8: {  	s5 =	sadd.s32 $0xCC00, s0;
	s15 =	sand.u32 $0x1, s8;
	s30 =	smul.u32 $0x2780, s2  }
0x9: {  	s18 =	sadd.s32 $0x85080, s0;
	s19 =	sadd.s32 $0x5DE80, s0;
	p1 =	seq.s32 s2, $0xF  }
0xa: {  	_ =	strace $0x8000004D;
	s9 =	ssub.s32 $0x2, s15;
	[dreg:$0x5] =	wrdreg s18  }
0xb: {  	p0 =	sne.s32 s15, $0x0;
	s13 =	sadd.s32 s6, s0;
	s14 =	sadd.s32 s7, s0  }
0xc: {  	s31 =	sshrl.u32 s9, $0x1;
	s8 =	sshrl.u32 s26, $0x2;
	s17 =	sadd.s32 s30, s0  }
0xd: {  	s26 =	simm.s32 $0x1;
	s20 =	ssub.s32 s9, s31;
	s6 =	sadd.s32 s8, s3  }
.Ltmp0:
0xe: {  	s13 =	sadd.s32 $0x33E00, s13;
	s14 =	sadd.s32 $0x6200, s14;
	(pc) =	sbr.rel .LBB2_1-.Ltmp0, $4  }
0xf: {  	s16 =	sadd.s32 $0x60000, s17;
	s17 =	sadd.s32 $0x38E00, s17;
	s7 =	sadd.s32 $0x3000, s6  }
0x10: {  	s8 =	sadd.s32 $0x6000, s6;
	s9 =	sadd.s32 $0x9000, s6;
	s10 =	sadd.s32 $0xC000, s6  }
0x11: {  	s11 =	sadd.s32 $0xF000, s6;
	s12 =	sadd.s32 $0x12000, s6;
	[dreg:$0x4] =	wrdreg s16  }
0x12: {  	v0 =	vimm.f32 $0.0e+00;
	s16 =	sadd.s32 $0x128400, s3;
	[dreg:$0x6] =	wrdreg s17;
	s20 =	smax.u32 s20, $0x1  }
.LBB2_9:
0x13: {  	[sflag:s22] =	ssyncadd.s32 $0xFFFFD000  }
0x14: {  	_ =	swait.ge [sflag:s26], $0x3000  }
0x15: {  	[sflag:s26] =	ssyncset.done $0x0  }
0x16: {  	[sflag:s26] =	ssyncadd.s32 $0xFFFFD000  }
0x17: {  	[spmem:s3] =	stream.indirect.scatter.add.f32 [tilespmem:s21], [sflag:$0x2], $0x80, s28, s25, $0xb8;
	[tilespmem:$0x1F800] =	vst v63  }
0x18: {  	_ =	swait.ge [sflag:s22], $0x3000  }
0x19: {  	[sflag:s22] =	ssyncset.done $0x0  }
0x1a: {  	[sflag:s22] =	ssyncadd.s32 $0xFFFFD000  }
0x1b: {  	[bflag:$0x0] =	sbarrier.arrive $0xFFFF  }
0x1c: {  	s15 =	simm.s32 @p1 $0x1FC2;
	s17 =	rddreg [dreg:$0x5]  }
0x1d: {  	[hbm:s17], [sflag:s15] =	dma.local @p1 [spmem:s0], $0x2080  }
0x1e: {  	s0 =	simm.s32 @p1 $0x2  }
0x1f: {  	_ =	swait.ge @p1 [sflag:s0], $0x2080  }
0x20: {  	[sflag:s0] =	ssyncset.done @p1 $0x0  }
0x21: {  	[sflag:s0] =	ssyncadd.s32 @p1 $0xFFFFDF80;
	s0 =	rddreg [dreg:$0x4]  }
0x22: {  	[hbm:s0], [sflag:s31] =	dma.local @!p1 [spmem:s30], $0x2780  }
0x23: {  	s0 =	simm.s32 @!p1 $0x2  }
0x24: {  	_ =	swait.ge @!p1 [sflag:s0], $0x2780  }
0x25: {  	[sflag:s0] =	ssyncset.done @!p1 $0x0  }
0x26: {  	[sflag:s0] =	ssyncadd.s32 @!p1 $0xFFFFD880  }
.LBB2_10:
0x27: {  	s29 =	sadd.s32 $0x1, s29  }
0x28: {  	p2 =	sne.s32 s29, s20  }
.Ltmp1:
0x29: {  	_ = 	snop;
	(pc) =	sbr.rel @!p2 .LBB2_11-.Ltmp1, $1  }
0x2a: {  	_ =	sdelay $0x3  }
.LBB2_1:
0x2b: {  	s0 =	sand.u32 $0xFE00, s4  }
0x2c: {  	s15 =	sand.u32 $0x70, s4;
	s17 =	sshrl.u32 s0, $0x2  }
0x2d: {  	s0 =	simm.s32 $0x40;
	s17 =	sor.u32 s15, s17;
	s15 =	simm.s32 $0x0  }
.LBB2_2:
0x2e: {  	p2 =	sne.s32 s0, $0xBFC0  }
0x2f: {  	[tilespmem:s17+$0x19800] =	vst v0;
	s15 =	sadd.s32 $0x10, s15;
	s17 =	smov.u32 s0;
	s0 =	sadd.s32 $0x40, s0  }
.Ltmp2:
0x30: {  	(pc) =	sbr.rel @p2 .LBB2_2-.Ltmp2, $4  }
0x31: {  	_ = 	snop  }
0x32: {  	s17 =	sand.u32 $0xFE00, s17  }
0x33: {  	s24 =	sand.u32 $0x70, s15;
	s17 =	sshrl.u32 s17, $0x2  }
0x34: {  	s17 =	sor.u32 s24, s17  }
0x35: {  	[tilespmem:s17+$0x19800] =	vst v0  }
0x36: {  	[spmem:s6] =	stream.linear.scatter [tilespmem:s21], [sflag:$0x2], $0x3000, $0x38;
	[tilespmem:$0x1F800] =	vst v63  }
0x37: {  	_ =	swait.ge [sflag:s22], $0x3000  }
0x38: {  	[sflag:s22] =	ssyncset.done $0x0  }
0x39: {  	[sflag:s22] =	ssyncadd.s32 $0xFFFFD000  }
0x3a: {  	[spmem:s7] =	stream.linear.scatter [tilespmem:s21], [sflag:$0x2], $0x3000, $0x38;
	[tilespmem:$0x1F800] =	vst v63  }
0x3b: {  	_ =	swait.ge [sflag:s22], $0x3000  }
0x3c: {  	[sflag:s22] =	ssyncset.done $0x0  }
0x3d: {  	[sflag:s22] =	ssyncadd.s32 $0xFFFFD000  }
0x3e: {  	[spmem:s8] =	stream.linear.scatter [tilespmem:s21], [sflag:$0x2], $0x3000, $0x38;
	[tilespmem:$0x1F800] =	vst v63  }
0x3f: {  	_ =	swait.ge [sflag:s22], $0x3000  }
0x40: {  	[sflag:s22] =	ssyncset.done $0x0  }
0x41: {  	[sflag:s22] =	ssyncadd.s32 $0xFFFFD000  }
0x42: {  	[spmem:s9] =	stream.linear.scatter [tilespmem:s21], [sflag:$0x2], $0x3000, $0x38;
	[tilespmem:$0x1F800] =	vst v63  }
0x43: {  	_ =	swait.ge [sflag:s22], $0x3000  }
0x44: {  	[sflag:s22] =	ssyncset.done $0x0  }
0x45: {  	[sflag:s22] =	ssyncadd.s32 $0xFFFFD000  }
0x46: {  	[spmem:s10] =	stream.linear.scatter [tilespmem:s21], [sflag:$0x2], $0x3000, $0x38;
	[tilespmem:$0x1F800] =	vst v63  }
0x47: {  	_ =	swait.ge [sflag:s22], $0x3000  }
0x48: {  	[sflag:s22] =	ssyncset.done $0x0  }
0x49: {  	[sflag:s22] =	ssyncadd.s32 $0xFFFFD000  }
0x4a: {  	[spmem:s11] =	stream.linear.scatter [tilespmem:s21], [sflag:$0x2], $0x3000, $0x38;
	[tilespmem:$0x1F800] =	vst v63  }
0x4b: {  	_ =	swait.ge [sflag:s22], $0x3000  }
0x4c: {  	[sflag:s22] =	ssyncset.done $0x0  }
0x4d: {  	[sflag:s22] =	ssyncadd.s32 $0xFFFFD000  }
0x4e: {  	[spmem:s12] =	stream.linear.scatter [tilespmem:s21], [sflag:$0x2], $0x1C00, $0x38;
	[tilespmem:$0x1F800] =	vst v63  }
0x4f: {  	_ =	swait.ge [sflag:s22], $0x1C00  }
0x50: {  	[sflag:s22] =	ssyncset.done $0x0  }
0x51: {  	[sflag:s22] =	ssyncadd.s32 $0xFFFFE400  }
0x52: {  	[bflag:$0x0] =	sbarrier.arrive $0xFFFF  }
0x53: {  	[tilespmem:s23], [sflag:$0x2] =	stream.linear.gather [hbm4b:s13+s4], $0x2760, $0x38;
	[tilespmem:$0x1F800] =	vst v63  }
0x54: {  	_ =	swait.ge [sflag:s22], $0x2760  }
0x55: {  	[sflag:s22] =	ssyncset.done $0x0  }
.Ltmp3:
0x56: {  	s0 =	simm.s32 $0x16380;
	[sflag:s22] =	ssyncadd.s32 $0xFFFFD8A0;
	(pc) =	sbr.rel @p0 .LBB2_7-.Ltmp3, $4  }
0x57: {  	[tilespmem:s0], [sflag:$0x2] =	stream.linear.gather [hbm4b:s14+s4], $0x3480, $0x38;
	[tilespmem:$0x1F800] =	vst v63  }
0x58: {  	_ =	swait.ge [sflag:s22], $0x3480  }
0x59: {  	s15 =	sshll.u32 @!p1 s2, $0x6;
	s30 =	sshrl.u32 @!p1 s6, $0x3;
	[sflag:s22] =	ssyncset.done $0x0  }
0x5a: {  	s31 =	sor.u32 @!p1 $0x1C02, s15;
	s0 =	sshrl.u32 @p1 s16, $0x3;
	[sflag:s22] =	ssyncadd.s32 $0xFFFFCB80  }
0x5b: {  	[tilespmem:s21], [sflag:$0x1] =	stream.indirect.gather [hbm4b:s1+s25], $0x80, s23, s25, $0xb8;
	[tilespmem:$0x1F800] =	vst v63  }
0x5c: {  	s15 =	simm.s32 $0x1  }
0x5d: {  	s17 =	simm.s32 $0x1C800;
	s15 =	sand.u32 $0x1, s15;
	_ =	swait.ge [sflag:s26], $0x3000  }
0x5e: {  	s24 =	simm.s32 $0x19800;
	p2 =	seq.s32 s15, $0x1;
	[sflag:s26] =	ssyncset.done $0x0  }
0x5f: {  	s15 =	simm.s32 $0x13C60;
	[sflag:s26] =	ssyncadd.s32 $0xFFFFD000;
	s17 =	simm.s32 @!p2 $0x19800  }
0x60: {  	[tilespmem:s17], [sflag:$0x1] =	stream.indirect.gather [hbm4b:s1+s25], $0x80, s15, s25, $0xb8;
	[tilespmem:$0x1F800] =	vst v63  }
0x61: {  	s24 =	simm.s32 @!p2 $0x1C800;
	s17 =	simm.s32 $0x16380  }
0x62: {  	[spmem:s3] =	stream.indirect.scatter.add.f32 [tilespmem:s24], [sflag:$0x2], $0x80, s17, s25, $0xb8;
	[tilespmem:$0x1F800] =	vst v63  }
0x63: {  	_ =	swait.ge [sflag:s22], $0x3000  }
0x64: {  	s24 =	simm.s32 $0x2;
	[sflag:s22] =	ssyncset.done $0x0  }
.LBB2_5:
0x65: {  	[sflag:s22] =	ssyncadd.s32 $0xFFFFD000;
	s17 =	sadd.s32 $0x80, s17;
	s15 =	sadd.s32 $0x60, s15  }
0x66: {  	p2 =	sne.s32 s24, $0x68;
	s18 =	smov.u32 s24;
	s24 =	sadd.s32 $0x1, s24  }
0x67: {  	s18 =	sand.u32 $0x1, s18;
	_ =	swait.ge [sflag:s26], $0x3000  }
0x68: {  	p3 =	seq.s32 s18, $0x1;
	s18 =	simm.s32 $0x1C800;
	[sflag:s26] =	ssyncset.done $0x0  }
0x69: {  	s18 =	simm.s32 @!p3 $0x19800;
	[sflag:s26] =	ssyncadd.s32 $0xFFFFD000  }
0x6a: {  	[tilespmem:s18], [sflag:$0x1] =	stream.indirect.gather [hbm4b:s1+s25], $0x80, s15, s25, $0xb8;
	[tilespmem:$0x1F800] =	vst v63  }
.Ltmp4:
0x6b: {  	s18 =	simm.s32 $0x19800;
	(pc) =	sbr.rel @p2 .LBB2_5-.Ltmp4, $4  }
0x6c: {  	s18 =	simm.s32 @!p3 $0x1C800  }
0x6d: {  	[spmem:s3] =	stream.indirect.scatter.add.f32 [tilespmem:s18], [sflag:$0x2], $0x80, s17, s25, $0xb8;
	[tilespmem:$0x1F800] =	vst v63  }
0x6e: {  	_ =	swait.ge [sflag:s22], $0x3000  }
0x6f: {  	[sflag:s22] =	ssyncset.done $0x0  }
0x70: {  	[sflag:s22] =	ssyncadd.s32 $0xFFFFD000  }
0x71: {  	_ =	swait.ge [sflag:s26], $0x3000  }
0x72: {  	[sflag:s26] =	ssyncset.done $0x0  }
0x73: {  	[sflag:s26] =	ssyncadd.s32 $0xFFFFD000  }
0x74: {  	[spmem:s3] =	stream.indirect.scatter.add.f32 [tilespmem:s21], [sflag:$0x2], $0x80, s28, s25, $0xb8;
	[tilespmem:$0x1F800] =	vst v63  }
0x75: {  	_ =	swait.ge [sflag:s22], $0x3000  }
0x76: {  	[sflag:s22] =	ssyncset.done $0x0  }
0x77: {  	[sflag:s22] =	ssyncadd.s32 $0xFFFFD000  }
0x78: {  	s15 =	simm.s32 @p1 $0x1FC2;
	[bflag:$0x0] =	sbarrier.arrive $0xFFFF  }
0x79: {  	[hbm:s19], [sflag:s15] =	dma.local @p1 [spmem:s0], $0x2080  }
0x7a: {  	s0 =	simm.s32 @p1 $0x2  }
0x7b: {  	_ =	swait.ge @p1 [sflag:s0], $0x2080  }
0x7c: {  	[sflag:s0] =	ssyncset.done @p1 $0x0  }
0x7d: {  	[sflag:s0] =	ssyncadd.s32 @p1 $0xFFFFDF80;
	s0 =	rddreg [dreg:$0x6]  }
0x7e: {  	[hbm:s0], [sflag:s31] =	dma.local @!p1 [spmem:s30], $0x2780  }
.Ltmp5:
0x7f: {  	_ = 	snop;
	(pc) =	sbr.rel .LBB2_10-.Ltmp5, $4  }
0x80: {  	s0 =	simm.s32 @!p1 $0x2  }
0x81: {  	_ =	swait.ge @!p1 [sflag:s0], $0x2780  }
0x82: {  	[sflag:s0] =	ssyncset.done @!p1 $0x0  }
0x83: {  	[sflag:s0] =	ssyncadd.s32 @!p1 $0xFFFFD880  }
.LBB2_7:
0x84: {  	[tilespmem:s21], [sflag:$0x1] =	stream.indirect.gather [hbm4b:s5+s25], $0x80, s23, s25, $0xb8;
	[tilespmem:$0x1F800] =	vst v63  }
0x85: {  	s15 =	simm.s32 $0x1  }
0x86: {  	s17 =	simm.s32 $0x1C800;
	s15 =	sand.u32 $0x1, s15;
	_ =	swait.ge [sflag:s26], $0x3000  }
0x87: {  	s18 =	simm.s32 $0x19800;
	p2 =	seq.s32 s15, $0x1;
	[sflag:s26] =	ssyncset.done $0x0  }
0x88: {  	s15 =	simm.s32 $0x13C60;
	[sflag:s26] =	ssyncadd.s32 $0xFFFFD000;
	s17 =	simm.s32 @!p2 $0x19800  }
0x89: {  	[tilespmem:s17], [sflag:$0x1] =	stream.indirect.gather [hbm4b:s5+s25], $0x80, s15, s25, $0xb8;
	[tilespmem:$0x1F800] =	vst v63  }
0x8a: {  	s18 =	simm.s32 @!p2 $0x1C800;
	s17 =	simm.s32 $0x16380  }
0x8b: {  	[spmem:s3] =	stream.indirect.scatter.add.f32 [tilespmem:s18], [sflag:$0x2], $0x80, s17, s25, $0xb8;
	[tilespmem:$0x1F800] =	vst v63  }
0x8c: {  	_ =	swait.ge [sflag:s22], $0x3000  }
0x8d: {  	s24 =	simm.s32 $0x2;
	[sflag:s22] =	ssyncset.done $0x0  }
.LBB2_8:
0x8e: {  	[sflag:s22] =	ssyncadd.s32 $0xFFFFD000;
	s17 =	sadd.s32 $0x80, s17;
	s15 =	sadd.s32 $0x60, s15  }
0x8f: {  	p2 =	sne.s32 s24, $0x68;
	s18 =	smov.u32 s24;
	s24 =	sadd.s32 $0x1, s24  }
0x90: {  	s18 =	sand.u32 $0x1, s18;
	_ =	swait.ge [sflag:s26], $0x3000  }
0x91: {  	p3 =	seq.s32 s18, $0x1;
	s18 =	simm.s32 $0x1C800;
	[sflag:s26] =	ssyncset.done $0x0  }
0x92: {  	s18 =	simm.s32 @!p3 $0x19800;
	[sflag:s26] =	ssyncadd.s32 $0xFFFFD000  }
0x93: {  	[tilespmem:s18], [sflag:$0x1] =	stream.indirect.gather [hbm4b:s5+s25], $0x80, s15, s25, $0xb8;
	[tilespmem:$0x1F800] =	vst v63  }
.Ltmp6:
0x94: {  	s18 =	simm.s32 $0x19800;
	(pc) =	sbr.rel @p2 .LBB2_8-.Ltmp6, $4  }
0x95: {  	s18 =	simm.s32 @!p3 $0x1C800  }
0x96: {  	[spmem:s3] =	stream.indirect.scatter.add.f32 [tilespmem:s18], [sflag:$0x2], $0x80, s17, s25, $0xb8;
	[tilespmem:$0x1F800] =	vst v63  }
0x97: {  	_ =	swait.ge [sflag:s22], $0x3000  }
0x98: {  	[sflag:s22] =	ssyncset.done $0x0  }
.Ltmp7:
0x99: {  	_ = 	snop;
	(pc) =	sbr.rel .LBB2_9-.Ltmp7, $1  }
0x9a: {  	_ =	sdelay $0x3  }
.LBB2_11:
0x9b: {  	_ =	sfence.sel $0x180000  }
0x9c: {  	[bflag:$0x0] =	sbarrier.arrive $0xFFFF  }
0x9d: {  	_ =	strace $0x9000004D  }
0x9e: {  	[bflag:$0x2] =	sbarrier.arrive $0xFFFF  }
0x9f: {  	p0 =	sne.s32 s2, $0x0;
	s0 =	rddreg [dreg:$0x3]  }
0xa0: {  	s0 =	sadd.s32 @!p0 $0x100000, s0  }
0xa1: {  	[sflag:s0] =	ssyncadd.tile.s32 @!p0 $0x1;
	_ =	shalt  }
.Lfunc_end2:
_tile_overlayer_lowered:
.L_overlay_start_2:
0xa2: {  	(tag) =	ssettag $0x2  }
0xa3: {  	s0 =	rddreg [dreg:$0x0];
	s2 =	stileid.u32  }
0xa4: {  	s1 =	rddreg [dreg:$0x1];
	p0 =	sne.s32 s2, $0x0  }
0xa5: {  	s3 =	rddreg [dreg:$0x2];
	[bflag:$0x3] =	sbarrier.arrive $0xFFFF;
	s2 =	simm.s32 @!p0 $0x1C02  }
0xa6: {  	[timem:s3], [sflag:s2] =	dma.local @!p0 [hbm:s0], s1  }
0xa7: {  	s0 =	simm.s32 @!p0 $0x2  }
0xa8: {  	_ =	swait.ge @!p0 [sflag:s0], s1  }
0xa9: {  	s1 =	ssub.s32 @!p0 $0x0, s1;
	[sflag:s0] =	ssyncset.done @!p0 $0x0  }
0xaa: {  	[sflag:s0] =	ssyncadd.s32 @!p0 s1  }
0xab: {  	[bflag:$0x3] =	sbarrier.arrive $0xFFFF  }
0xac: {  	_ =	shalt  }

</sc_bundles>
